<compile_context>
chip_gen: v7x
topology: tpu7x:2x2x1
jax: 0.10.2.dev20260603
libtpu: 0.0.44.dev20260713+nightly
codegen_flags: <defaults>
</compile_context>

<pallas_src>
import jax
import jax.numpy as jnp
from jax import lax
from jax.experimental import pallas as pl
from jax.experimental.pallas import tpu as pltpu
from jax.experimental.pallas import tpu_sc as plsc

NUM_CLASSES = 80
K = 300
OUTP = 320
B = 32
Q = 20000
N = Q * NUM_CLASSES
Q4 = Q * 4
DEPTH = 256
CAPT = DEPTH * 16
W = 4000
NWIN = N // W
UNR = 10
T0 = 3.45
NEG = -3.0e38
IMAX = 2**31 - 1


def _sc_body(logits, boxes, scale, lab_o, sco_o, x0_o, y0_o, x1_o, y1_o,
             win, cv, ci, ccv, cci, cr, boxr, sclv, tmpv,
             olab, osco, ox0, oy0, ox1, oy1, dmasem):
    row = lax.axis_index("s") * 2 + lax.axis_index("c")
    rowN = row * N

    pltpu.sync_copy(boxes.at[pl.ds(row * Q4, Q4)], boxr)
    pltpu.sync_copy(scale.at[pl.ds(row * 32, 32)], sclv)

    iota = lax.iota(jnp.int32, 16)
    one_v = jnp.ones((16,), jnp.int32)
    zero_v = jnp.zeros((16,), jnp.int32)

    def lane_sum(x):
        cur = x
        for sh in (1, 2, 4, 8):
            tmpv[pl.ds(0, 16)] = cur
            g = plsc.load_gather(tmpv, [iota ^ sh])
            cur = cur + g
        return cur

    def lane_max(x):
        cur = x
        for sh in (1, 2, 4, 8):
            tmpv[pl.ds(0, 16)] = cur
            g = plsc.load_gather(tmpv, [iota ^ sh])
            cur = jnp.maximum(cur, g)
        return cur

    def lane_exclusive_prefix(x):
        cur = x
        for sh in (1, 2, 4, 8):
            tmpv[pl.ds(0, 16)] = cur
            g = plsc.load_gather(tmpv, [jnp.maximum(iota - sh, 0)])
            cur = cur + jnp.where(iota >= sh, g, zero_v)
        return cur - x

    dmax32 = jnp.full((16,), (DEPTH - 1) * 32, jnp.int32)
    i80 = iota * NUM_CLASSES
    iotaB = iota + 16
    step32 = jnp.full((16,), 32, jnp.int32)

    def extract(t):
        tv = jnp.full((16,), t, jnp.float32)
        VPW = W // 16

        def issue(w, buf):
            return pltpu.async_copy(
                logits.at[pl.ds(rowN + w * W, W)],
                win.at[pl.ds(buf * W, W)], dmasem)

        issue(0, 0)

        def wbody(w, st):
            pA, pB, q0, cc, ib = st
            cur = lax.rem(w, 2)
            pltpu.make_async_copy(
                logits.at[pl.ds(rowN + w * W, W)],
                win.at[pl.ds(cur * W, W)], dmasem).wait()

            @pl.when(w + 1 < NWIN)
            def _():
                issue(w + 1, 1 - cur)

            wbase = cur * W

            def vbody(k, st):
                pA, pB = st
                base = wbase + k * (UNR * 16)
                kb = jnp.full((16,), ib + k * (UNR * 16 * NUM_CLASSES),
                              jnp.int32) + i80
                vs = [win[pl.ds(base + j * 16, 16)] for j in range(UNR)]
                ms = [v > tv for v in vs]
                tgts = []
                for j in range(UNR):
                    if j % 2 == 0:
                        tgts.append(jnp.minimum(pA, dmax32) + iota)
                        pA = pA + jnp.where(ms[j], step32, zero_v)
                    else:
                        tgts.append(jnp.minimum(pB, dmax32) + iotaB)
                        pB = pB + jnp.where(ms[j], step32, zero_v)
                for j in range(UNR):
                    plsc.store_scatter(cv, [tgts[j]], vs[j], mask=ms[j])
                    plsc.store_scatter(ci, [tgts[j]],
                                       kb + (j * 16 * NUM_CLASSES),
                                       mask=ms[j])
                return (pA, pB)

            pA, pB = lax.fori_loop(0, VPW // UNR, vbody, (pA, pB))
            q0n = q0 + W
            wrap = q0n == Q
            q0 = jnp.where(wrap, 0, q0n)
            ib = jnp.where(wrap, cc + 1, ib + W * NUM_CLASSES)
            cc = cc + wrap.astype(jnp.int32)
            return (pA, pB, q0, cc, ib)

        st = lax.fori_loop(0, NWIN, wbody,
                           (zero_v, zero_v, jnp.int32(0), jnp.int32(0),
                            jnp.int32(0)))
        return st[0] >> 5, st[1] >> 5

    def stats(pA, pB):
        total = lane_sum(pA + pB)[0]
        maxl = lane_max(jnp.maximum(pA, pB))[0]
        return total, maxl

    pA0, pB0 = extract(jnp.float32(T0))
    tot0, max0 = stats(pA0, pB0)

    def f2key(f):
        bits = lax.bitcast_convert_type(f, jnp.uint32)
        return jnp.where((bits >> jnp.uint32(31)) == jnp.uint32(0),
                         bits ^ jnp.uint32(0x80000000), ~bits)

    def key2f(kk):
        bits = jnp.where(kk >= jnp.uint32(0x80000000),
                         kk ^ jnp.uint32(0x80000000), ~kk)
        return lax.bitcast_convert_type(bits, jnp.float32)

    def invalid(total, maxl):
        return (total < K) | (total > CAPT) | (maxl > DEPTH)

    t0k = f2key(jnp.float32(T0))
    too_many0 = (tot0 > CAPT) | (max0 > DEPTH)
    lo0 = jnp.where(too_many0, t0k, jnp.uint32(0))
    hi0 = jnp.where(tot0 < K, t0k, jnp.uint32(0xFFFFFFFF))

    def cond(st):
        _, _, _, _, total, maxl, it = st
        return invalid(total, maxl) & (it < jnp.int32(40))

    def bod(st):
        lo, hi, _, _, _, _, it = st
        mid = lo + (hi - lo) // jnp.uint32(2)
        pA, pB = extract(key2f(mid))
        total, maxl = stats(pA, pB)
        too_many = (total > CAPT) | (maxl > DEPTH)
        lo2 = jnp.where(too_many, mid, lo)
        hi2 = jnp.where(total < K, mid, hi)
        return (lo2, hi2, pA, pB, total, maxl, it + 1)

    _, _, pA, pB, total, maxl, _ = lax.while_loop(
        cond, bod, (lo0, hi0, pA0, pB0, tot0, max0, jnp.int32(0)))

    neg_v = jnp.full((16,), NEG, jnp.float32)
    imax_v = jnp.full((16,), IMAX, jnp.int32)

    def cfill(i, _):
        ccv[pl.ds(i * 16, 16)] = neg_v
        cci[pl.ds(i * 16, 16)] = imax_v
        return 0

    lax.fori_loop(0, CAPT // 16, cfill, 0)

    totA = lane_sum(pA)
    base_a = lane_exclusive_prefix(pA)
    base_b = lane_exclusive_prefix(pB) + totA
    cap_v = jnp.full((16,), CAPT - 1, jnp.int32)
    maxd = jnp.minimum(maxl, jnp.int32(DEPTH))

    def cbody(d, _):
        vals = cv[pl.ds(d * 32, 16)]
        idxs = ci[pl.ds(d * 32, 16)]
        mk2 = pA > d
        tgt = jnp.minimum(base_a + d, cap_v)
        plsc.store_scatter(ccv, [tgt], vals, mask=mk2)
        plsc.store_scatter(cci, [tgt], idxs, mask=mk2)
        valsb = cv[pl.ds(d * 32 + 16, 16)]
        idxsb = ci[pl.ds(d * 32 + 16, 16)]
        mk3 = pB > d
        tgtb = jnp.minimum(base_b + d, cap_v)
        plsc.store_scatter(ccv, [tgtb], valsb, mask=mk3)
        plsc.store_scatter(cci, [tgtb], idxsb, mask=mk3)
        return 0

    lax.fori_loop(0, maxd, cbody, 0)

    cnt = jnp.minimum(total, jnp.int32(CAPT))
    nb = (cnt + 15) // 16

    rots = [(iota + r) % 16 for r in range(16)]

    def rbody(bi, _):
        b16 = bi * 16
        vt = ccv[pl.ds(b16, 16)]
        it_ = cci[pl.ds(b16, 16)]

        def inner(bs, acc):
            s16 = bs * 16
            for r in range(16):
                idxv = s16 + rots[r]
                vsr = plsc.load_gather(ccv, [idxv])
                isr = plsc.load_gather(cci, [idxv])
                c = (vsr > vt) | ((vsr == vt) & (isr < it_))
                acc = acc + jnp.where(c, one_v, zero_v)
            return acc

        acc = lax.fori_loop(0, nb, inner, zero_v)
        cr[pl.ds(b16, 16)] = acc
        return 0

    lax.fori_loop(0, nb, rbody, 0)

    kv = jnp.full((16,), K, jnp.int32)
    swv = sclv[pl.ds(0, 16)]
    shv = sclv[pl.ds(16, 16)]
    rcpC = jnp.float32(1.0 / NUM_CLASSES)

    def obody(b, _):
        vb = ccv[pl.ds(b * 16, 16)]
        ib = cci[pl.ds(b * 16, 16)]
        rb = cr[pl.ds(b * 16, 16)]
        msk = rb < kv
        rbc = jnp.where(msk, rb, kv)
        s = 1.0 / (1.0 + jnp.exp(-vb))
        q = ((ib.astype(jnp.float32) + 0.5) * rcpC).astype(jnp.int32)
        labv = ib - q * NUM_CLASSES
        plsc.store_scatter(osco, [rbc], s, mask=msk)
        plsc.store_scatter(olab, [rbc], labv, mask=msk)
        q_ = jnp.where(msk, q, zero_v)
        cx = plsc.load_gather(boxr, [q_])
        cy = plsc.load_gather(boxr, [q_ + Q])
        wv = plsc.load_gather(boxr, [q_ + 2 * Q])
        hv = plsc.load_gather(boxr, [q_ + 3 * Q])
        plsc.store_scatter(ox0, [rbc], (cx - 0.5 * wv) * swv, mask=msk)
        plsc.store_scatter(oy0, [rbc], (cy - 0.5 * hv) * shv, mask=msk)
        plsc.store_scatter(ox1, [rbc], (cx + 0.5 * wv) * swv, mask=msk)
        plsc.store_scatter(oy1, [rbc], (cy + 0.5 * hv) * shv, mask=msk)
        return 0

    lax.fori_loop(0, nb, obody, 0)

    pltpu.sync_copy(olab, lab_o.at[pl.ds(row * OUTP, OUTP)])
    pltpu.sync_copy(osco, sco_o.at[pl.ds(row * OUTP, OUTP)])
    pltpu.sync_copy(ox0, x0_o.at[pl.ds(row * OUTP, OUTP)])
    pltpu.sync_copy(oy0, y0_o.at[pl.ds(row * OUTP, OUTP)])
    pltpu.sync_copy(ox1, x1_o.at[pl.ds(row * OUTP, OUTP)])
    pltpu.sync_copy(oy1, y1_o.at[pl.ds(row * OUTP, OUTP)])


_mesh = plsc.VectorSubcoreMesh(core_axis_name="c", subcore_axis_name="s",
                               num_cores=2, num_subcores=16)

_f32 = jnp.float32
_i32 = jnp.int32

_sc_call = pl.kernel(
    _sc_body,
    out_type=(
        jax.ShapeDtypeStruct((B * OUTP,), _i32),
        jax.ShapeDtypeStruct((B * OUTP,), _f32),
        jax.ShapeDtypeStruct((B * OUTP,), _f32),
        jax.ShapeDtypeStruct((B * OUTP,), _f32),
        jax.ShapeDtypeStruct((B * OUTP,), _f32),
        jax.ShapeDtypeStruct((B * OUTP,), _f32),
    ),
    mesh=_mesh,
    compiler_params=pltpu.CompilerParams(needs_layout_passes=False),
    scratch_types=[
        pltpu.VMEM((2 * W,), _f32),
        pltpu.VMEM((2 * CAPT,), _f32),
        pltpu.VMEM((2 * CAPT,), _i32),
        pltpu.VMEM((CAPT,), _f32),
        pltpu.VMEM((CAPT,), _i32),
        pltpu.VMEM((CAPT,), _i32),
        pltpu.VMEM((Q4,), _f32),
        pltpu.VMEM((32,), _f32),
        pltpu.VMEM((16,), _i32),
        pltpu.VMEM((OUTP,), _i32),
        pltpu.VMEM((OUTP,), _f32),
        pltpu.VMEM((OUTP,), _f32),
        pltpu.VMEM((OUTP,), _f32),
        pltpu.VMEM((OUTP,), _f32),
        pltpu.VMEM((OUTP,), _f32),
        pltpu.SemaphoreType.DMA,
    ],
)


def kernel(pred_logits, pred_boxes, model_input_sizes):
    logits = pred_logits.transpose(0, 2, 1).reshape(-1)
    boxesf = pred_boxes.transpose(0, 2, 1).reshape(-1)
    msf = model_input_sizes.astype(jnp.float32)
    scale32 = jnp.concatenate(
        [jnp.broadcast_to(msf[:, :1], (B, 16)),
         jnp.broadcast_to(msf[:, 1:2], (B, 16))], axis=1).reshape(-1)
    lab, sco, x0, y0, x1, y1 = _sc_call(logits, boxesf, scale32)
    lab = lab.reshape(B, OUTP)[:, :K]
    sco = sco.reshape(B, OUTP)[:, :K]
    boxes = jnp.stack(
        [x0.reshape(B, OUTP)[:, :K], y0.reshape(B, OUTP)[:, :K],
         x1.reshape(B, OUTP)[:, :K], y1.reshape(B, OUTP)[:, :K]], axis=-1)
    return lab, boxes, sco

# --- scband reference (transcript-rebuilt; emitter-appended) ---
"""Pipeline reference for scband-rtdetrpost-processor-23914377904890 (READ-ONLY COPY).

The authoritative reference and input builder live on the scoring server;
editing this copy changes nothing except your own understanding.
"""

import jax, jax.numpy as jnp
import numpy as np

NUM_CLASSES = 80
NUM_TOP_QUERIES = 300

def setup_inputs(seed: int = 0) -> dict:
    key = jax.random.key(seed)
    k1, k2, k3 = jax.random.split(key, 3)
    pred_logits = jax.random.normal(k1, (32, 20000, 80), dtype=jnp.float32)
    pred_boxes = jax.random.uniform(k2, (32, 20000, 4), dtype=jnp.float32)
    model_input_sizes = jax.random.randint(k3, (32, 2), 0, 1024).astype(jnp.int32)
    return {"pred_logits": pred_logits, "pred_boxes": pred_boxes, "model_input_sizes": model_input_sizes}

def _box_cxcywh_to_xyxy(boxes):
    cx, cy, w, h = boxes[..., 0], boxes[..., 1], boxes[..., 2], boxes[..., 3]
    return jnp.stack([cx - 0.5 * w, cy - 0.5 * h, cx + 0.5 * w, cy + 0.5 * h], axis=-1)

def reference(pred_logits, pred_boxes, model_input_sizes):
    # boxes are 4-dim (cx, cy, w, h) -> xyxy, scaled by model_input_sizes.repeat(1, 2).unsqueeze(1)
    bbox_pred = _box_cxcywh_to_xyxy(pred_boxes)
    scale = jnp.tile(model_input_sizes, (1, 2)).astype(jnp.float32)[:, None, :]  # [B, 1, 4]
    bbox_pred = bbox_pred * scale
    # use_focal_loss path: sigmoid scores, top-k over flattened (queries x classes)
    scores = jax.nn.sigmoid(pred_logits)
    flat = scores.reshape(scores.shape[0], -1)  # [B, Q*C]
    scores_top, index = jax.lax.top_k(flat, NUM_TOP_QUERIES)  # [B, 300]
    labels = index % NUM_CLASSES
    qidx = index // NUM_CLASSES
    gather_idx = jnp.repeat(qidx[:, :, None], bbox_pred.shape[-1], axis=2)  # [B, 300, 4]
    boxes = jnp.take_along_axis(bbox_pred, gather_idx, axis=1)  # [B, 300, 4]
    return labels, boxes, scores_top

if __name__ == "__main__":
    import jax
    _d = setup_inputs()
    print(jax.jit(kernel)(*tuple(_d.values())))

</pallas_src>

<mosaic_0001>
#map = affine_map<(d0, d1) -> (0)>
module attributes {stable_mosaic.version = 14 : i64} {
  func.func @_sc_body(%arg0: i32, %arg1: i32, %arg2: memref<51200000xf32, #tpu.memory_space<hbm>>, %arg3: memref<2560000xf32, #tpu.memory_space<hbm>>, %arg4: memref<1024xf32, #tpu.memory_space<hbm>>, %arg5: memref<10240xi32, #tpu.memory_space<hbm>>, %arg6: memref<10240xf32, #tpu.memory_space<hbm>>, %arg7: memref<10240xf32, #tpu.memory_space<hbm>>, %arg8: memref<10240xf32, #tpu.memory_space<hbm>>, %arg9: memref<10240xf32, #tpu.memory_space<hbm>>, %arg10: memref<10240xf32, #tpu.memory_space<hbm>>, %arg11: memref<8000xf32, #tpu.memory_space<vmem>>, %arg12: memref<8192xf32, #tpu.memory_space<vmem>>, %arg13: memref<8192xi32, #tpu.memory_space<vmem>>, %arg14: memref<4096xf32, #tpu.memory_space<vmem>>, %arg15: memref<4096xi32, #tpu.memory_space<vmem>>, %arg16: memref<4096xi32, #tpu.memory_space<vmem>>, %arg17: memref<80000xf32, #tpu.memory_space<vmem>>, %arg18: memref<32xf32, #tpu.memory_space<vmem>>, %arg19: memref<16xi32, #tpu.memory_space<vmem>>, %arg20: memref<320xi32, #tpu.memory_space<vmem>>, %arg21: memref<320xf32, #tpu.memory_space<vmem>>, %arg22: memref<320xf32, #tpu.memory_space<vmem>>, %arg23: memref<320xf32, #tpu.memory_space<vmem>>, %arg24: memref<320xf32, #tpu.memory_space<vmem>>, %arg25: memref<320xf32, #tpu.memory_space<vmem>>, %arg26: memref<!tpu.dma_semaphore, #tpu.memory_space<semaphore_mem>>) attributes {dimension_semantics = [#tpu.dimension_semantics<core_parallel>, #tpu.dimension_semantics<subcore_parallel>], iteration_bounds = array<i64: 2, 16>, scalar_prefetch = 0 : i64, scratch_operands = 16 : i64, tpu.core_type = #tpu.core_type<sc_vector_subcore>, window_params = [{transform_indices = #map}, {transform_indices = #map}, {transform_indices = #map}, {transform_indices = #map}, {transform_indices = #map}, {transform_indices = #map}, {transform_indices = #map}, {transform_indices = #map}, {transform_indices = #map}]} {
    %mul3A = arith.constant 2 : i32
    %mul3A_0 = arith.muli %arg1, %mul3A : i32
    %add3A = arith.addi %mul3A_0, %arg0 : i32
    %mul3A_1 = arith.constant 1600000 : i32
    %mul3A_2 = arith.muli %add3A, %mul3A_1 : i32
    %mul3A_3 = arith.constant 80000 : i32
    %mul3A_4 = arith.muli %add3A, %mul3A_3 : i32
    "tpu.region"() ({
      %run_scoped3A = tpu.sem_alloc : memref<!tpu.dma_semaphore, #tpu.memory_space<semaphore_mem>>
      %dma_start3A_744 = tpu.memref_slice %arg3[%mul3A_4] : memref<2560000xf32, #tpu.memory_space<hbm>> -> memref<80000xf32, #tpu.memory_space<hbm>>
      %dma_start3A_745 = tpu.memref_slice %arg3[%mul3A_4] : memref<2560000xf32, #tpu.memory_space<hbm>> -> memref<80000xf32, #tpu.memory_space<hbm>>
      tpu.enqueue_dma source(%dma_start3A_745 : memref<80000xf32, #tpu.memory_space<hbm>>) target(%arg17 : memref<80000xf32, #tpu.memory_space<vmem>>) target_semaphore(%run_scoped3A : memref<!tpu.dma_semaphore, #tpu.memory_space<semaphore_mem>>)
      %dma_wait3A = tpu.memref_slice %arg3[%mul3A_4] : memref<2560000xf32, #tpu.memory_space<hbm>> -> memref<80000xf32, #tpu.memory_space<hbm>>
      %dma_wait3A_746 = tpu.memref_slice %arg3[%mul3A_4] : memref<2560000xf32, #tpu.memory_space<hbm>> -> memref<80000xf32, #tpu.memory_space<hbm>>
      tpu.wait_dma2 semaphore(%run_scoped3A : memref<!tpu.dma_semaphore, #tpu.memory_space<semaphore_mem>>) src(%dma_wait3A_746 : memref<80000xf32, #tpu.memory_space<hbm>>) dst(%arg17 : memref<80000xf32, #tpu.memory_space<vmem>>)
      tpu.yield
    }) : () -> ()
    %mul3A_5 = arith.constant 32 : i32
    %mul3A_6 = arith.muli %add3A, %mul3A_5 : i32
    "tpu.region"() ({
      %run_scoped3A = tpu.sem_alloc : memref<!tpu.dma_semaphore, #tpu.memory_space<semaphore_mem>>
      %dma_start3A_744 = tpu.memref_slice %arg4[%mul3A_6] : memref<1024xf32, #tpu.memory_space<hbm>> -> memref<32xf32, #tpu.memory_space<hbm>>
      %dma_start3A_745 = tpu.memref_slice %arg4[%mul3A_6] : memref<1024xf32, #tpu.memory_space<hbm>> -> memref<32xf32, #tpu.memory_space<hbm>>
      tpu.enqueue_dma source(%dma_start3A_745 : memref<32xf32, #tpu.memory_space<hbm>>) target(%arg18 : memref<32xf32, #tpu.memory_space<vmem>>) target_semaphore(%run_scoped3A : memref<!tpu.dma_semaphore, #tpu.memory_space<semaphore_mem>>)
      %dma_wait3A = tpu.memref_slice %arg4[%mul3A_6] : memref<1024xf32, #tpu.memory_space<hbm>> -> memref<32xf32, #tpu.memory_space<hbm>>
      %dma_wait3A_746 = tpu.memref_slice %arg4[%mul3A_6] : memref<1024xf32, #tpu.memory_space<hbm>> -> memref<32xf32, #tpu.memory_space<hbm>>
      tpu.wait_dma2 semaphore(%run_scoped3A : memref<!tpu.dma_semaphore, #tpu.memory_space<semaphore_mem>>) src(%dma_wait3A_746 : memref<32xf32, #tpu.memory_space<hbm>>) dst(%arg18 : memref<32xf32, #tpu.memory_space<vmem>>)
      tpu.yield
    }) : () -> ()
    %iota3A = tpu.iota {dimensions = array<i32: 0>} : vector<16xi32>
    %broadcast_in_dim3A = arith.constant 1 : i32
    %broadcast_in_dim3A_7 = vector.broadcast %broadcast_in_dim3A : i32 to vector<16xi32>
    %broadcast_in_dim3A_8 = arith.constant 0 : i32
    %broadcast_in_dim3A_9 = vector.broadcast %broadcast_in_dim3A_8 : i32 to vector<16xi32>
    %broadcast_in_dim3A_10 = arith.constant 8160 : i32
    %broadcast_in_dim3A_11 = vector.broadcast %broadcast_in_dim3A_10 : i32 to vector<16xi32>
    %mul3A_12 = arith.constant 80 : i32
    %mul3A_13 = vector.broadcast %mul3A_12 : i32 to vector<16xi32>
    %mul3A_14 = arith.muli %iota3A, %mul3A_13 : vector<16xi32>
    %add3A_15 = arith.constant 16 : i32
    %add3A_16 = vector.broadcast %add3A_15 : i32 to vector<16xi32>
    %add3A_17 = arith.addi %iota3A, %add3A_16 : vector<16xi32>
    %broadcast_in_dim3A_18 = arith.constant 32 : i32
    %broadcast_in_dim3A_19 = vector.broadcast %broadcast_in_dim3A_18 : i32 to vector<16xi32>
    %broadcast_in_dim3A_20 = arith.constant 3.450000e+00 : f32
    %broadcast_in_dim3A_21 = vector.broadcast %broadcast_in_dim3A_20 : f32 to vector<16xf32>
    %add3A_22 = arith.constant 0 : i32
    %add3A_23 = arith.addi %mul3A_2, %add3A_22 : i32
    %dma_start3A = arith.constant 0 : i32
    %dma_start3A_24 = tpu.memref_slice %arg11[%dma_start3A] : memref<8000xf32, #tpu.memory_space<vmem>> -> memref<4000xf32, #tpu.memory_space<vmem>>
    %dma_start3A_25 = tpu.memref_slice %arg2[%add3A_23] : memref<51200000xf32, #tpu.memory_space<hbm>> -> memref<4000xf32, #tpu.memory_space<hbm>>
    %dma_start3A_26 = arith.constant 0 : i32
    %dma_start3A_27 = tpu.memref_slice %arg11[%dma_start3A_26] : memref<8000xf32, #tpu.memory_space<vmem>> -> memref<4000xf32, #tpu.memory_space<vmem>>
    %dma_start3A_28 = tpu.memref_slice %arg2[%add3A_23] : memref<51200000xf32, #tpu.memory_space<hbm>> -> memref<4000xf32, #tpu.memory_space<hbm>>
    tpu.enqueue_dma source(%dma_start3A_28 : memref<4000xf32, #tpu.memory_space<hbm>>) target(%dma_start3A_27 : memref<4000xf32, #tpu.memory_space<vmem>>) target_semaphore(%arg26 : memref<!tpu.dma_semaphore, #tpu.memory_space<semaphore_mem>>)
    %scan3A = arith.constant 0 : i32
    %scan3A_29 = arith.constant 0 : i32
    %scan3A_30 = arith.constant 0 : i32
    %scan3A_31 = arith.constant 0 : i32
    %scan3A_32 = arith.constant 400 : i32
    %scan3A_33 = arith.addi %scan3A_31, %scan3A_32 : i32
    %scan3A_34 = arith.constant 1 : i32
    %scan3A_35:5 = scf.for %scan3A_744 = %scan3A_31 to %scan3A_33 step %scan3A_34 iter_args(%scan3A_745 = %broadcast_in_dim3A_9, %scan3A_746 = %broadcast_in_dim3A_9, %scan3A_747 = %scan3A, %scan3A_748 = %scan3A_29, %scan3A_749 = %scan3A_30) -> (vector<16xi32>, vector<16xi32>, i32, i32, i32)  : i32 {
      %rem3A_750 = arith.constant 2 : i32
      %rem3A_751 = arith.remsi %scan3A_744, %rem3A_750 : i32
      %mul3A_752 = arith.constant 4000 : i32
      %mul3A_753 = arith.muli %scan3A_744, %mul3A_752 : i32
      %add3A_754 = arith.addi %mul3A_2, %mul3A_753 : i32
      %mul3A_755 = arith.constant 4000 : i32
      %mul3A_756 = arith.muli %rem3A_751, %mul3A_755 : i32
      %dma_wait3A = tpu.memref_slice %arg11[%mul3A_756] : memref<8000xf32, #tpu.memory_space<vmem>> -> memref<4000xf32, #tpu.memory_space<vmem>>
      %dma_wait3A_757 = tpu.memref_slice %arg2[%add3A_754] : memref<51200000xf32, #tpu.memory_space<hbm>> -> memref<4000xf32, #tpu.memory_space<hbm>>
      %dma_wait3A_758 = tpu.memref_slice %arg11[%mul3A_756] : memref<8000xf32, #tpu.memory_space<vmem>> -> memref<4000xf32, #tpu.memory_space<vmem>>
      %dma_wait3A_759 = tpu.memref_slice %arg2[%add3A_754] : memref<51200000xf32, #tpu.memory_space<hbm>> -> memref<4000xf32, #tpu.memory_space<hbm>>
      tpu.wait_dma2 semaphore(%arg26 : memref<!tpu.dma_semaphore, #tpu.memory_space<semaphore_mem>>) src(%dma_wait3A_759 : memref<4000xf32, #tpu.memory_space<hbm>>) dst(%dma_wait3A_758 : memref<4000xf32, #tpu.memory_space<vmem>>)
      %add3A_760 = arith.constant 1 : i32
      %add3A_761 = arith.addi %scan3A_744, %add3A_760 : i32
      %lt3A_762 = arith.constant 400 : i32
      %lt3A_763 = arith.cmpi slt, %add3A_761, %lt3A_762 : i32
      %convert_element_type3A = arith.extui %lt3A_763 : i1 to i32
      %cond3A = arith.constant 0 : i32
      %cond3A_764 = arith.cmpi ne, %convert_element_type3A, %cond3A : i32
      scf.if %cond3A_764 {
        %add3A_786 = arith.constant 1 : i32
        %add3A_787 = arith.addi %scan3A_744, %add3A_786 : i32
        %sub3A_788 = arith.constant 1 : i32
        %sub3A_789 = arith.subi %sub3A_788, %rem3A_751 : i32
        %mul3A_790 = arith.constant 4000 : i32
        %mul3A_791 = arith.muli %add3A_787, %mul3A_790 : i32
        %add3A_792 = arith.addi %mul3A_2, %mul3A_791 : i32
        %mul3A_793 = arith.constant 4000 : i32
        %mul3A_794 = arith.muli %sub3A_789, %mul3A_793 : i32
        %dma_start3A_795 = tpu.memref_slice %arg11[%mul3A_794] : memref<8000xf32, #tpu.memory_space<vmem>> -> memref<4000xf32, #tpu.memory_space<vmem>>
        %dma_start3A_796 = tpu.memref_slice %arg2[%add3A_792] : memref<51200000xf32, #tpu.memory_space<hbm>> -> memref<4000xf32, #tpu.memory_space<hbm>>
        %dma_start3A_797 = tpu.memref_slice %arg11[%mul3A_794] : memref<8000xf32, #tpu.memory_space<vmem>> -> memref<4000xf32, #tpu.memory_space<vmem>>
        %dma_start3A_798 = tpu.memref_slice %arg2[%add3A_792] : memref<51200000xf32, #tpu.memory_space<hbm>> -> memref<4000xf32, #tpu.memory_space<hbm>>
        tpu.enqueue_dma source(%dma_start3A_798 : memref<4000xf32, #tpu.memory_space<hbm>>) target(%dma_start3A_797 : memref<4000xf32, #tpu.memory_space<vmem>>) target_semaphore(%arg26 : memref<!tpu.dma_semaphore, #tpu.memory_space<semaphore_mem>>)
      } else {
      }
      %mul3A_765 = arith.constant 4000 : i32
      %mul3A_766 = arith.muli %rem3A_751, %mul3A_765 : i32
      %scan3A_767 = arith.constant 0 : i32
      %scan3A_768 = arith.constant 25 : i32
      %scan3A_769 = arith.addi %scan3A_767, %scan3A_768 : i32
      %scan3A_770 = arith.constant 1 : i32
      %scan3A_771:2 = scf.for %scan3A_786 = %scan3A_767 to %scan3A_769 step %scan3A_770 iter_args(%scan3A_787 = %scan3A_745, %scan3A_788 = %scan3A_746) -> (vector<16xi32>, vector<16xi32>)  : i32 {
        %mul3A_789 = arith.constant 160 : i32
        %mul3A_790 = arith.muli %scan3A_786, %mul3A_789 : i32
        %add3A_791 = arith.addi %mul3A_766, %mul3A_790 : i32
        %mul3A_792 = arith.constant 12800 : i32
        %mul3A_793 = arith.muli %scan3A_786, %mul3A_792 : i32
        %add3A_794 = arith.addi %scan3A_749, %mul3A_793 : i32
        %broadcast_in_dim3A_795 = vector.broadcast %add3A_794 : i32 to vector<16xi32>
        %add3A_796 = arith.addi %broadcast_in_dim3A_795, %mul3A_14 : vector<16xi32>
        %add3A_797 = arith.constant 0 : i32
        %add3A_798 = arith.addi %add3A_791, %add3A_797 : i32
        %get3A_799 = arith.index_cast %add3A_798 : i32 to index
        %get3A_800 = tpu.vector_load %arg11[%get3A_799] {strides = array<i32>} : memref<8000xf32, #tpu.memory_space<vmem>>, vector<16xf32>,
        %add3A_801 = arith.constant 16 : i32
        %add3A_802 = arith.addi %add3A_791, %add3A_801 : i32
        %get3A_803 = arith.index_cast %add3A_802 : i32 to index
        %get3A_804 = tpu.vector_load %arg11[%get3A_803] {strides = array<i32>} : memref<8000xf32, #tpu.memory_space<vmem>>, vector<16xf32>,
        %add3A_805 = arith.constant 32 : i32
        %add3A_806 = arith.addi %add3A_791, %add3A_805 : i32
        %get3A_807 = arith.index_cast %add3A_806 : i32 to index
        %get3A_808 = tpu.vector_load %arg11[%get3A_807] {strides = array<i32>} : memref<8000xf32, #tpu.memory_space<vmem>>, vector<16xf32>,
        %add3A_809 = arith.constant 48 : i32
        %add3A_810 = arith.addi %add3A_791, %add3A_809 : i32
        %get3A_811 = arith.index_cast %add3A_810 : i32 to index
        %get3A_812 = tpu.vector_load %arg11[%get3A_811] {strides = array<i32>} : memref<8000xf32, #tpu.memory_space<vmem>>, vector<16xf32>,
        %add3A_813 = arith.constant 64 : i32
        %add3A_814 = arith.addi %add3A_791, %add3A_813 : i32
        %get3A_815 = arith.index_cast %add3A_814 : i32 to index
        %get3A_816 = tpu.vector_load %arg11[%get3A_815] {strides = array<i32>} : memref<8000xf32, #tpu.memory_space<vmem>>, vector<16xf32>,
        %add3A_817 = arith.constant 80 : i32
        %add3A_818 = arith.addi %add3A_791, %add3A_817 : i32
        %get3A_819 = arith.index_cast %add3A_818 : i32 to index
        %get3A_820 = tpu.vector_load %arg11[%get3A_819] {strides = array<i32>} : memref<8000xf32, #tpu.memory_space<vmem>>, vector<16xf32>,
        %add3A_821 = arith.constant 96 : i32
        %add3A_822 = arith.addi %add3A_791, %add3A_821 : i32
        %get3A_823 = arith.index_cast %add3A_822 : i32 to index
        %get3A_824 = tpu.vector_load %arg11[%get3A_823] {strides = array<i32>} : memref<8000xf32, #tpu.memory_space<vmem>>, vector<16xf32>,
        %add3A_825 = arith.constant 112 : i32
        %add3A_826 = arith.addi %add3A_791, %add3A_825 : i32
        %get3A_827 = arith.index_cast %add3A_826 : i32 to index
        %get3A_828 = tpu.vector_load %arg11[%get3A_827] {strides = array<i32>} : memref<8000xf32, #tpu.memory_space<vmem>>, vector<16xf32>,
        %add3A_829 = arith.constant 128 : i32
        %add3A_830 = arith.addi %add3A_791, %add3A_829 : i32
        %get3A_831 = arith.index_cast %add3A_830 : i32 to index
        %get3A_832 = tpu.vector_load %arg11[%get3A_831] {strides = array<i32>} : memref<8000xf32, #tpu.memory_space<vmem>>, vector<16xf32>,
        %add3A_833 = arith.constant 144 : i32
        %add3A_834 = arith.addi %add3A_791, %add3A_833 : i32
        %get3A_835 = arith.index_cast %add3A_834 : i32 to index
        %get3A_836 = tpu.vector_load %arg11[%get3A_835] {strides = array<i32>} : memref<8000xf32, #tpu.memory_space<vmem>>, vector<16xf32>,
        %gt3A_837 = arith.cmpf ogt, %get3A_800, %broadcast_in_dim3A_21 : vector<16xf32>
        %gt3A_838 = arith.cmpf ogt, %get3A_804, %broadcast_in_dim3A_21 : vector<16xf32>
        %gt3A_839 = arith.cmpf ogt, %get3A_808, %broadcast_in_dim3A_21 : vector<16xf32>
        %gt3A_840 = arith.cmpf ogt, %get3A_812, %broadcast_in_dim3A_21 : vector<16xf32>
        %gt3A_841 = arith.cmpf ogt, %get3A_816, %broadcast_in_dim3A_21 : vector<16xf32>
        %gt3A_842 = arith.cmpf ogt, %get3A_820, %broadcast_in_dim3A_21 : vector<16xf32>
        %gt3A_843 = arith.cmpf ogt, %get3A_824, %broadcast_in_dim3A_21 : vector<16xf32>
        %gt3A_844 = arith.cmpf ogt, %get3A_828, %broadcast_in_dim3A_21 : vector<16xf32>
        %gt3A_845 = arith.cmpf ogt, %get3A_832, %broadcast_in_dim3A_21 : vector<16xf32>
        %gt3A_846 = arith.cmpf ogt, %get3A_836, %broadcast_in_dim3A_21 : vector<16xf32>
        %min3A_847 = arith.minsi %scan3A_787, %broadcast_in_dim3A_11 : vector<16xi32>
        %add3A_848 = arith.addi %min3A_847, %iota3A : vector<16xi32>
        %select_n3A_849 = arith.select %gt3A_837, %broadcast_in_dim3A_19, %broadcast_in_dim3A_9 : vector<16xi1>, vector<16xi32>
        %add3A_850 = arith.addi %scan3A_787, %select_n3A_849 : vector<16xi32>
        %min3A_851 = arith.minsi %scan3A_788, %broadcast_in_dim3A_11 : vector<16xi32>
        %add3A_852 = arith.addi %min3A_851, %add3A_17 : vector<16xi32>
        %select_n3A_853 = arith.select %gt3A_838, %broadcast_in_dim3A_19, %broadcast_in_dim3A_9 : vector<16xi1>, vector<16xi32>
        %add3A_854 = arith.addi %scan3A_788, %select_n3A_853 : vector<16xi32>
        %min3A_855 = arith.minsi %add3A_850, %broadcast_in_dim3A_11 : vector<16xi32>
        %add3A_856 = arith.addi %min3A_855, %iota3A : vector<16xi32>
        %select_n3A_857 = arith.select %gt3A_839, %broadcast_in_dim3A_19, %broadcast_in_dim3A_9 : vector<16xi1>, vector<16xi32>
        %add3A_858 = arith.addi %add3A_850, %select_n3A_857 : vector<16xi32>
        %min3A_859 = arith.minsi %add3A_854, %broadcast_in_dim3A_11 : vector<16xi32>
        %add3A_860 = arith.addi %min3A_859, %add3A_17 : vector<16xi32>
        %select_n3A_861 = arith.select %gt3A_840, %broadcast_in_dim3A_19, %broadcast_in_dim3A_9 : vector<16xi1>, vector<16xi32>
        %add3A_862 = arith.addi %add3A_854, %select_n3A_861 : vector<16xi32>
        %min3A_863 = arith.minsi %add3A_858, %broadcast_in_dim3A_11 : vector<16xi32>
        %add3A_864 = arith.addi %min3A_863, %iota3A : vector<16xi32>
        %select_n3A_865 = arith.select %gt3A_841, %broadcast_in_dim3A_19, %broadcast_in_dim3A_9 : vector<16xi1>, vector<16xi32>
        %add3A_866 = arith.addi %add3A_858, %select_n3A_865 : vector<16xi32>
        %min3A_867 = arith.minsi %add3A_862, %broadcast_in_dim3A_11 : vector<16xi32>
        %add3A_868 = arith.addi %min3A_867, %add3A_17 : vector<16xi32>
        %select_n3A_869 = arith.select %gt3A_842, %broadcast_in_dim3A_19, %broadcast_in_dim3A_9 : vector<16xi1>, vector<16xi32>
        %add3A_870 = arith.addi %add3A_862, %select_n3A_869 : vector<16xi32>
        %min3A_871 = arith.minsi %add3A_866, %broadcast_in_dim3A_11 : vector<16xi32>
        %add3A_872 = arith.addi %min3A_871, %iota3A : vector<16xi32>
        %select_n3A_873 = arith.select %gt3A_843, %broadcast_in_dim3A_19, %broadcast_in_dim3A_9 : vector<16xi1>, vector<16xi32>
        %add3A_874 = arith.addi %add3A_866, %select_n3A_873 : vector<16xi32>
        %min3A_875 = arith.minsi %add3A_870, %broadcast_in_dim3A_11 : vector<16xi32>
        %add3A_876 = arith.addi %min3A_875, %add3A_17 : vector<16xi32>
        %select_n3A_877 = arith.select %gt3A_844, %broadcast_in_dim3A_19, %broadcast_in_dim3A_9 : vector<16xi1>, vector<16xi32>
        %add3A_878 = arith.addi %add3A_870, %select_n3A_877 : vector<16xi32>
        %min3A_879 = arith.minsi %add3A_874, %broadcast_in_dim3A_11 : vector<16xi32>
        %add3A_880 = arith.addi %min3A_879, %iota3A : vector<16xi32>
        %select_n3A_881 = arith.select %gt3A_845, %broadcast_in_dim3A_19, %broadcast_in_dim3A_9 : vector<16xi1>, vector<16xi32>
        %add3A_882 = arith.addi %add3A_874, %select_n3A_881 : vector<16xi32>
        %min3A_883 = arith.minsi %add3A_878, %broadcast_in_dim3A_11 : vector<16xi32>
        %add3A_884 = arith.addi %min3A_883, %add3A_17 : vector<16xi32>
        %select_n3A_885 = arith.select %gt3A_846, %broadcast_in_dim3A_19, %broadcast_in_dim3A_9 : vector<16xi1>, vector<16xi32>
        %add3A_886 = arith.addi %add3A_878, %select_n3A_885 : vector<16xi32>
        tpu.vector_store_idx %arg12[%add3A_848], %get3A_800 masked %gt3A_837 : memref<8192xf32, #tpu.memory_space<vmem>>[vector<16xi32>], vector<16xf32>, vector<16xi1>
        %add3A_887 = arith.constant 0 : i32
        %add3A_888 = vector.broadcast %add3A_887 : i32 to vector<16xi32>
        %add3A_889 = arith.addi %add3A_796, %add3A_888 : vector<16xi32>
        tpu.vector_store_idx %arg13[%add3A_848], %add3A_889 masked %gt3A_837 : memref<8192xi32, #tpu.memory_space<vmem>>[vector<16xi32>], vector<16xi32>, vector<16xi1>
        tpu.vector_store_idx %arg12[%add3A_852], %get3A_804 masked %gt3A_838 : memref<8192xf32, #tpu.memory_space<vmem>>[vector<16xi32>], vector<16xf32>, vector<16xi1>
        %add3A_890 = arith.constant 1280 : i32
        %add3A_891 = vector.broadcast %add3A_890 : i32 to vector<16xi32>
        %add3A_892 = arith.addi %add3A_796, %add3A_891 : vector<16xi32>
        tpu.vector_store_idx %arg13[%add3A_852], %add3A_892 masked %gt3A_838 : memref<8192xi32, #tpu.memory_space<vmem>>[vector<16xi32>], vector<16xi32>, vector<16xi1>
        tpu.vector_store_idx %arg12[%add3A_856], %get3A_808 masked %gt3A_839 : memref<8192xf32, #tpu.memory_space<vmem>>[vector<16xi32>], vector<16xf32>, vector<16xi1>
        %add3A_893 = arith.constant 2560 : i32
        %add3A_894 = vector.broadcast %add3A_893 : i32 to vector<16xi32>
        %add3A_895 = arith.addi %add3A_796, %add3A_894 : vector<16xi32>
        tpu.vector_store_idx %arg13[%add3A_856], %add3A_895 masked %gt3A_839 : memref<8192xi32, #tpu.memory_space<vmem>>[vector<16xi32>], vector<16xi32>, vector<16xi1>
        tpu.vector_store_idx %arg12[%add3A_860], %get3A_812 masked %gt3A_840 : memref<8192xf32, #tpu.memory_space<vmem>>[vector<16xi32>], vector<16xf32>, vector<16xi1>
        %add3A_896 = arith.constant 3840 : i32
        %add3A_897 = vector.broadcast %add3A_896 : i32 to vector<16xi32>
        %add3A_898 = arith.addi %add3A_796, %add3A_897 : vector<16xi32>
        tpu.vector_store_idx %arg13[%add3A_860], %add3A_898 masked %gt3A_840 : memref<8192xi32, #tpu.memory_space<vmem>>[vector<16xi32>], vector<16xi32>, vector<16xi1>
        tpu.vector_store_idx %arg12[%add3A_864], %get3A_816 masked %gt3A_841 : memref<8192xf32, #tpu.memory_space<vmem>>[vector<16xi32>], vector<16xf32>, vector<16xi1>
        %add3A_899 = arith.constant 5120 : i32
        %add3A_900 = vector.broadcast %add3A_899 : i32 to vector<16xi32>
        %add3A_901 = arith.addi %add3A_796, %add3A_900 : vector<16xi32>
        tpu.vector_store_idx %arg13[%add3A_864], %add3A_901 masked %gt3A_841 : memref<8192xi32, #tpu.memory_space<vmem>>[vector<16xi32>], vector<16xi32>, vector<16xi1>
        tpu.vector_store_idx %arg12[%add3A_868], %get3A_820 masked %gt3A_842 : memref<8192xf32, #tpu.memory_space<vmem>>[vector<16xi32>], vector<16xf32>, vector<16xi1>
        %add3A_902 = arith.constant 6400 : i32
        %add3A_903 = vector.broadcast %add3A_902 : i32 to vector<16xi32>
        %add3A_904 = arith.addi %add3A_796, %add3A_903 : vector<16xi32>
        tpu.vector_store_idx %arg13[%add3A_868], %add3A_904 masked %gt3A_842 : memref<8192xi32, #tpu.memory_space<vmem>>[vector<16xi32>], vector<16xi32>, vector<16xi1>
        tpu.vector_store_idx %arg12[%add3A_872], %get3A_824 masked %gt3A_843 : memref<8192xf32, #tpu.memory_space<vmem>>[vector<16xi32>], vector<16xf32>, vector<16xi1>
        %add3A_905 = arith.constant 7680 : i32
        %add3A_906 = vector.broadcast %add3A_905 : i32 to vector<16xi32>
        %add3A_907 = arith.addi %add3A_796, %add3A_906 : vector<16xi32>
        tpu.vector_store_idx %arg13[%add3A_872], %add3A_907 masked %gt3A_843 : memref<8192xi32, #tpu.memory_space<vmem>>[vector<16xi32>], vector<16xi32>, vector<16xi1>
        tpu.vector_store_idx %arg12[%add3A_876], %get3A_828 masked %gt3A_844 : memref<8192xf32, #tpu.memory_space<vmem>>[vector<16xi32>], vector<16xf32>, vector<16xi1>
        %add3A_908 = arith.constant 8960 : i32
        %add3A_909 = vector.broadcast %add3A_908 : i32 to vector<16xi32>
        %add3A_910 = arith.addi %add3A_796, %add3A_909 : vector<16xi32>
        tpu.vector_store_idx %arg13[%add3A_876], %add3A_910 masked %gt3A_844 : memref<8192xi32, #tpu.memory_space<vmem>>[vector<16xi32>], vector<16xi32>, vector<16xi1>
        tpu.vector_store_idx %arg12[%add3A_880], %get3A_832 masked %gt3A_845 : memref<8192xf32, #tpu.memory_space<vmem>>[vector<16xi32>], vector<16xf32>, vector<16xi1>
        %add3A_911 = arith.constant 10240 : i32
        %add3A_912 = vector.broadcast %add3A_911 : i32 to vector<16xi32>
        %add3A_913 = arith.addi %add3A_796, %add3A_912 : vector<16xi32>
        tpu.vector_store_idx %arg13[%add3A_880], %add3A_913 masked %gt3A_845 : memref<8192xi32, #tpu.memory_space<vmem>>[vector<16xi32>], vector<16xi32>, vector<16xi1>
        tpu.vector_store_idx %arg12[%add3A_884], %get3A_836 masked %gt3A_846 : memref<8192xf32, #tpu.memory_space<vmem>>[vector<16xi32>], vector<16xf32>, vector<16xi1>
        %add3A_914 = arith.constant 11520 : i32
        %add3A_915 = vector.broadcast %add3A_914 : i32 to vector<16xi32>
        %add3A_916 = arith.addi %add3A_796, %add3A_915 : vector<16xi32>
        tpu.vector_store_idx %arg13[%add3A_884], %add3A_916 masked %gt3A_846 : memref<8192xi32, #tpu.memory_space<vmem>>[vector<16xi32>], vector<16xi32>, vector<16xi1>
        scf.yield %add3A_882, %add3A_886 : vector<16xi32>, vector<16xi32>
      }
      %scan3A_772 = arith.constant 25 : i32
      %add3A_773 = arith.constant 4000 : i32
      %add3A_774 = arith.addi %scan3A_747, %add3A_773 : i32
      %eq3A_775 = arith.constant 20000 : i32
      %eq3A_776 = arith.cmpi eq, %add3A_774, %eq3A_775 : i32
      %jit3A_777 = arith.constant 0 : i32
      %select_n3A_778 = arith.select %eq3A_776, %jit3A_777, %add3A_774 : i32
      %add3A_779 = arith.constant 1 : i32
      %add3A_780 = arith.addi %scan3A_748, %add3A_779 : i32
      %add3A_781 = arith.constant 320000 : i32
      %add3A_782 = arith.addi %scan3A_749, %add3A_781 : i32
      %select_n3A_783 = arith.select %eq3A_776, %add3A_780, %add3A_782 : i32
      %convert_element_type3A_784 = arith.extui %eq3A_776 : i1 to i32
      %add3A_785 = arith.addi %scan3A_748, %convert_element_type3A_784 : i32
      scf.yield %scan3A_771#0, %scan3A_771#1, %select_n3A_778, %add3A_785, %select_n3A_783 : vector<16xi32>, vector<16xi32>, i32, i32, i32
    }
    %scan3A_36 = arith.constant 400 : i32
    %shift_right_arithmetic3A = arith.constant 5 : i32
    %shift_right_arithmetic3A_37 = vector.broadcast %shift_right_arithmetic3A : i32 to vector<16xi32>
    %shift_right_arithmetic3A_38 = arith.shrsi %scan3A_35#0, %shift_right_arithmetic3A_37 : vector<16xi32>
    %shift_right_arithmetic3A_39 = arith.constant 5 : i32
    %shift_right_arithmetic3A_40 = vector.broadcast %shift_right_arithmetic3A_39 : i32 to vector<16xi32>
    %shift_right_arithmetic3A_41 = arith.shrsi %scan3A_35#1, %shift_right_arithmetic3A_40 : vector<16xi32>
    %add3A_42 = arith.addi %shift_right_arithmetic3A_38, %shift_right_arithmetic3A_41 : vector<16xi32>
    %swap3A = arith.constant 0 : index
    %swap3A_43 = tpu.vector_load %arg19[%swap3A] {strides = array<i32>} : memref<16xi32, #tpu.memory_space<vmem>>, vector<16xi32>,
    tpu.vector_store %arg19[%swap3A], %add3A_42 {strides = array<i32>} : memref<16xi32, #tpu.memory_space<vmem>>, vector<16xi32>,
    %xor3A = arith.constant 1 : i32
    %xor3A_44 = vector.broadcast %xor3A : i32 to vector<16xi32>
    %xor3A_45 = arith.xori %iota3A, %xor3A_44 : vector<16xi32>
    %gather3A = tpu.vector_load_idx %arg19[%xor3A_45] : memref<16xi32, #tpu.memory_space<vmem>>[vector<16xi32>], vector<16xi32>,
    %add3A_46 = arith.addi %add3A_42, %gather3A : vector<16xi32>
    %swap3A_47 = arith.constant 0 : index
    %swap3A_48 = tpu.vector_load %arg19[%swap3A_47] {strides = array<i32>} : memref<16xi32, #tpu.memory_space<vmem>>, vector<16xi32>,
    tpu.vector_store %arg19[%swap3A_47], %add3A_46 {strides = array<i32>} : memref<16xi32, #tpu.memory_space<vmem>>, vector<16xi32>,
    %xor3A_49 = arith.constant 2 : i32
    %xor3A_50 = vector.broadcast %xor3A_49 : i32 to vector<16xi32>
    %xor3A_51 = arith.xori %iota3A, %xor3A_50 : vector<16xi32>
    %gather3A_52 = tpu.vector_load_idx %arg19[%xor3A_51] : memref<16xi32, #tpu.memory_space<vmem>>[vector<16xi32>], vector<16xi32>,
    %add3A_53 = arith.addi %add3A_46, %gather3A_52 : vector<16xi32>
    %swap3A_54 = arith.constant 0 : index
    %swap3A_55 = tpu.vector_load %arg19[%swap3A_54] {strides = array<i32>} : memref<16xi32, #tpu.memory_space<vmem>>, vector<16xi32>,
    tpu.vector_store %arg19[%swap3A_54], %add3A_53 {strides = array<i32>} : memref<16xi32, #tpu.memory_space<vmem>>, vector<16xi32>,
    %xor3A_56 = arith.constant 4 : i32
    %xor3A_57 = vector.broadcast %xor3A_56 : i32 to vector<16xi32>
    %xor3A_58 = arith.xori %iota3A, %xor3A_57 : vector<16xi32>
    %gather3A_59 = tpu.vector_load_idx %arg19[%xor3A_58] : memref<16xi32, #tpu.memory_space<vmem>>[vector<16xi32>], vector<16xi32>,
    %add3A_60 = arith.addi %add3A_53, %gather3A_59 : vector<16xi32>
    %swap3A_61 = arith.constant 0 : index
    %swap3A_62 = tpu.vector_load %arg19[%swap3A_61] {strides = array<i32>} : memref<16xi32, #tpu.memory_space<vmem>>, vector<16xi32>,
    tpu.vector_store %arg19[%swap3A_61], %add3A_60 {strides = array<i32>} : memref<16xi32, #tpu.memory_space<vmem>>, vector<16xi32>,
    %xor3A_63 = arith.constant 8 : i32
    %xor3A_64 = vector.broadcast %xor3A_63 : i32 to vector<16xi32>
    %xor3A_65 = arith.xori %iota3A, %xor3A_64 : vector<16xi32>
    %gather3A_66 = tpu.vector_load_idx %arg19[%xor3A_65] : memref<16xi32, #tpu.memory_space<vmem>>[vector<16xi32>], vector<16xi32>,
    %add3A_67 = arith.addi %add3A_60, %gather3A_66 : vector<16xi32>
    %slice3A = vector.extract_strided_slice %add3A_67 {offsets = [0], sizes = [1], strides = [1]} : vector<16xi32> to vector<1xi32>
    %squeeze3A = vector.extract %slice3A[0] : i32 from vector<1xi32>
    %max3A = arith.maxsi %shift_right_arithmetic3A_38, %shift_right_arithmetic3A_41 : vector<16xi32>
    %swap3A_68 = arith.constant 0 : index
    %swap3A_69 = tpu.vector_load %arg19[%swap3A_68] {strides = array<i32>} : memref<16xi32, #tpu.memory_space<vmem>>, vector<16xi32>,
    tpu.vector_store %arg19[%swap3A_68], %max3A {strides = array<i32>} : memref<16xi32, #tpu.memory_space<vmem>>, vector<16xi32>,
    %xor3A_70 = arith.constant 1 : i32
    %xor3A_71 = vector.broadcast %xor3A_70 : i32 to vector<16xi32>
    %xor3A_72 = arith.xori %iota3A, %xor3A_71 : vector<16xi32>
    %gather3A_73 = tpu.vector_load_idx %arg19[%xor3A_72] : memref<16xi32, #tpu.memory_space<vmem>>[vector<16xi32>], vector<16xi32>,
    %max3A_74 = arith.maxsi %max3A, %gather3A_73 : vector<16xi32>
    %swap3A_75 = arith.constant 0 : index
    %swap3A_76 = tpu.vector_load %arg19[%swap3A_75] {strides = array<i32>} : memref<16xi32, #tpu.memory_space<vmem>>, vector<16xi32>,
    tpu.vector_store %arg19[%swap3A_75], %max3A_74 {strides = array<i32>} : memref<16xi32, #tpu.memory_space<vmem>>, vector<16xi32>,
    %xor3A_77 = arith.constant 2 : i32
    %xor3A_78 = vector.broadcast %xor3A_77 : i32 to vector<16xi32>
    %xor3A_79 = arith.xori %iota3A, %xor3A_78 : vector<16xi32>
    %gather3A_80 = tpu.vector_load_idx %arg19[%xor3A_79] : memref<16xi32, #tpu.memory_space<vmem>>[vector<16xi32>], vector<16xi32>,
    %max3A_81 = arith.maxsi %max3A_74, %gather3A_80 : vector<16xi32>
    %swap3A_82 = arith.constant 0 : index
    %swap3A_83 = tpu.vector_load %arg19[%swap3A_82] {strides = array<i32>} : memref<16xi32, #tpu.memory_space<vmem>>, vector<16xi32>,
    tpu.vector_store %arg19[%swap3A_82], %max3A_81 {strides = array<i32>} : memref<16xi32, #tpu.memory_space<vmem>>, vector<16xi32>,
    %xor3A_84 = arith.constant 4 : i32
    %xor3A_85 = vector.broadcast %xor3A_84 : i32 to vector<16xi32>
    %xor3A_86 = arith.xori %iota3A, %xor3A_85 : vector<16xi32>
    %gather3A_87 = tpu.vector_load_idx %arg19[%xor3A_86] : memref<16xi32, #tpu.memory_space<vmem>>[vector<16xi32>], vector<16xi32>,
    %max3A_88 = arith.maxsi %max3A_81, %gather3A_87 : vector<16xi32>
    %swap3A_89 = arith.constant 0 : index
    %swap3A_90 = tpu.vector_load %arg19[%swap3A_89] {strides = array<i32>} : memref<16xi32, #tpu.memory_space<vmem>>, vector<16xi32>,
    tpu.vector_store %arg19[%swap3A_89], %max3A_88 {strides = array<i32>} : memref<16xi32, #tpu.memory_space<vmem>>, vector<16xi32>,
    %xor3A_91 = arith.constant 8 : i32
    %xor3A_92 = vector.broadcast %xor3A_91 : i32 to vector<16xi32>
    %xor3A_93 = arith.xori %iota3A, %xor3A_92 : vector<16xi32>
    %gather3A_94 = tpu.vector_load_idx %arg19[%xor3A_93] : memref<16xi32, #tpu.memory_space<vmem>>[vector<16xi32>], vector<16xi32>,
    %max3A_95 = arith.maxsi %max3A_88, %gather3A_94 : vector<16xi32>
    %slice3A_96 = vector.extract_strided_slice %max3A_95 {offsets = [0], sizes = [1], strides = [1]} : vector<16xi32> to vector<1xi32>
    %squeeze3A_97 = vector.extract %slice3A_96[0] : i32 from vector<1xi32>
    %bitcast_convert_type3A = arith.constant 3.450000e+00 : f32
    %bitcast_convert_type3A_98 = arith.bitcast %bitcast_convert_type3A : f32 to i32
    %shift_right_logical3A = arith.constant 31 : i32
    %shift_right_logical3A_99 = arith.shrui %bitcast_convert_type3A_98, %shift_right_logical3A : i32
    %eq3A = arith.constant 0 : i32
    %eq3A_100 = arith.cmpi eq, %shift_right_logical3A_99, %eq3A : i32
    %xor3A_101 = arith.constant -2147483648 : i32
    %xor3A_102 = arith.xori %bitcast_convert_type3A_98, %xor3A_101 : i32
    %not3A = arith.constant -1 : i32
    %not3A_103 = arith.xori %bitcast_convert_type3A_98, %not3A : i32
    %select_n3A = arith.select %eq3A_100, %xor3A_102, %not3A_103 : i32
    %gt3A = arith.constant 4096 : i32
    %gt3A_104 = arith.cmpi sgt, %squeeze3A, %gt3A : i32
    %gt3A_105 = arith.constant 256 : i32
    %gt3A_106 = arith.cmpi sgt, %squeeze3A_97, %gt3A_105 : i32
    %or3A = arith.ori %gt3A_104, %gt3A_106 : i1
    %jit3A = arith.constant 0 : i32
    %select_n3A_107 = arith.select %or3A, %select_n3A, %jit3A : i32
    %lt3A = arith.constant 300 : i32
    %lt3A_108 = arith.cmpi slt, %squeeze3A, %lt3A : i32
    %jit3A_109 = arith.constant -1 : i32
    %select_n3A_110 = arith.select %lt3A_108, %select_n3A, %jit3A_109 : i32
    %while3A = arith.constant 0 : i32
    %while3A_111:7 = scf.while (%while3A_744 = %select_n3A_107, %while3A_745 = %select_n3A_110, %while3A_746 = %shift_right_arithmetic3A_38, %while3A_747 = %shift_right_arithmetic3A_41, %while3A_748 = %squeeze3A, %while3A_749 = %squeeze3A_97, %while3A_750 = %while3A) : (i32, i32, vector<16xi32>, vector<16xi32>, i32, i32, i32) -> (i32, i32, vector<16xi32>, vector<16xi32>, i32, i32, i32) {
      %lt3A_751 = arith.constant 300 : i32
      %lt3A_752 = arith.cmpi slt, %while3A_748, %lt3A_751 : i32
      %gt3A_753 = arith.constant 4096 : i32
      %gt3A_754 = arith.cmpi sgt, %while3A_748, %gt3A_753 : i32
      %or3A_755 = arith.ori %lt3A_752, %gt3A_754 : i1
      %gt3A_756 = arith.constant 256 : i32
      %gt3A_757 = arith.cmpi sgt, %while3A_749, %gt3A_756 : i32
      %or3A_758 = arith.ori %or3A_755, %gt3A_757 : i1
      %lt3A_759 = arith.constant 40 : i32
      %lt3A_760 = arith.cmpi slt, %while3A_750, %lt3A_759 : i32
      %and3A_761 = arith.andi %or3A_758, %lt3A_760 : i1
      scf.condition(%and3A_761) %while3A_744, %while3A_745, %while3A_746, %while3A_747, %while3A_748, %while3A_749, %while3A_750 : i32, i32, vector<16xi32>, vector<16xi32>, i32, i32, i32
    } do {
    ^bb0(%while3A_744: i32, %while3A_745: i32, %while3A_746: vector<16xi32>, %while3A_747: vector<16xi32>, %while3A_748: i32, %while3A_749: i32, %while3A_750: i32):
      %sub3A_751 = arith.subi %while3A_745, %while3A_744 : i32
      %jit3A_752 = arith.constant 2 : i32
      %div3A_753 = arith.divui %sub3A_751, %jit3A_752 : i32
      %add3A_754 = arith.addi %while3A_744, %div3A_753 : i32
      %ge3A_755 = arith.constant -2147483648 : i32
      %ge3A_756 = arith.cmpi uge, %add3A_754, %ge3A_755 : i32
      %xor3A_757 = arith.constant -2147483648 : i32
      %xor3A_758 = arith.xori %add3A_754, %xor3A_757 : i32
      %not3A_759 = arith.constant -1 : i32
      %not3A_760 = arith.xori %add3A_754, %not3A_759 : i32
      %select_n3A_761 = arith.select %ge3A_756, %xor3A_758, %not3A_760 : i32
      %bitcast_convert_type3A_762 = arith.bitcast %select_n3A_761 : i32 to f32
      %broadcast_in_dim3A_763 = vector.broadcast %bitcast_convert_type3A_762 : f32 to vector<16xf32>
      %add3A_764 = arith.constant 0 : i32
      %add3A_765 = arith.addi %mul3A_2, %add3A_764 : i32
      %dma_start3A_766 = arith.constant 0 : i32
      %dma_start3A_767 = tpu.memref_slice %arg11[%dma_start3A_766] : memref<8000xf32, #tpu.memory_space<vmem>> -> memref<4000xf32, #tpu.memory_space<vmem>>
      %dma_start3A_768 = tpu.memref_slice %arg2[%add3A_765] : memref<51200000xf32, #tpu.memory_space<hbm>> -> memref<4000xf32, #tpu.memory_space<hbm>>
      %dma_start3A_769 = arith.constant 0 : i32
      %dma_start3A_770 = tpu.memref_slice %arg11[%dma_start3A_769] : memref<8000xf32, #tpu.memory_space<vmem>> -> memref<4000xf32, #tpu.memory_space<vmem>>
      %dma_start3A_771 = tpu.memref_slice %arg2[%add3A_765] : memref<51200000xf32, #tpu.memory_space<hbm>> -> memref<4000xf32, #tpu.memory_space<hbm>>
      tpu.enqueue_dma source(%dma_start3A_771 : memref<4000xf32, #tpu.memory_space<hbm>>) target(%dma_start3A_770 : memref<4000xf32, #tpu.memory_space<vmem>>) target_semaphore(%arg26 : memref<!tpu.dma_semaphore, #tpu.memory_space<semaphore_mem>>)
      %scan3A_772 = arith.constant 0 : i32
      %scan3A_773 = arith.constant 0 : i32
      %scan3A_774 = arith.constant 0 : i32
      %scan3A_775 = arith.constant 0 : i32
      %scan3A_776 = arith.constant 400 : i32
      %scan3A_777 = arith.addi %scan3A_775, %scan3A_776 : i32
      %scan3A_778 = arith.constant 1 : i32
      %scan3A_779:5 = scf.for %scan3A_860 = %scan3A_775 to %scan3A_777 step %scan3A_778 iter_args(%scan3A_861 = %broadcast_in_dim3A_9, %scan3A_862 = %broadcast_in_dim3A_9, %scan3A_863 = %scan3A_772, %scan3A_864 = %scan3A_773, %scan3A_865 = %scan3A_774) -> (vector<16xi32>, vector<16xi32>, i32, i32, i32)  : i32 {
        %rem3A_866 = arith.constant 2 : i32
        %rem3A_867 = arith.remsi %scan3A_860, %rem3A_866 : i32
        %mul3A_868 = arith.constant 4000 : i32
        %mul3A_869 = arith.muli %scan3A_860, %mul3A_868 : i32
        %add3A_870 = arith.addi %mul3A_2, %mul3A_869 : i32
        %mul3A_871 = arith.constant 4000 : i32
        %mul3A_872 = arith.muli %rem3A_867, %mul3A_871 : i32
        %dma_wait3A = tpu.memref_slice %arg11[%mul3A_872] : memref<8000xf32, #tpu.memory_space<vmem>> -> memref<4000xf32, #tpu.memory_space<vmem>>
        %dma_wait3A_873 = tpu.memref_slice %arg2[%add3A_870] : memref<51200000xf32, #tpu.memory_space<hbm>> -> memref<4000xf32, #tpu.memory_space<hbm>>
        %dma_wait3A_874 = tpu.memref_slice %arg11[%mul3A_872] : memref<8000xf32, #tpu.memory_space<vmem>> -> memref<4000xf32, #tpu.memory_space<vmem>>
        %dma_wait3A_875 = tpu.memref_slice %arg2[%add3A_870] : memref<51200000xf32, #tpu.memory_space<hbm>> -> memref<4000xf32, #tpu.memory_space<hbm>>
        tpu.wait_dma2 semaphore(%arg26 : memref<!tpu.dma_semaphore, #tpu.memory_space<semaphore_mem>>) src(%dma_wait3A_875 : memref<4000xf32, #tpu.memory_space<hbm>>) dst(%dma_wait3A_874 : memref<4000xf32, #tpu.memory_space<vmem>>)
        %add3A_876 = arith.constant 1 : i32
        %add3A_877 = arith.addi %scan3A_860, %add3A_876 : i32
        %lt3A_878 = arith.constant 400 : i32
        %lt3A_879 = arith.cmpi slt, %add3A_877, %lt3A_878 : i32
        %convert_element_type3A = arith.extui %lt3A_879 : i1 to i32
        %cond3A = arith.constant 0 : i32
        %cond3A_880 = arith.cmpi ne, %convert_element_type3A, %cond3A : i32
        scf.if %cond3A_880 {
          %add3A_902 = arith.constant 1 : i32
          %add3A_903 = arith.addi %scan3A_860, %add3A_902 : i32
          %sub3A_904 = arith.constant 1 : i32
          %sub3A_905 = arith.subi %sub3A_904, %rem3A_867 : i32
          %mul3A_906 = arith.constant 4000 : i32
          %mul3A_907 = arith.muli %add3A_903, %mul3A_906 : i32
          %add3A_908 = arith.addi %mul3A_2, %mul3A_907 : i32
          %mul3A_909 = arith.constant 4000 : i32
          %mul3A_910 = arith.muli %sub3A_905, %mul3A_909 : i32
          %dma_start3A_911 = tpu.memref_slice %arg11[%mul3A_910] : memref<8000xf32, #tpu.memory_space<vmem>> -> memref<4000xf32, #tpu.memory_space<vmem>>
          %dma_start3A_912 = tpu.memref_slice %arg2[%add3A_908] : memref<51200000xf32, #tpu.memory_space<hbm>> -> memref<4000xf32, #tpu.memory_space<hbm>>
          %dma_start3A_913 = tpu.memref_slice %arg11[%mul3A_910] : memref<8000xf32, #tpu.memory_space<vmem>> -> memref<4000xf32, #tpu.memory_space<vmem>>
          %dma_start3A_914 = tpu.memref_slice %arg2[%add3A_908] : memref<51200000xf32, #tpu.memory_space<hbm>> -> memref<4000xf32, #tpu.memory_space<hbm>>
          tpu.enqueue_dma source(%dma_start3A_914 : memref<4000xf32, #tpu.memory_space<hbm>>) target(%dma_start3A_913 : memref<4000xf32, #tpu.memory_space<vmem>>) target_semaphore(%arg26 : memref<!tpu.dma_semaphore, #tpu.memory_space<semaphore_mem>>)
        } else {
        }
        %mul3A_881 = arith.constant 4000 : i32
        %mul3A_882 = arith.muli %rem3A_867, %mul3A_881 : i32
        %scan3A_883 = arith.constant 0 : i32
        %scan3A_884 = arith.constant 25 : i32
        %scan3A_885 = arith.addi %scan3A_883, %scan3A_884 : i32
        %scan3A_886 = arith.constant 1 : i32
        %scan3A_887:2 = scf.for %scan3A_902 = %scan3A_883 to %scan3A_885 step %scan3A_886 iter_args(%scan3A_903 = %scan3A_861, %scan3A_904 = %scan3A_862) -> (vector<16xi32>, vector<16xi32>)  : i32 {
          %mul3A_905 = arith.constant 160 : i32
          %mul3A_906 = arith.muli %scan3A_902, %mul3A_905 : i32
          %add3A_907 = arith.addi %mul3A_882, %mul3A_906 : i32
          %mul3A_908 = arith.constant 12800 : i32
          %mul3A_909 = arith.muli %scan3A_902, %mul3A_908 : i32
          %add3A_910 = arith.addi %scan3A_865, %mul3A_909 : i32
          %broadcast_in_dim3A_911 = vector.broadcast %add3A_910 : i32 to vector<16xi32>
          %add3A_912 = arith.addi %broadcast_in_dim3A_911, %mul3A_14 : vector<16xi32>
          %add3A_913 = arith.constant 0 : i32
          %add3A_914 = arith.addi %add3A_907, %add3A_913 : i32
          %get3A_915 = arith.index_cast %add3A_914 : i32 to index
          %get3A_916 = tpu.vector_load %arg11[%get3A_915] {strides = array<i32>} : memref<8000xf32, #tpu.memory_space<vmem>>, vector<16xf32>,
          %add3A_917 = arith.constant 16 : i32
          %add3A_918 = arith.addi %add3A_907, %add3A_917 : i32
          %get3A_919 = arith.index_cast %add3A_918 : i32 to index
          %get3A_920 = tpu.vector_load %arg11[%get3A_919] {strides = array<i32>} : memref<8000xf32, #tpu.memory_space<vmem>>, vector<16xf32>,
          %add3A_921 = arith.constant 32 : i32
          %add3A_922 = arith.addi %add3A_907, %add3A_921 : i32
          %get3A_923 = arith.index_cast %add3A_922 : i32 to index
          %get3A_924 = tpu.vector_load %arg11[%get3A_923] {strides = array<i32>} : memref<8000xf32, #tpu.memory_space<vmem>>, vector<16xf32>,
          %add3A_925 = arith.constant 48 : i32
          %add3A_926 = arith.addi %add3A_907, %add3A_925 : i32
          %get3A_927 = arith.index_cast %add3A_926 : i32 to index
          %get3A_928 = tpu.vector_load %arg11[%get3A_927] {strides = array<i32>} : memref<8000xf32, #tpu.memory_space<vmem>>, vector<16xf32>,
          %add3A_929 = arith.constant 64 : i32
          %add3A_930 = arith.addi %add3A_907, %add3A_929 : i32
          %get3A_931 = arith.index_cast %add3A_930 : i32 to index
          %get3A_932 = tpu.vector_load %arg11[%get3A_931] {strides = array<i32>} : memref<8000xf32, #tpu.memory_space<vmem>>, vector<16xf32>,
          %add3A_933 = arith.constant 80 : i32
          %add3A_934 = arith.addi %add3A_907, %add3A_933 : i32
          %get3A_935 = arith.index_cast %add3A_934 : i32 to index
          %get3A_936 = tpu.vector_load %arg11[%get3A_935] {strides = array<i32>} : memref<8000xf32, #tpu.memory_space<vmem>>, vector<16xf32>,
          %add3A_937 = arith.constant 96 : i32
          %add3A_938 = arith.addi %add3A_907, %add3A_937 : i32
          %get3A_939 = arith.index_cast %add3A_938 : i32 to index
          %get3A_940 = tpu.vector_load %arg11[%get3A_939] {strides = array<i32>} : memref<8000xf32, #tpu.memory_space<vmem>>, vector<16xf32>,
          %add3A_941 = arith.constant 112 : i32
          %add3A_942 = arith.addi %add3A_907, %add3A_941 : i32
          %get3A_943 = arith.index_cast %add3A_942 : i32 to index
          %get3A_944 = tpu.vector_load %arg11[%get3A_943] {strides = array<i32>} : memref<8000xf32, #tpu.memory_space<vmem>>, vector<16xf32>,
          %add3A_945 = arith.constant 128 : i32
          %add3A_946 = arith.addi %add3A_907, %add3A_945 : i32
          %get3A_947 = arith.index_cast %add3A_946 : i32 to index
          %get3A_948 = tpu.vector_load %arg11[%get3A_947] {strides = array<i32>} : memref<8000xf32, #tpu.memory_space<vmem>>, vector<16xf32>,
          %add3A_949 = arith.constant 144 : i32
          %add3A_950 = arith.addi %add3A_907, %add3A_949 : i32
          %get3A_951 = arith.index_cast %add3A_950 : i32 to index
          %get3A_952 = tpu.vector_load %arg11[%get3A_951] {strides = array<i32>} : memref<8000xf32, #tpu.memory_space<vmem>>, vector<16xf32>,
          %gt3A_953 = arith.cmpf ogt, %get3A_916, %broadcast_in_dim3A_763 : vector<16xf32>
          %gt3A_954 = arith.cmpf ogt, %get3A_920, %broadcast_in_dim3A_763 : vector<16xf32>
          %gt3A_955 = arith.cmpf ogt, %get3A_924, %broadcast_in_dim3A_763 : vector<16xf32>
          %gt3A_956 = arith.cmpf ogt, %get3A_928, %broadcast_in_dim3A_763 : vector<16xf32>
          %gt3A_957 = arith.cmpf ogt, %get3A_932, %broadcast_in_dim3A_763 : vector<16xf32>
          %gt3A_958 = arith.cmpf ogt, %get3A_936, %broadcast_in_dim3A_763 : vector<16xf32>
          %gt3A_959 = arith.cmpf ogt, %get3A_940, %broadcast_in_dim3A_763 : vector<16xf32>
          %gt3A_960 = arith.cmpf ogt, %get3A_944, %broadcast_in_dim3A_763 : vector<16xf32>
          %gt3A_961 = arith.cmpf ogt, %get3A_948, %broadcast_in_dim3A_763 : vector<16xf32>
          %gt3A_962 = arith.cmpf ogt, %get3A_952, %broadcast_in_dim3A_763 : vector<16xf32>
          %min3A_963 = arith.minsi %scan3A_903, %broadcast_in_dim3A_11 : vector<16xi32>
          %add3A_964 = arith.addi %min3A_963, %iota3A : vector<16xi32>
          %select_n3A_965 = arith.select %gt3A_953, %broadcast_in_dim3A_19, %broadcast_in_dim3A_9 : vector<16xi1>, vector<16xi32>
          %add3A_966 = arith.addi %scan3A_903, %select_n3A_965 : vector<16xi32>
          %min3A_967 = arith.minsi %scan3A_904, %broadcast_in_dim3A_11 : vector<16xi32>
          %add3A_968 = arith.addi %min3A_967, %add3A_17 : vector<16xi32>
          %select_n3A_969 = arith.select %gt3A_954, %broadcast_in_dim3A_19, %broadcast_in_dim3A_9 : vector<16xi1>, vector<16xi32>
          %add3A_970 = arith.addi %scan3A_904, %select_n3A_969 : vector<16xi32>
          %min3A_971 = arith.minsi %add3A_966, %broadcast_in_dim3A_11 : vector<16xi32>
          %add3A_972 = arith.addi %min3A_971, %iota3A : vector<16xi32>
          %select_n3A_973 = arith.select %gt3A_955, %broadcast_in_dim3A_19, %broadcast_in_dim3A_9 : vector<16xi1>, vector<16xi32>
          %add3A_974 = arith.addi %add3A_966, %select_n3A_973 : vector<16xi32>
          %min3A_975 = arith.minsi %add3A_970, %broadcast_in_dim3A_11 : vector<16xi32>
          %add3A_976 = arith.addi %min3A_975, %add3A_17 : vector<16xi32>
          %select_n3A_977 = arith.select %gt3A_956, %broadcast_in_dim3A_19, %broadcast_in_dim3A_9 : vector<16xi1>, vector<16xi32>
          %add3A_978 = arith.addi %add3A_970, %select_n3A_977 : vector<16xi32>
          %min3A_979 = arith.minsi %add3A_974, %broadcast_in_dim3A_11 : vector<16xi32>
          %add3A_980 = arith.addi %min3A_979, %iota3A : vector<16xi32>
          %select_n3A_981 = arith.select %gt3A_957, %broadcast_in_dim3A_19, %broadcast_in_dim3A_9 : vector<16xi1>, vector<16xi32>
          %add3A_982 = arith.addi %add3A_974, %select_n3A_981 : vector<16xi32>
          %min3A_983 = arith.minsi %add3A_978, %broadcast_in_dim3A_11 : vector<16xi32>
          %add3A_984 = arith.addi %min3A_983, %add3A_17 : vector<16xi32>
          %select_n3A_985 = arith.select %gt3A_958, %broadcast_in_dim3A_19, %broadcast_in_dim3A_9 : vector<16xi1>, vector<16xi32>
          %add3A_986 = arith.addi %add3A_978, %select_n3A_985 : vector<16xi32>
          %min3A_987 = arith.minsi %add3A_982, %broadcast_in_dim3A_11 : vector<16xi32>
          %add3A_988 = arith.addi %min3A_987, %iota3A : vector<16xi32>
          %select_n3A_989 = arith.select %gt3A_959, %broadcast_in_dim3A_19, %broadcast_in_dim3A_9 : vector<16xi1>, vector<16xi32>
          %add3A_990 = arith.addi %add3A_982, %select_n3A_989 : vector<16xi32>
          %min3A_991 = arith.minsi %add3A_986, %broadcast_in_dim3A_11 : vector<16xi32>
          %add3A_992 = arith.addi %min3A_991, %add3A_17 : vector<16xi32>
          %select_n3A_993 = arith.select %gt3A_960, %broadcast_in_dim3A_19, %broadcast_in_dim3A_9 : vector<16xi1>, vector<16xi32>
          %add3A_994 = arith.addi %add3A_986, %select_n3A_993 : vector<16xi32>
          %min3A_995 = arith.minsi %add3A_990, %broadcast_in_dim3A_11 : vector<16xi32>
          %add3A_996 = arith.addi %min3A_995, %iota3A : vector<16xi32>
          %select_n3A_997 = arith.select %gt3A_961, %broadcast_in_dim3A_19, %broadcast_in_dim3A_9 : vector<16xi1>, vector<16xi32>
          %add3A_998 = arith.addi %add3A_990, %select_n3A_997 : vector<16xi32>
          %min3A_999 = arith.minsi %add3A_994, %broadcast_in_dim3A_11 : vector<16xi32>
          %add3A_1000 = arith.addi %min3A_999, %add3A_17 : vector<16xi32>
          %select_n3A_1001 = arith.select %gt3A_962, %broadcast_in_dim3A_19, %broadcast_in_dim3A_9 : vector<16xi1>, vector<16xi32>
          %add3A_1002 = arith.addi %add3A_994, %select_n3A_1001 : vector<16xi32>
          tpu.vector_store_idx %arg12[%add3A_964], %get3A_916 masked %gt3A_953 : memref<8192xf32, #tpu.memory_space<vmem>>[vector<16xi32>], vector<16xf32>, vector<16xi1>
          %add3A_1003 = arith.constant 0 : i32
          %add3A_1004 = vector.broadcast %add3A_1003 : i32 to vector<16xi32>
          %add3A_1005 = arith.addi %add3A_912, %add3A_1004 : vector<16xi32>
          tpu.vector_store_idx %arg13[%add3A_964], %add3A_1005 masked %gt3A_953 : memref<8192xi32, #tpu.memory_space<vmem>>[vector<16xi32>], vector<16xi32>, vector<16xi1>
          tpu.vector_store_idx %arg12[%add3A_968], %get3A_920 masked %gt3A_954 : memref<8192xf32, #tpu.memory_space<vmem>>[vector<16xi32>], vector<16xf32>, vector<16xi1>
          %add3A_1006 = arith.constant 1280 : i32
          %add3A_1007 = vector.broadcast %add3A_1006 : i32 to vector<16xi32>
          %add3A_1008 = arith.addi %add3A_912, %add3A_1007 : vector<16xi32>
          tpu.vector_store_idx %arg13[%add3A_968], %add3A_1008 masked %gt3A_954 : memref<8192xi32, #tpu.memory_space<vmem>>[vector<16xi32>], vector<16xi32>, vector<16xi1>
          tpu.vector_store_idx %arg12[%add3A_972], %get3A_924 masked %gt3A_955 : memref<8192xf32, #tpu.memory_space<vmem>>[vector<16xi32>], vector<16xf32>, vector<16xi1>
          %add3A_1009 = arith.constant 2560 : i32
          %add3A_1010 = vector.broadcast %add3A_1009 : i32 to vector<16xi32>
          %add3A_1011 = arith.addi %add3A_912, %add3A_1010 : vector<16xi32>
          tpu.vector_store_idx %arg13[%add3A_972], %add3A_1011 masked %gt3A_955 : memref<8192xi32, #tpu.memory_space<vmem>>[vector<16xi32>], vector<16xi32>, vector<16xi1>
          tpu.vector_store_idx %arg12[%add3A_976], %get3A_928 masked %gt3A_956 : memref<8192xf32, #tpu.memory_space<vmem>>[vector<16xi32>], vector<16xf32>, vector<16xi1>
          %add3A_1012 = arith.constant 3840 : i32
          %add3A_1013 = vector.broadcast %add3A_1012 : i32 to vector<16xi32>
          %add3A_1014 = arith.addi %add3A_912, %add3A_1013 : vector<16xi32>
          tpu.vector_store_idx %arg13[%add3A_976], %add3A_1014 masked %gt3A_956 : memref<8192xi32, #tpu.memory_space<vmem>>[vector<16xi32>], vector<16xi32>, vector<16xi1>
          tpu.vector_store_idx %arg12[%add3A_980], %get3A_932 masked %gt3A_957 : memref<8192xf32, #tpu.memory_space<vmem>>[vector<16xi32>], vector<16xf32>, vector<16xi1>
          %add3A_1015 = arith.constant 5120 : i32
          %add3A_1016 = vector.broadcast %add3A_1015 : i32 to vector<16xi32>
          %add3A_1017 = arith.addi %add3A_912, %add3A_1016 : vector<16xi32>
          tpu.vector_store_idx %arg13[%add3A_980], %add3A_1017 masked %gt3A_957 : memref<8192xi32, #tpu.memory_space<vmem>>[vector<16xi32>], vector<16xi32>, vector<16xi1>
          tpu.vector_store_idx %arg12[%add3A_984], %get3A_936 masked %gt3A_958 : memref<8192xf32, #tpu.memory_space<vmem>>[vector<16xi32>], vector<16xf32>, vector<16xi1>
          %add3A_1018 = arith.constant 6400 : i32
          %add3A_1019 = vector.broadcast %add3A_1018 : i32 to vector<16xi32>
          %add3A_1020 = arith.addi %add3A_912, %add3A_1019 : vector<16xi32>
          tpu.vector_store_idx %arg13[%add3A_984], %add3A_1020 masked %gt3A_958 : memref<8192xi32, #tpu.memory_space<vmem>>[vector<16xi32>], vector<16xi32>, vector<16xi1>
          tpu.vector_store_idx %arg12[%add3A_988], %get3A_940 masked %gt3A_959 : memref<8192xf32, #tpu.memory_space<vmem>>[vector<16xi32>], vector<16xf32>, vector<16xi1>
          %add3A_1021 = arith.constant 7680 : i32
          %add3A_1022 = vector.broadcast %add3A_1021 : i32 to vector<16xi32>
          %add3A_1023 = arith.addi %add3A_912, %add3A_1022 : vector<16xi32>
          tpu.vector_store_idx %arg13[%add3A_988], %add3A_1023 masked %gt3A_959 : memref<8192xi32, #tpu.memory_space<vmem>>[vector<16xi32>], vector<16xi32>, vector<16xi1>
          tpu.vector_store_idx %arg12[%add3A_992], %get3A_944 masked %gt3A_960 : memref<8192xf32, #tpu.memory_space<vmem>>[vector<16xi32>], vector<16xf32>, vector<16xi1>
          %add3A_1024 = arith.constant 8960 : i32
          %add3A_1025 = vector.broadcast %add3A_1024 : i32 to vector<16xi32>
          %add3A_1026 = arith.addi %add3A_912, %add3A_1025 : vector<16xi32>
          tpu.vector_store_idx %arg13[%add3A_992], %add3A_1026 masked %gt3A_960 : memref<8192xi32, #tpu.memory_space<vmem>>[vector<16xi32>], vector<16xi32>, vector<16xi1>
          tpu.vector_store_idx %arg12[%add3A_996], %get3A_948 masked %gt3A_961 : memref<8192xf32, #tpu.memory_space<vmem>>[vector<16xi32>], vector<16xf32>, vector<16xi1>
          %add3A_1027 = arith.constant 10240 : i32
          %add3A_1028 = vector.broadcast %add3A_1027 : i32 to vector<16xi32>
          %add3A_1029 = arith.addi %add3A_912, %add3A_1028 : vector<16xi32>
          tpu.vector_store_idx %arg13[%add3A_996], %add3A_1029 masked %gt3A_961 : memref<8192xi32, #tpu.memory_space<vmem>>[vector<16xi32>], vector<16xi32>, vector<16xi1>
          tpu.vector_store_idx %arg12[%add3A_1000], %get3A_952 masked %gt3A_962 : memref<8192xf32, #tpu.memory_space<vmem>>[vector<16xi32>], vector<16xf32>, vector<16xi1>
          %add3A_1030 = arith.constant 11520 : i32
          %add3A_1031 = vector.broadcast %add3A_1030 : i32 to vector<16xi32>
          %add3A_1032 = arith.addi %add3A_912, %add3A_1031 : vector<16xi32>
          tpu.vector_store_idx %arg13[%add3A_1000], %add3A_1032 masked %gt3A_962 : memref<8192xi32, #tpu.memory_space<vmem>>[vector<16xi32>], vector<16xi32>, vector<16xi1>
          scf.yield %add3A_998, %add3A_1002 : vector<16xi32>, vector<16xi32>
        }
        %scan3A_888 = arith.constant 25 : i32
        %add3A_889 = arith.constant 4000 : i32
        %add3A_890 = arith.addi %scan3A_863, %add3A_889 : i32
        %eq3A_891 = arith.constant 20000 : i32
        %eq3A_892 = arith.cmpi eq, %add3A_890, %eq3A_891 : i32
        %jit3A_893 = arith.constant 0 : i32
        %select_n3A_894 = arith.select %eq3A_892, %jit3A_893, %add3A_890 : i32
        %add3A_895 = arith.constant 1 : i32
        %add3A_896 = arith.addi %scan3A_864, %add3A_895 : i32
        %add3A_897 = arith.constant 320000 : i32
        %add3A_898 = arith.addi %scan3A_865, %add3A_897 : i32
        %select_n3A_899 = arith.select %eq3A_892, %add3A_896, %add3A_898 : i32
        %convert_element_type3A_900 = arith.extui %eq3A_892 : i1 to i32
        %add3A_901 = arith.addi %scan3A_864, %convert_element_type3A_900 : i32
        scf.yield %scan3A_887#0, %scan3A_887#1, %select_n3A_894, %add3A_901, %select_n3A_899 : vector<16xi32>, vector<16xi32>, i32, i32, i32
      }
      %scan3A_780 = arith.constant 400 : i32
      %shift_right_arithmetic3A_781 = arith.constant 5 : i32
      %shift_right_arithmetic3A_782 = vector.broadcast %shift_right_arithmetic3A_781 : i32 to vector<16xi32>
      %shift_right_arithmetic3A_783 = arith.shrsi %scan3A_779#0, %shift_right_arithmetic3A_782 : vector<16xi32>
      %shift_right_arithmetic3A_784 = arith.constant 5 : i32
      %shift_right_arithmetic3A_785 = vector.broadcast %shift_right_arithmetic3A_784 : i32 to vector<16xi32>
      %shift_right_arithmetic3A_786 = arith.shrsi %scan3A_779#1, %shift_right_arithmetic3A_785 : vector<16xi32>
      %add3A_787 = arith.addi %shift_right_arithmetic3A_783, %shift_right_arithmetic3A_786 : vector<16xi32>
      %swap3A_788 = arith.constant 0 : index
      %swap3A_789 = tpu.vector_load %arg19[%swap3A_788] {strides = array<i32>} : memref<16xi32, #tpu.memory_space<vmem>>, vector<16xi32>,
      tpu.vector_store %arg19[%swap3A_788], %add3A_787 {strides = array<i32>} : memref<16xi32, #tpu.memory_space<vmem>>, vector<16xi32>,
      %xor3A_790 = arith.constant 1 : i32
      %xor3A_791 = vector.broadcast %xor3A_790 : i32 to vector<16xi32>
      %xor3A_792 = arith.xori %iota3A, %xor3A_791 : vector<16xi32>
      %gather3A_793 = tpu.vector_load_idx %arg19[%xor3A_792] : memref<16xi32, #tpu.memory_space<vmem>>[vector<16xi32>], vector<16xi32>,
      %add3A_794 = arith.addi %add3A_787, %gather3A_793 : vector<16xi32>
      %swap3A_795 = arith.constant 0 : index
      %swap3A_796 = tpu.vector_load %arg19[%swap3A_795] {strides = array<i32>} : memref<16xi32, #tpu.memory_space<vmem>>, vector<16xi32>,
      tpu.vector_store %arg19[%swap3A_795], %add3A_794 {strides = array<i32>} : memref<16xi32, #tpu.memory_space<vmem>>, vector<16xi32>,
      %xor3A_797 = arith.constant 2 : i32
      %xor3A_798 = vector.broadcast %xor3A_797 : i32 to vector<16xi32>
      %xor3A_799 = arith.xori %iota3A, %xor3A_798 : vector<16xi32>
      %gather3A_800 = tpu.vector_load_idx %arg19[%xor3A_799] : memref<16xi32, #tpu.memory_space<vmem>>[vector<16xi32>], vector<16xi32>,
      %add3A_801 = arith.addi %add3A_794, %gather3A_800 : vector<16xi32>
      %swap3A_802 = arith.constant 0 : index
      %swap3A_803 = tpu.vector_load %arg19[%swap3A_802] {strides = array<i32>} : memref<16xi32, #tpu.memory_space<vmem>>, vector<16xi32>,
      tpu.vector_store %arg19[%swap3A_802], %add3A_801 {strides = array<i32>} : memref<16xi32, #tpu.memory_space<vmem>>, vector<16xi32>,
      %xor3A_804 = arith.constant 4 : i32
      %xor3A_805 = vector.broadcast %xor3A_804 : i32 to vector<16xi32>
      %xor3A_806 = arith.xori %iota3A, %xor3A_805 : vector<16xi32>
      %gather3A_807 = tpu.vector_load_idx %arg19[%xor3A_806] : memref<16xi32, #tpu.memory_space<vmem>>[vector<16xi32>], vector<16xi32>,
      %add3A_808 = arith.addi %add3A_801, %gather3A_807 : vector<16xi32>
      %swap3A_809 = arith.constant 0 : index
      %swap3A_810 = tpu.vector_load %arg19[%swap3A_809] {strides = array<i32>} : memref<16xi32, #tpu.memory_space<vmem>>, vector<16xi32>,
      tpu.vector_store %arg19[%swap3A_809], %add3A_808 {strides = array<i32>} : memref<16xi32, #tpu.memory_space<vmem>>, vector<16xi32>,
      %xor3A_811 = arith.constant 8 : i32
      %xor3A_812 = vector.broadcast %xor3A_811 : i32 to vector<16xi32>
      %xor3A_813 = arith.xori %iota3A, %xor3A_812 : vector<16xi32>
      %gather3A_814 = tpu.vector_load_idx %arg19[%xor3A_813] : memref<16xi32, #tpu.memory_space<vmem>>[vector<16xi32>], vector<16xi32>,
      %add3A_815 = arith.addi %add3A_808, %gather3A_814 : vector<16xi32>
      %slice3A_816 = vector.extract_strided_slice %add3A_815 {offsets = [0], sizes = [1], strides = [1]} : vector<16xi32> to vector<1xi32>
      %squeeze3A_817 = vector.extract %slice3A_816[0] : i32 from vector<1xi32>
      %max3A_818 = arith.maxsi %shift_right_arithmetic3A_783, %shift_right_arithmetic3A_786 : vector<16xi32>
      %swap3A_819 = arith.constant 0 : index
      %swap3A_820 = tpu.vector_load %arg19[%swap3A_819] {strides = array<i32>} : memref<16xi32, #tpu.memory_space<vmem>>, vector<16xi32>,
      tpu.vector_store %arg19[%swap3A_819], %max3A_818 {strides = array<i32>} : memref<16xi32, #tpu.memory_space<vmem>>, vector<16xi32>,
      %xor3A_821 = arith.constant 1 : i32
      %xor3A_822 = vector.broadcast %xor3A_821 : i32 to vector<16xi32>
      %xor3A_823 = arith.xori %iota3A, %xor3A_822 : vector<16xi32>
      %gather3A_824 = tpu.vector_load_idx %arg19[%xor3A_823] : memref<16xi32, #tpu.memory_space<vmem>>[vector<16xi32>], vector<16xi32>,
      %max3A_825 = arith.maxsi %max3A_818, %gather3A_824 : vector<16xi32>
      %swap3A_826 = arith.constant 0 : index
      %swap3A_827 = tpu.vector_load %arg19[%swap3A_826] {strides = array<i32>} : memref<16xi32, #tpu.memory_space<vmem>>, vector<16xi32>,
      tpu.vector_store %arg19[%swap3A_826], %max3A_825 {strides = array<i32>} : memref<16xi32, #tpu.memory_space<vmem>>, vector<16xi32>,
      %xor3A_828 = arith.constant 2 : i32
      %xor3A_829 = vector.broadcast %xor3A_828 : i32 to vector<16xi32>
      %xor3A_830 = arith.xori %iota3A, %xor3A_829 : vector<16xi32>
      %gather3A_831 = tpu.vector_load_idx %arg19[%xor3A_830] : memref<16xi32, #tpu.memory_space<vmem>>[vector<16xi32>], vector<16xi32>,
      %max3A_832 = arith.maxsi %max3A_825, %gather3A_831 : vector<16xi32>
      %swap3A_833 = arith.constant 0 : index
      %swap3A_834 = tpu.vector_load %arg19[%swap3A_833] {strides = array<i32>} : memref<16xi32, #tpu.memory_space<vmem>>, vector<16xi32>,
      tpu.vector_store %arg19[%swap3A_833], %max3A_832 {strides = array<i32>} : memref<16xi32, #tpu.memory_space<vmem>>, vector<16xi32>,
      %xor3A_835 = arith.constant 4 : i32
      %xor3A_836 = vector.broadcast %xor3A_835 : i32 to vector<16xi32>
      %xor3A_837 = arith.xori %iota3A, %xor3A_836 : vector<16xi32>
      %gather3A_838 = tpu.vector_load_idx %arg19[%xor3A_837] : memref<16xi32, #tpu.memory_space<vmem>>[vector<16xi32>], vector<16xi32>,
      %max3A_839 = arith.maxsi %max3A_832, %gather3A_838 : vector<16xi32>
      %swap3A_840 = arith.constant 0 : index
      %swap3A_841 = tpu.vector_load %arg19[%swap3A_840] {strides = array<i32>} : memref<16xi32, #tpu.memory_space<vmem>>, vector<16xi32>,
      tpu.vector_store %arg19[%swap3A_840], %max3A_839 {strides = array<i32>} : memref<16xi32, #tpu.memory_space<vmem>>, vector<16xi32>,
      %xor3A_842 = arith.constant 8 : i32
      %xor3A_843 = vector.broadcast %xor3A_842 : i32 to vector<16xi32>
      %xor3A_844 = arith.xori %iota3A, %xor3A_843 : vector<16xi32>
      %gather3A_845 = tpu.vector_load_idx %arg19[%xor3A_844] : memref<16xi32, #tpu.memory_space<vmem>>[vector<16xi32>], vector<16xi32>,
      %max3A_846 = arith.maxsi %max3A_839, %gather3A_845 : vector<16xi32>
      %slice3A_847 = vector.extract_strided_slice %max3A_846 {offsets = [0], sizes = [1], strides = [1]} : vector<16xi32> to vector<1xi32>
      %squeeze3A_848 = vector.extract %slice3A_847[0] : i32 from vector<1xi32>
      %gt3A_849 = arith.constant 4096 : i32
      %gt3A_850 = arith.cmpi sgt, %squeeze3A_817, %gt3A_849 : i32
      %gt3A_851 = arith.constant 256 : i32
      %gt3A_852 = arith.cmpi sgt, %squeeze3A_848, %gt3A_851 : i32
      %or3A_853 = arith.ori %gt3A_850, %gt3A_852 : i1
      %select_n3A_854 = arith.select %or3A_853, %add3A_754, %while3A_744 : i32
      %lt3A_855 = arith.constant 300 : i32
      %lt3A_856 = arith.cmpi slt, %squeeze3A_817, %lt3A_855 : i32
      %select_n3A_857 = arith.select %lt3A_856, %add3A_754, %while3A_745 : i32
      %add3A_858 = arith.constant 1 : i32
      %add3A_859 = arith.addi %while3A_750, %add3A_858 : i32
      scf.yield %select_n3A_854, %select_n3A_857, %shift_right_arithmetic3A_783, %shift_right_arithmetic3A_786, %squeeze3A_817, %squeeze3A_848, %add3A_859 : i32, i32, vector<16xi32>, vector<16xi32>, i32, i32, i32
    }
    %broadcast_in_dim3A_112 = arith.constant -3.000000e+38 : f32
    %broadcast_in_dim3A_113 = vector.broadcast %broadcast_in_dim3A_112 : f32 to vector<16xf32>
    %broadcast_in_dim3A_114 = arith.constant 2147483647 : i32
    %broadcast_in_dim3A_115 = vector.broadcast %broadcast_in_dim3A_114 : i32 to vector<16xi32>
    %scan3A_116 = arith.constant 0 : i32
    %scan3A_117 = arith.constant 0 : i32
    %scan3A_118 = arith.constant 256 : i32
    %scan3A_119 = arith.addi %scan3A_117, %scan3A_118 : i32
    %scan3A_120 = arith.constant 1 : i32
    %scan3A_121 = scf.for %scan3A_744 = %scan3A_117 to %scan3A_119 step %scan3A_120 iter_args(%scan3A_745 = %scan3A_116) -> (i32)  : i32 {
      %mul3A_746 = arith.constant 16 : i32
      %mul3A_747 = arith.muli %scan3A_744, %mul3A_746 : i32
      %swap3A_748 = arith.index_cast %mul3A_747 : i32 to index
      %swap3A_749 = tpu.vector_load %arg14[%swap3A_748] {strides = array<i32>} : memref<4096xf32, #tpu.memory_space<vmem>>, vector<16xf32>,
      tpu.vector_store %arg14[%swap3A_748], %broadcast_in_dim3A_113 {strides = array<i32>} : memref<4096xf32, #tpu.memory_space<vmem>>, vector<16xf32>,
      %mul3A_750 = arith.constant 16 : i32
      %mul3A_751 = arith.muli %scan3A_744, %mul3A_750 : i32
      %swap3A_752 = arith.index_cast %mul3A_751 : i32 to index
      %swap3A_753 = tpu.vector_load %arg15[%swap3A_752] {strides = array<i32>} : memref<4096xi32, #tpu.memory_space<vmem>>, vector<16xi32>,
      tpu.vector_store %arg15[%swap3A_752], %broadcast_in_dim3A_115 {strides = array<i32>} : memref<4096xi32, #tpu.memory_space<vmem>>, vector<16xi32>,
      %scan3A_754 = arith.constant 0 : i32
      scf.yield %scan3A_754 : i32
    }
    %scan3A_122 = arith.constant 256 : i32
    %swap3A_123 = arith.constant 0 : index
    %swap3A_124 = tpu.vector_load %arg19[%swap3A_123] {strides = array<i32>} : memref<16xi32, #tpu.memory_space<vmem>>, vector<16xi32>,
    tpu.vector_store %arg19[%swap3A_123], %while3A_111#2 {strides = array<i32>} : memref<16xi32, #tpu.memory_space<vmem>>, vector<16xi32>,
    %xor3A_125 = arith.constant 1 : i32
    %xor3A_126 = vector.broadcast %xor3A_125 : i32 to vector<16xi32>
    %xor3A_127 = arith.xori %iota3A, %xor3A_126 : vector<16xi32>
    %gather3A_128 = tpu.vector_load_idx %arg19[%xor3A_127] : memref<16xi32, #tpu.memory_space<vmem>>[vector<16xi32>], vector<16xi32>,
    %add3A_129 = arith.addi %while3A_111#2, %gather3A_128 : vector<16xi32>
    %swap3A_130 = arith.constant 0 : index
    %swap3A_131 = tpu.vector_load %arg19[%swap3A_130] {strides = array<i32>} : memref<16xi32, #tpu.memory_space<vmem>>, vector<16xi32>,
    tpu.vector_store %arg19[%swap3A_130], %add3A_129 {strides = array<i32>} : memref<16xi32, #tpu.memory_space<vmem>>, vector<16xi32>,
    %xor3A_132 = arith.constant 2 : i32
    %xor3A_133 = vector.broadcast %xor3A_132 : i32 to vector<16xi32>
    %xor3A_134 = arith.xori %iota3A, %xor3A_133 : vector<16xi32>
    %gather3A_135 = tpu.vector_load_idx %arg19[%xor3A_134] : memref<16xi32, #tpu.memory_space<vmem>>[vector<16xi32>], vector<16xi32>,
    %add3A_136 = arith.addi %add3A_129, %gather3A_135 : vector<16xi32>
    %swap3A_137 = arith.constant 0 : index
    %swap3A_138 = tpu.vector_load %arg19[%swap3A_137] {strides = array<i32>} : memref<16xi32, #tpu.memory_space<vmem>>, vector<16xi32>,
    tpu.vector_store %arg19[%swap3A_137], %add3A_136 {strides = array<i32>} : memref<16xi32, #tpu.memory_space<vmem>>, vector<16xi32>,
    %xor3A_139 = arith.constant 4 : i32
    %xor3A_140 = vector.broadcast %xor3A_139 : i32 to vector<16xi32>
    %xor3A_141 = arith.xori %iota3A, %xor3A_140 : vector<16xi32>
    %gather3A_142 = tpu.vector_load_idx %arg19[%xor3A_141] : memref<16xi32, #tpu.memory_space<vmem>>[vector<16xi32>], vector<16xi32>,
    %add3A_143 = arith.addi %add3A_136, %gather3A_142 : vector<16xi32>
    %swap3A_144 = arith.constant 0 : index
    %swap3A_145 = tpu.vector_load %arg19[%swap3A_144] {strides = array<i32>} : memref<16xi32, #tpu.memory_space<vmem>>, vector<16xi32>,
    tpu.vector_store %arg19[%swap3A_144], %add3A_143 {strides = array<i32>} : memref<16xi32, #tpu.memory_space<vmem>>, vector<16xi32>,
    %xor3A_146 = arith.constant 8 : i32
    %xor3A_147 = vector.broadcast %xor3A_146 : i32 to vector<16xi32>
    %xor3A_148 = arith.xori %iota3A, %xor3A_147 : vector<16xi32>
    %gather3A_149 = tpu.vector_load_idx %arg19[%xor3A_148] : memref<16xi32, #tpu.memory_space<vmem>>[vector<16xi32>], vector<16xi32>,
    %add3A_150 = arith.addi %add3A_143, %gather3A_149 : vector<16xi32>
    %swap3A_151 = arith.constant 0 : index
    %swap3A_152 = tpu.vector_load %arg19[%swap3A_151] {strides = array<i32>} : memref<16xi32, #tpu.memory_space<vmem>>, vector<16xi32>,
    tpu.vector_store %arg19[%swap3A_151], %while3A_111#2 {strides = array<i32>} : memref<16xi32, #tpu.memory_space<vmem>>, vector<16xi32>,
    %sub3A = arith.constant 1 : i32
    %sub3A_153 = vector.broadcast %sub3A : i32 to vector<16xi32>
    %sub3A_154 = arith.subi %iota3A, %sub3A_153 : vector<16xi32>
    %max3A_155 = arith.constant 0 : i32
    %max3A_156 = vector.broadcast %max3A_155 : i32 to vector<16xi32>
    %max3A_157 = arith.maxsi %sub3A_154, %max3A_156 : vector<16xi32>
    %gather3A_158 = tpu.vector_load_idx %arg19[%max3A_157] : memref<16xi32, #tpu.memory_space<vmem>>[vector<16xi32>], vector<16xi32>,
    %ge3A = arith.constant 1 : i32
    %ge3A_159 = vector.broadcast %ge3A : i32 to vector<16xi32>
    %ge3A_160 = arith.cmpi sge, %iota3A, %ge3A_159 : vector<16xi32>
    %select_n3A_161 = arith.select %ge3A_160, %gather3A_158, %broadcast_in_dim3A_9 : vector<16xi1>, vector<16xi32>
    %add3A_162 = arith.addi %while3A_111#2, %select_n3A_161 : vector<16xi32>
    %swap3A_163 = arith.constant 0 : index
    %swap3A_164 = tpu.vector_load %arg19[%swap3A_163] {strides = array<i32>} : memref<16xi32, #tpu.memory_space<vmem>>, vector<16xi32>,
    tpu.vector_store %arg19[%swap3A_163], %add3A_162 {strides = array<i32>} : memref<16xi32, #tpu.memory_space<vmem>>, vector<16xi32>,
    %sub3A_165 = arith.constant 2 : i32
    %sub3A_166 = vector.broadcast %sub3A_165 : i32 to vector<16xi32>
    %sub3A_167 = arith.subi %iota3A, %sub3A_166 : vector<16xi32>
    %max3A_168 = arith.constant 0 : i32
    %max3A_169 = vector.broadcast %max3A_168 : i32 to vector<16xi32>
    %max3A_170 = arith.maxsi %sub3A_167, %max3A_169 : vector<16xi32>
    %gather3A_171 = tpu.vector_load_idx %arg19[%max3A_170] : memref<16xi32, #tpu.memory_space<vmem>>[vector<16xi32>], vector<16xi32>,
    %ge3A_172 = arith.constant 2 : i32
    %ge3A_173 = vector.broadcast %ge3A_172 : i32 to vector<16xi32>
    %ge3A_174 = arith.cmpi sge, %iota3A, %ge3A_173 : vector<16xi32>
    %select_n3A_175 = arith.select %ge3A_174, %gather3A_171, %broadcast_in_dim3A_9 : vector<16xi1>, vector<16xi32>
    %add3A_176 = arith.addi %add3A_162, %select_n3A_175 : vector<16xi32>
    %swap3A_177 = arith.constant 0 : index
    %swap3A_178 = tpu.vector_load %arg19[%swap3A_177] {strides = array<i32>} : memref<16xi32, #tpu.memory_space<vmem>>, vector<16xi32>,
    tpu.vector_store %arg19[%swap3A_177], %add3A_176 {strides = array<i32>} : memref<16xi32, #tpu.memory_space<vmem>>, vector<16xi32>,
    %sub3A_179 = arith.constant 4 : i32
    %sub3A_180 = vector.broadcast %sub3A_179 : i32 to vector<16xi32>
    %sub3A_181 = arith.subi %iota3A, %sub3A_180 : vector<16xi32>
    %max3A_182 = arith.constant 0 : i32
    %max3A_183 = vector.broadcast %max3A_182 : i32 to vector<16xi32>
    %max3A_184 = arith.maxsi %sub3A_181, %max3A_183 : vector<16xi32>
    %gather3A_185 = tpu.vector_load_idx %arg19[%max3A_184] : memref<16xi32, #tpu.memory_space<vmem>>[vector<16xi32>], vector<16xi32>,
    %ge3A_186 = arith.constant 4 : i32
    %ge3A_187 = vector.broadcast %ge3A_186 : i32 to vector<16xi32>
    %ge3A_188 = arith.cmpi sge, %iota3A, %ge3A_187 : vector<16xi32>
    %select_n3A_189 = arith.select %ge3A_188, %gather3A_185, %broadcast_in_dim3A_9 : vector<16xi1>, vector<16xi32>
    %add3A_190 = arith.addi %add3A_176, %select_n3A_189 : vector<16xi32>
    %swap3A_191 = arith.constant 0 : index
    %swap3A_192 = tpu.vector_load %arg19[%swap3A_191] {strides = array<i32>} : memref<16xi32, #tpu.memory_space<vmem>>, vector<16xi32>,
    tpu.vector_store %arg19[%swap3A_191], %add3A_190 {strides = array<i32>} : memref<16xi32, #tpu.memory_space<vmem>>, vector<16xi32>,
    %sub3A_193 = arith.constant 8 : i32
    %sub3A_194 = vector.broadcast %sub3A_193 : i32 to vector<16xi32>
    %sub3A_195 = arith.subi %iota3A, %sub3A_194 : vector<16xi32>
    %max3A_196 = arith.constant 0 : i32
    %max3A_197 = vector.broadcast %max3A_196 : i32 to vector<16xi32>
    %max3A_198 = arith.maxsi %sub3A_195, %max3A_197 : vector<16xi32>
    %gather3A_199 = tpu.vector_load_idx %arg19[%max3A_198] : memref<16xi32, #tpu.memory_space<vmem>>[vector<16xi32>], vector<16xi32>,
    %ge3A_200 = arith.constant 8 : i32
    %ge3A_201 = vector.broadcast %ge3A_200 : i32 to vector<16xi32>
    %ge3A_202 = arith.cmpi sge, %iota3A, %ge3A_201 : vector<16xi32>
    %select_n3A_203 = arith.select %ge3A_202, %gather3A_199, %broadcast_in_dim3A_9 : vector<16xi1>, vector<16xi32>
    %add3A_204 = arith.addi %add3A_190, %select_n3A_203 : vector<16xi32>
    %sub3A_205 = arith.subi %add3A_204, %while3A_111#2 : vector<16xi32>
    %swap3A_206 = arith.constant 0 : index
    %swap3A_207 = tpu.vector_load %arg19[%swap3A_206] {strides = array<i32>} : memref<16xi32, #tpu.memory_space<vmem>>, vector<16xi32>,
    tpu.vector_store %arg19[%swap3A_206], %while3A_111#3 {strides = array<i32>} : memref<16xi32, #tpu.memory_space<vmem>>, vector<16xi32>,
    %sub3A_208 = arith.constant 1 : i32
    %sub3A_209 = vector.broadcast %sub3A_208 : i32 to vector<16xi32>
    %sub3A_210 = arith.subi %iota3A, %sub3A_209 : vector<16xi32>
    %max3A_211 = arith.constant 0 : i32
    %max3A_212 = vector.broadcast %max3A_211 : i32 to vector<16xi32>
    %max3A_213 = arith.maxsi %sub3A_210, %max3A_212 : vector<16xi32>
    %gather3A_214 = tpu.vector_load_idx %arg19[%max3A_213] : memref<16xi32, #tpu.memory_space<vmem>>[vector<16xi32>], vector<16xi32>,
    %ge3A_215 = arith.constant 1 : i32
    %ge3A_216 = vector.broadcast %ge3A_215 : i32 to vector<16xi32>
    %ge3A_217 = arith.cmpi sge, %iota3A, %ge3A_216 : vector<16xi32>
    %select_n3A_218 = arith.select %ge3A_217, %gather3A_214, %broadcast_in_dim3A_9 : vector<16xi1>, vector<16xi32>
    %add3A_219 = arith.addi %while3A_111#3, %select_n3A_218 : vector<16xi32>
    %swap3A_220 = arith.constant 0 : index
    %swap3A_221 = tpu.vector_load %arg19[%swap3A_220] {strides = array<i32>} : memref<16xi32, #tpu.memory_space<vmem>>, vector<16xi32>,
    tpu.vector_store %arg19[%swap3A_220], %add3A_219 {strides = array<i32>} : memref<16xi32, #tpu.memory_space<vmem>>, vector<16xi32>,
    %sub3A_222 = arith.constant 2 : i32
    %sub3A_223 = vector.broadcast %sub3A_222 : i32 to vector<16xi32>
    %sub3A_224 = arith.subi %iota3A, %sub3A_223 : vector<16xi32>
    %max3A_225 = arith.constant 0 : i32
    %max3A_226 = vector.broadcast %max3A_225 : i32 to vector<16xi32>
    %max3A_227 = arith.maxsi %sub3A_224, %max3A_226 : vector<16xi32>
    %gather3A_228 = tpu.vector_load_idx %arg19[%max3A_227] : memref<16xi32, #tpu.memory_space<vmem>>[vector<16xi32>], vector<16xi32>,
    %ge3A_229 = arith.constant 2 : i32
    %ge3A_230 = vector.broadcast %ge3A_229 : i32 to vector<16xi32>
    %ge3A_231 = arith.cmpi sge, %iota3A, %ge3A_230 : vector<16xi32>
    %select_n3A_232 = arith.select %ge3A_231, %gather3A_228, %broadcast_in_dim3A_9 : vector<16xi1>, vector<16xi32>
    %add3A_233 = arith.addi %add3A_219, %select_n3A_232 : vector<16xi32>
    %swap3A_234 = arith.constant 0 : index
    %swap3A_235 = tpu.vector_load %arg19[%swap3A_234] {strides = array<i32>} : memref<16xi32, #tpu.memory_space<vmem>>, vector<16xi32>,
    tpu.vector_store %arg19[%swap3A_234], %add3A_233 {strides = array<i32>} : memref<16xi32, #tpu.memory_space<vmem>>, vector<16xi32>,
    %sub3A_236 = arith.constant 4 : i32
    %sub3A_237 = vector.broadcast %sub3A_236 : i32 to vector<16xi32>
    %sub3A_238 = arith.subi %iota3A, %sub3A_237 : vector<16xi32>
    %max3A_239 = arith.constant 0 : i32
    %max3A_240 = vector.broadcast %max3A_239 : i32 to vector<16xi32>
    %max3A_241 = arith.maxsi %sub3A_238, %max3A_240 : vector<16xi32>
    %gather3A_242 = tpu.vector_load_idx %arg19[%max3A_241] : memref<16xi32, #tpu.memory_space<vmem>>[vector<16xi32>], vector<16xi32>,
    %ge3A_243 = arith.constant 4 : i32
    %ge3A_244 = vector.broadcast %ge3A_243 : i32 to vector<16xi32>
    %ge3A_245 = arith.cmpi sge, %iota3A, %ge3A_244 : vector<16xi32>
    %select_n3A_246 = arith.select %ge3A_245, %gather3A_242, %broadcast_in_dim3A_9 : vector<16xi1>, vector<16xi32>
    %add3A_247 = arith.addi %add3A_233, %select_n3A_246 : vector<16xi32>
    %swap3A_248 = arith.constant 0 : index
    %swap3A_249 = tpu.vector_load %arg19[%swap3A_248] {strides = array<i32>} : memref<16xi32, #tpu.memory_space<vmem>>, vector<16xi32>,
    tpu.vector_store %arg19[%swap3A_248], %add3A_247 {strides = array<i32>} : memref<16xi32, #tpu.memory_space<vmem>>, vector<16xi32>,
    %sub3A_250 = arith.constant 8 : i32
    %sub3A_251 = vector.broadcast %sub3A_250 : i32 to vector<16xi32>
    %sub3A_252 = arith.subi %iota3A, %sub3A_251 : vector<16xi32>
    %max3A_253 = arith.constant 0 : i32
    %max3A_254 = vector.broadcast %max3A_253 : i32 to vector<16xi32>
    %max3A_255 = arith.maxsi %sub3A_252, %max3A_254 : vector<16xi32>
    %gather3A_256 = tpu.vector_load_idx %arg19[%max3A_255] : memref<16xi32, #tpu.memory_space<vmem>>[vector<16xi32>], vector<16xi32>,
    %ge3A_257 = arith.constant 8 : i32
    %ge3A_258 = vector.broadcast %ge3A_257 : i32 to vector<16xi32>
    %ge3A_259 = arith.cmpi sge, %iota3A, %ge3A_258 : vector<16xi32>
    %select_n3A_260 = arith.select %ge3A_259, %gather3A_256, %broadcast_in_dim3A_9 : vector<16xi1>, vector<16xi32>
    %add3A_261 = arith.addi %add3A_247, %select_n3A_260 : vector<16xi32>
    %sub3A_262 = arith.subi %add3A_261, %while3A_111#3 : vector<16xi32>
    %add3A_263 = arith.addi %sub3A_262, %add3A_150 : vector<16xi32>
    %broadcast_in_dim3A_264 = arith.constant 4095 : i32
    %broadcast_in_dim3A_265 = vector.broadcast %broadcast_in_dim3A_264 : i32 to vector<16xi32>
    %min3A = arith.constant 256 : i32
    %min3A_266 = arith.minsi %while3A_111#5, %min3A : i32
    %while3A_267 = arith.constant 0 : i32
    %while3A_268 = arith.constant 0 : i32
    %while3A_269 = arith.subi %min3A_266, %while3A_267 : i32
    %while3A_270 = arith.addi %while3A_267, %while3A_269 : i32
    %while3A_271 = arith.constant 1 : i32
    %while3A_272 = arith.divsi %while3A_269, %while3A_271 : i32
    %while3A_273 = arith.muli %while3A_272, %while3A_271 : i32
    %while3A_274 = arith.addi %while3A_267, %while3A_273 : i32
    %while3A_275 = arith.constant 1 : i32
    %while3A_276 = scf.for %while3A_744 = %while3A_267 to %while3A_274 step %while3A_275 iter_args(%while3A_745 = %while3A_268) -> (i32)  : i32 {
      %mul3A_746 = arith.constant 32 : i32
      %mul3A_747 = arith.muli %while3A_744, %mul3A_746 : i32
      %get3A_748 = arith.index_cast %mul3A_747 : i32 to index
      %get3A_749 = tpu.vector_load %arg12[%get3A_748] {strides = array<i32>} : memref<8192xf32, #tpu.memory_space<vmem>>, vector<16xf32>,
      %mul3A_750 = arith.constant 32 : i32
      %mul3A_751 = arith.muli %while3A_744, %mul3A_750 : i32
      %get3A_752 = arith.index_cast %mul3A_751 : i32 to index
      %get3A_753 = tpu.vector_load %arg13[%get3A_752] {strides = array<i32>} : memref<8192xi32, #tpu.memory_space<vmem>>, vector<16xi32>,
      %gt3A_754 = vector.broadcast %while3A_744 : i32 to vector<16xi32>
      %gt3A_755 = arith.cmpi sgt, %while3A_111#2, %gt3A_754 : vector<16xi32>
      %add3A_756 = vector.broadcast %while3A_744 : i32 to vector<16xi32>
      %add3A_757 = arith.addi %sub3A_205, %add3A_756 : vector<16xi32>
      %min3A_758 = arith.minsi %add3A_757, %broadcast_in_dim3A_265 : vector<16xi32>
      tpu.vector_store_idx %arg14[%min3A_758], %get3A_749 masked %gt3A_755 : memref<4096xf32, #tpu.memory_space<vmem>>[vector<16xi32>], vector<16xf32>, vector<16xi1>
      tpu.vector_store_idx %arg15[%min3A_758], %get3A_753 masked %gt3A_755 : memref<4096xi32, #tpu.memory_space<vmem>>[vector<16xi32>], vector<16xi32>, vector<16xi1>
      %mul3A_759 = arith.constant 32 : i32
      %mul3A_760 = arith.muli %while3A_744, %mul3A_759 : i32
      %add3A_761 = arith.constant 16 : i32
      %add3A_762 = arith.addi %mul3A_760, %add3A_761 : i32
      %get3A_763 = arith.index_cast %add3A_762 : i32 to index
      %get3A_764 = tpu.vector_load %arg12[%get3A_763] {strides = array<i32>} : memref<8192xf32, #tpu.memory_space<vmem>>, vector<16xf32>,
      %mul3A_765 = arith.constant 32 : i32
      %mul3A_766 = arith.muli %while3A_744, %mul3A_765 : i32
      %add3A_767 = arith.constant 16 : i32
      %add3A_768 = arith.addi %mul3A_766, %add3A_767 : i32
      %get3A_769 = arith.index_cast %add3A_768 : i32 to index
      %get3A_770 = tpu.vector_load %arg13[%get3A_769] {strides = array<i32>} : memref<8192xi32, #tpu.memory_space<vmem>>, vector<16xi32>,
      %gt3A_771 = vector.broadcast %while3A_744 : i32 to vector<16xi32>
      %gt3A_772 = arith.cmpi sgt, %while3A_111#3, %gt3A_771 : vector<16xi32>
      %add3A_773 = vector.broadcast %while3A_744 : i32 to vector<16xi32>
      %add3A_774 = arith.addi %add3A_263, %add3A_773 : vector<16xi32>
      %min3A_775 = arith.minsi %add3A_774, %broadcast_in_dim3A_265 : vector<16xi32>
      tpu.vector_store_idx %arg14[%min3A_775], %get3A_764 masked %gt3A_772 : memref<4096xf32, #tpu.memory_space<vmem>>[vector<16xi32>], vector<16xf32>, vector<16xi1>
      tpu.vector_store_idx %arg15[%min3A_775], %get3A_770 masked %gt3A_772 : memref<4096xi32, #tpu.memory_space<vmem>>[vector<16xi32>], vector<16xi32>, vector<16xi1>
      %while3A_776 = arith.constant 0 : i32
      scf.yield %while3A_776 : i32
    }
    %while3A_277 = arith.constant 1 : i32
    %while3A_278 = scf.for %while3A_744 = %while3A_274 to %while3A_270 step %while3A_277 iter_args(%while3A_745 = %while3A_276) -> (i32)  : i32 {
      %mul3A_746 = arith.constant 32 : i32
      %mul3A_747 = arith.muli %while3A_744, %mul3A_746 : i32
      %get3A_748 = arith.index_cast %mul3A_747 : i32 to index
      %get3A_749 = tpu.vector_load %arg12[%get3A_748] {strides = array<i32>} : memref<8192xf32, #tpu.memory_space<vmem>>, vector<16xf32>,
      %mul3A_750 = arith.constant 32 : i32
      %mul3A_751 = arith.muli %while3A_744, %mul3A_750 : i32
      %get3A_752 = arith.index_cast %mul3A_751 : i32 to index
      %get3A_753 = tpu.vector_load %arg13[%get3A_752] {strides = array<i32>} : memref<8192xi32, #tpu.memory_space<vmem>>, vector<16xi32>,
      %gt3A_754 = vector.broadcast %while3A_744 : i32 to vector<16xi32>
      %gt3A_755 = arith.cmpi sgt, %while3A_111#2, %gt3A_754 : vector<16xi32>
      %add3A_756 = vector.broadcast %while3A_744 : i32 to vector<16xi32>
      %add3A_757 = arith.addi %sub3A_205, %add3A_756 : vector<16xi32>
      %min3A_758 = arith.minsi %add3A_757, %broadcast_in_dim3A_265 : vector<16xi32>
      tpu.vector_store_idx %arg14[%min3A_758], %get3A_749 masked %gt3A_755 : memref<4096xf32, #tpu.memory_space<vmem>>[vector<16xi32>], vector<16xf32>, vector<16xi1>
      tpu.vector_store_idx %arg15[%min3A_758], %get3A_753 masked %gt3A_755 : memref<4096xi32, #tpu.memory_space<vmem>>[vector<16xi32>], vector<16xi32>, vector<16xi1>
      %mul3A_759 = arith.constant 32 : i32
      %mul3A_760 = arith.muli %while3A_744, %mul3A_759 : i32
      %add3A_761 = arith.constant 16 : i32
      %add3A_762 = arith.addi %mul3A_760, %add3A_761 : i32
      %get3A_763 = arith.index_cast %add3A_762 : i32 to index
      %get3A_764 = tpu.vector_load %arg12[%get3A_763] {strides = array<i32>} : memref<8192xf32, #tpu.memory_space<vmem>>, vector<16xf32>,
      %mul3A_765 = arith.constant 32 : i32
      %mul3A_766 = arith.muli %while3A_744, %mul3A_765 : i32
      %add3A_767 = arith.constant 16 : i32
      %add3A_768 = arith.addi %mul3A_766, %add3A_767 : i32
      %get3A_769 = arith.index_cast %add3A_768 : i32 to index
      %get3A_770 = tpu.vector_load %arg13[%get3A_769] {strides = array<i32>} : memref<8192xi32, #tpu.memory_space<vmem>>, vector<16xi32>,
      %gt3A_771 = vector.broadcast %while3A_744 : i32 to vector<16xi32>
      %gt3A_772 = arith.cmpi sgt, %while3A_111#3, %gt3A_771 : vector<16xi32>
      %add3A_773 = vector.broadcast %while3A_744 : i32 to vector<16xi32>
      %add3A_774 = arith.addi %add3A_263, %add3A_773 : vector<16xi32>
      %min3A_775 = arith.minsi %add3A_774, %broadcast_in_dim3A_265 : vector<16xi32>
      tpu.vector_store_idx %arg14[%min3A_775], %get3A_764 masked %gt3A_772 : memref<4096xf32, #tpu.memory_space<vmem>>[vector<16xi32>], vector<16xf32>, vector<16xi1>
      tpu.vector_store_idx %arg15[%min3A_775], %get3A_770 masked %gt3A_772 : memref<4096xi32, #tpu.memory_space<vmem>>[vector<16xi32>], vector<16xi32>, vector<16xi1>
      %while3A_776 = arith.constant 0 : i32
      scf.yield %while3A_776 : i32
    }
    %min3A_279 = arith.constant 4096 : i32
    %min3A_280 = arith.minsi %while3A_111#4, %min3A_279 : i32
    %add3A_281 = arith.constant 15 : i32
    %add3A_282 = arith.addi %min3A_280, %add3A_281 : i32
    %jit3A_283 = arith.constant 16 : i32
    %div3A = arith.divsi %add3A_282, %jit3A_283 : i32
    %sign3A = arith.constant 0 : i32
    %sign3A_284 = arith.cmpi sgt, %add3A_282, %sign3A : i32
    %sign3A_285 = arith.extui %sign3A_284 : i1 to i32
    %sign3A_286 = arith.constant 0 : i32
    %sign3A_287 = arith.cmpi slt, %add3A_282, %sign3A_286 : i32
    %sign3A_288 = arith.extui %sign3A_287 : i1 to i32
    %sign3A_289 = arith.subi %sign3A_285, %sign3A_288 : i32
    %sign3A_290 = arith.constant 0 : i32
    %sign3A_291 = arith.cmpi sgt, %jit3A_283, %sign3A_290 : i32
    %sign3A_292 = arith.extui %sign3A_291 : i1 to i32
    %sign3A_293 = arith.constant 0 : i32
    %sign3A_294 = arith.cmpi slt, %jit3A_283, %sign3A_293 : i32
    %sign3A_295 = arith.extui %sign3A_294 : i1 to i32
    %sign3A_296 = arith.subi %sign3A_292, %sign3A_295 : i32
    %ne3A = arith.cmpi ne, %sign3A_289, %sign3A_296 : i32
    %rem3A = arith.remsi %add3A_282, %jit3A_283 : i32
    %ne3A_297 = arith.constant 0 : i32
    %ne3A_298 = arith.cmpi ne, %rem3A, %ne3A_297 : i32
    %and3A = arith.andi %ne3A, %ne3A_298 : i1
    %sub3A_299 = arith.constant 1 : i32
    %sub3A_300 = arith.subi %div3A, %sub3A_299 : i32
    %select_n3A_301 = arith.select %and3A, %sub3A_300, %div3A : i32
    %add3A_302 = arith.constant 0 : i32
    %add3A_303 = vector.broadcast %add3A_302 : i32 to vector<16xi32>
    %add3A_304 = arith.addi %iota3A, %add3A_303 : vector<16xi32>
    %jit3A_305 = arith.constant 16 : i32
    %eq3A_306 = arith.constant 0 : i32
    %eq3A_307 = arith.cmpi eq, %jit3A_305, %eq3A_306 : i32
    %jit3A_308 = arith.constant 1 : i32
    %select_n3A_309 = arith.select %eq3A_307, %jit3A_308, %jit3A_305 : i32
    %rem3A_310 = vector.broadcast %select_n3A_309 : i32 to vector<16xi32>
    %rem3A_311 = arith.remsi %add3A_304, %rem3A_310 : vector<16xi32>
    %ne3A_312 = arith.constant 0 : i32
    %ne3A_313 = vector.broadcast %ne3A_312 : i32 to vector<16xi32>
    %ne3A_314 = arith.cmpi ne, %rem3A_311, %ne3A_313 : vector<16xi32>
    %lt3A_315 = arith.constant 0 : i32
    %lt3A_316 = vector.broadcast %lt3A_315 : i32 to vector<16xi32>
    %lt3A_317 = arith.cmpi slt, %rem3A_311, %lt3A_316 : vector<16xi32>
    %lt3A_318 = arith.constant 0 : i32
    %lt3A_319 = arith.cmpi slt, %select_n3A_309, %lt3A_318 : i32
    %ne3A_320 = vector.broadcast %lt3A_319 : i1 to vector<16xi1>
    %ne3A_321 = vector.broadcast %ne3A_320 : vector<16xi1> to vector<16xi1>
    %ne3A_322 = arith.xori %lt3A_317, %ne3A_321 : vector<16xi1>
    %and3A_323 = arith.andi %ne3A_322, %ne3A_314 : vector<16xi1>
    %add3A_324 = vector.broadcast %select_n3A_309 : i32 to vector<16xi32>
    %add3A_325 = arith.addi %rem3A_311, %add3A_324 : vector<16xi32>
    %select_n3A_326 = arith.select %and3A_323, %add3A_325, %rem3A_311 : vector<16xi1>, vector<16xi32>
    %add3A_327 = arith.constant 1 : i32
    %add3A_328 = vector.broadcast %add3A_327 : i32 to vector<16xi32>
    %add3A_329 = arith.addi %iota3A, %add3A_328 : vector<16xi32>
    %jit3A_330 = arith.constant 16 : i32
    %eq3A_331 = arith.constant 0 : i32
    %eq3A_332 = arith.cmpi eq, %jit3A_330, %eq3A_331 : i32
    %jit3A_333 = arith.constant 1 : i32
    %select_n3A_334 = arith.select %eq3A_332, %jit3A_333, %jit3A_330 : i32
    %rem3A_335 = vector.broadcast %select_n3A_334 : i32 to vector<16xi32>
    %rem3A_336 = arith.remsi %add3A_329, %rem3A_335 : vector<16xi32>
    %ne3A_337 = arith.constant 0 : i32
    %ne3A_338 = vector.broadcast %ne3A_337 : i32 to vector<16xi32>
    %ne3A_339 = arith.cmpi ne, %rem3A_336, %ne3A_338 : vector<16xi32>
    %lt3A_340 = arith.constant 0 : i32
    %lt3A_341 = vector.broadcast %lt3A_340 : i32 to vector<16xi32>
    %lt3A_342 = arith.cmpi slt, %rem3A_336, %lt3A_341 : vector<16xi32>
    %lt3A_343 = arith.constant 0 : i32
    %lt3A_344 = arith.cmpi slt, %select_n3A_334, %lt3A_343 : i32
    %ne3A_345 = vector.broadcast %lt3A_344 : i1 to vector<16xi1>
    %ne3A_346 = vector.broadcast %ne3A_345 : vector<16xi1> to vector<16xi1>
    %ne3A_347 = arith.xori %lt3A_342, %ne3A_346 : vector<16xi1>
    %and3A_348 = arith.andi %ne3A_347, %ne3A_339 : vector<16xi1>
    %add3A_349 = vector.broadcast %select_n3A_334 : i32 to vector<16xi32>
    %add3A_350 = arith.addi %rem3A_336, %add3A_349 : vector<16xi32>
    %select_n3A_351 = arith.select %and3A_348, %add3A_350, %rem3A_336 : vector<16xi1>, vector<16xi32>
    %add3A_352 = arith.constant 2 : i32
    %add3A_353 = vector.broadcast %add3A_352 : i32 to vector<16xi32>
    %add3A_354 = arith.addi %iota3A, %add3A_353 : vector<16xi32>
    %jit3A_355 = arith.constant 16 : i32
    %eq3A_356 = arith.constant 0 : i32
    %eq3A_357 = arith.cmpi eq, %jit3A_355, %eq3A_356 : i32
    %jit3A_358 = arith.constant 1 : i32
    %select_n3A_359 = arith.select %eq3A_357, %jit3A_358, %jit3A_355 : i32
    %rem3A_360 = vector.broadcast %select_n3A_359 : i32 to vector<16xi32>
    %rem3A_361 = arith.remsi %add3A_354, %rem3A_360 : vector<16xi32>
    %ne3A_362 = arith.constant 0 : i32
    %ne3A_363 = vector.broadcast %ne3A_362 : i32 to vector<16xi32>
    %ne3A_364 = arith.cmpi ne, %rem3A_361, %ne3A_363 : vector<16xi32>
    %lt3A_365 = arith.constant 0 : i32
    %lt3A_366 = vector.broadcast %lt3A_365 : i32 to vector<16xi32>
    %lt3A_367 = arith.cmpi slt, %rem3A_361, %lt3A_366 : vector<16xi32>
    %lt3A_368 = arith.constant 0 : i32
    %lt3A_369 = arith.cmpi slt, %select_n3A_359, %lt3A_368 : i32
    %ne3A_370 = vector.broadcast %lt3A_369 : i1 to vector<16xi1>
    %ne3A_371 = vector.broadcast %ne3A_370 : vector<16xi1> to vector<16xi1>
    %ne3A_372 = arith.xori %lt3A_367, %ne3A_371 : vector<16xi1>
    %and3A_373 = arith.andi %ne3A_372, %ne3A_364 : vector<16xi1>
    %add3A_374 = vector.broadcast %select_n3A_359 : i32 to vector<16xi32>
    %add3A_375 = arith.addi %rem3A_361, %add3A_374 : vector<16xi32>
    %select_n3A_376 = arith.select %and3A_373, %add3A_375, %rem3A_361 : vector<16xi1>, vector<16xi32>
    %add3A_377 = arith.constant 3 : i32
    %add3A_378 = vector.broadcast %add3A_377 : i32 to vector<16xi32>
    %add3A_379 = arith.addi %iota3A, %add3A_378 : vector<16xi32>
    %jit3A_380 = arith.constant 16 : i32
    %eq3A_381 = arith.constant 0 : i32
    %eq3A_382 = arith.cmpi eq, %jit3A_380, %eq3A_381 : i32
    %jit3A_383 = arith.constant 1 : i32
    %select_n3A_384 = arith.select %eq3A_382, %jit3A_383, %jit3A_380 : i32
    %rem3A_385 = vector.broadcast %select_n3A_384 : i32 to vector<16xi32>
    %rem3A_386 = arith.remsi %add3A_379, %rem3A_385 : vector<16xi32>
    %ne3A_387 = arith.constant 0 : i32
    %ne3A_388 = vector.broadcast %ne3A_387 : i32 to vector<16xi32>
    %ne3A_389 = arith.cmpi ne, %rem3A_386, %ne3A_388 : vector<16xi32>
    %lt3A_390 = arith.constant 0 : i32
    %lt3A_391 = vector.broadcast %lt3A_390 : i32 to vector<16xi32>
    %lt3A_392 = arith.cmpi slt, %rem3A_386, %lt3A_391 : vector<16xi32>
    %lt3A_393 = arith.constant 0 : i32
    %lt3A_394 = arith.cmpi slt, %select_n3A_384, %lt3A_393 : i32
    %ne3A_395 = vector.broadcast %lt3A_394 : i1 to vector<16xi1>
    %ne3A_396 = vector.broadcast %ne3A_395 : vector<16xi1> to vector<16xi1>
    %ne3A_397 = arith.xori %lt3A_392, %ne3A_396 : vector<16xi1>
    %and3A_398 = arith.andi %ne3A_397, %ne3A_389 : vector<16xi1>
    %add3A_399 = vector.broadcast %select_n3A_384 : i32 to vector<16xi32>
    %add3A_400 = arith.addi %rem3A_386, %add3A_399 : vector<16xi32>
    %select_n3A_401 = arith.select %and3A_398, %add3A_400, %rem3A_386 : vector<16xi1>, vector<16xi32>
    %add3A_402 = arith.constant 4 : i32
    %add3A_403 = vector.broadcast %add3A_402 : i32 to vector<16xi32>
    %add3A_404 = arith.addi %iota3A, %add3A_403 : vector<16xi32>
    %jit3A_405 = arith.constant 16 : i32
    %eq3A_406 = arith.constant 0 : i32
    %eq3A_407 = arith.cmpi eq, %jit3A_405, %eq3A_406 : i32
    %jit3A_408 = arith.constant 1 : i32
    %select_n3A_409 = arith.select %eq3A_407, %jit3A_408, %jit3A_405 : i32
    %rem3A_410 = vector.broadcast %select_n3A_409 : i32 to vector<16xi32>
    %rem3A_411 = arith.remsi %add3A_404, %rem3A_410 : vector<16xi32>
    %ne3A_412 = arith.constant 0 : i32
    %ne3A_413 = vector.broadcast %ne3A_412 : i32 to vector<16xi32>
    %ne3A_414 = arith.cmpi ne, %rem3A_411, %ne3A_413 : vector<16xi32>
    %lt3A_415 = arith.constant 0 : i32
    %lt3A_416 = vector.broadcast %lt3A_415 : i32 to vector<16xi32>
    %lt3A_417 = arith.cmpi slt, %rem3A_411, %lt3A_416 : vector<16xi32>
    %lt3A_418 = arith.constant 0 : i32
    %lt3A_419 = arith.cmpi slt, %select_n3A_409, %lt3A_418 : i32
    %ne3A_420 = vector.broadcast %lt3A_419 : i1 to vector<16xi1>
    %ne3A_421 = vector.broadcast %ne3A_420 : vector<16xi1> to vector<16xi1>
    %ne3A_422 = arith.xori %lt3A_417, %ne3A_421 : vector<16xi1>
    %and3A_423 = arith.andi %ne3A_422, %ne3A_414 : vector<16xi1>
    %add3A_424 = vector.broadcast %select_n3A_409 : i32 to vector<16xi32>
    %add3A_425 = arith.addi %rem3A_411, %add3A_424 : vector<16xi32>
    %select_n3A_426 = arith.select %and3A_423, %add3A_425, %rem3A_411 : vector<16xi1>, vector<16xi32>
    %add3A_427 = arith.constant 5 : i32
    %add3A_428 = vector.broadcast %add3A_427 : i32 to vector<16xi32>
    %add3A_429 = arith.addi %iota3A, %add3A_428 : vector<16xi32>
    %jit3A_430 = arith.constant 16 : i32
    %eq3A_431 = arith.constant 0 : i32
    %eq3A_432 = arith.cmpi eq, %jit3A_430, %eq3A_431 : i32
    %jit3A_433 = arith.constant 1 : i32
    %select_n3A_434 = arith.select %eq3A_432, %jit3A_433, %jit3A_430 : i32
    %rem3A_435 = vector.broadcast %select_n3A_434 : i32 to vector<16xi32>
    %rem3A_436 = arith.remsi %add3A_429, %rem3A_435 : vector<16xi32>
    %ne3A_437 = arith.constant 0 : i32
    %ne3A_438 = vector.broadcast %ne3A_437 : i32 to vector<16xi32>
    %ne3A_439 = arith.cmpi ne, %rem3A_436, %ne3A_438 : vector<16xi32>
    %lt3A_440 = arith.constant 0 : i32
    %lt3A_441 = vector.broadcast %lt3A_440 : i32 to vector<16xi32>
    %lt3A_442 = arith.cmpi slt, %rem3A_436, %lt3A_441 : vector<16xi32>
    %lt3A_443 = arith.constant 0 : i32
    %lt3A_444 = arith.cmpi slt, %select_n3A_434, %lt3A_443 : i32
    %ne3A_445 = vector.broadcast %lt3A_444 : i1 to vector<16xi1>
    %ne3A_446 = vector.broadcast %ne3A_445 : vector<16xi1> to vector<16xi1>
    %ne3A_447 = arith.xori %lt3A_442, %ne3A_446 : vector<16xi1>
    %and3A_448 = arith.andi %ne3A_447, %ne3A_439 : vector<16xi1>
    %add3A_449 = vector.broadcast %select_n3A_434 : i32 to vector<16xi32>
    %add3A_450 = arith.addi %rem3A_436, %add3A_449 : vector<16xi32>
    %select_n3A_451 = arith.select %and3A_448, %add3A_450, %rem3A_436 : vector<16xi1>, vector<16xi32>
    %add3A_452 = arith.constant 6 : i32
    %add3A_453 = vector.broadcast %add3A_452 : i32 to vector<16xi32>
    %add3A_454 = arith.addi %iota3A, %add3A_453 : vector<16xi32>
    %jit3A_455 = arith.constant 16 : i32
    %eq3A_456 = arith.constant 0 : i32
    %eq3A_457 = arith.cmpi eq, %jit3A_455, %eq3A_456 : i32
    %jit3A_458 = arith.constant 1 : i32
    %select_n3A_459 = arith.select %eq3A_457, %jit3A_458, %jit3A_455 : i32
    %rem3A_460 = vector.broadcast %select_n3A_459 : i32 to vector<16xi32>
    %rem3A_461 = arith.remsi %add3A_454, %rem3A_460 : vector<16xi32>
    %ne3A_462 = arith.constant 0 : i32
    %ne3A_463 = vector.broadcast %ne3A_462 : i32 to vector<16xi32>
    %ne3A_464 = arith.cmpi ne, %rem3A_461, %ne3A_463 : vector<16xi32>
    %lt3A_465 = arith.constant 0 : i32
    %lt3A_466 = vector.broadcast %lt3A_465 : i32 to vector<16xi32>
    %lt3A_467 = arith.cmpi slt, %rem3A_461, %lt3A_466 : vector<16xi32>
    %lt3A_468 = arith.constant 0 : i32
    %lt3A_469 = arith.cmpi slt, %select_n3A_459, %lt3A_468 : i32
    %ne3A_470 = vector.broadcast %lt3A_469 : i1 to vector<16xi1>
    %ne3A_471 = vector.broadcast %ne3A_470 : vector<16xi1> to vector<16xi1>
    %ne3A_472 = arith.xori %lt3A_467, %ne3A_471 : vector<16xi1>
    %and3A_473 = arith.andi %ne3A_472, %ne3A_464 : vector<16xi1>
    %add3A_474 = vector.broadcast %select_n3A_459 : i32 to vector<16xi32>
    %add3A_475 = arith.addi %rem3A_461, %add3A_474 : vector<16xi32>
    %select_n3A_476 = arith.select %and3A_473, %add3A_475, %rem3A_461 : vector<16xi1>, vector<16xi32>
    %add3A_477 = arith.constant 7 : i32
    %add3A_478 = vector.broadcast %add3A_477 : i32 to vector<16xi32>
    %add3A_479 = arith.addi %iota3A, %add3A_478 : vector<16xi32>
    %jit3A_480 = arith.constant 16 : i32
    %eq3A_481 = arith.constant 0 : i32
    %eq3A_482 = arith.cmpi eq, %jit3A_480, %eq3A_481 : i32
    %jit3A_483 = arith.constant 1 : i32
    %select_n3A_484 = arith.select %eq3A_482, %jit3A_483, %jit3A_480 : i32
    %rem3A_485 = vector.broadcast %select_n3A_484 : i32 to vector<16xi32>
    %rem3A_486 = arith.remsi %add3A_479, %rem3A_485 : vector<16xi32>
    %ne3A_487 = arith.constant 0 : i32
    %ne3A_488 = vector.broadcast %ne3A_487 : i32 to vector<16xi32>
    %ne3A_489 = arith.cmpi ne, %rem3A_486, %ne3A_488 : vector<16xi32>
    %lt3A_490 = arith.constant 0 : i32
    %lt3A_491 = vector.broadcast %lt3A_490 : i32 to vector<16xi32>
    %lt3A_492 = arith.cmpi slt, %rem3A_486, %lt3A_491 : vector<16xi32>
    %lt3A_493 = arith.constant 0 : i32
    %lt3A_494 = arith.cmpi slt, %select_n3A_484, %lt3A_493 : i32
    %ne3A_495 = vector.broadcast %lt3A_494 : i1 to vector<16xi1>
    %ne3A_496 = vector.broadcast %ne3A_495 : vector<16xi1> to vector<16xi1>
    %ne3A_497 = arith.xori %lt3A_492, %ne3A_496 : vector<16xi1>
    %and3A_498 = arith.andi %ne3A_497, %ne3A_489 : vector<16xi1>
    %add3A_499 = vector.broadcast %select_n3A_484 : i32 to vector<16xi32>
    %add3A_500 = arith.addi %rem3A_486, %add3A_499 : vector<16xi32>
    %select_n3A_501 = arith.select %and3A_498, %add3A_500, %rem3A_486 : vector<16xi1>, vector<16xi32>
    %add3A_502 = arith.constant 8 : i32
    %add3A_503 = vector.broadcast %add3A_502 : i32 to vector<16xi32>
    %add3A_504 = arith.addi %iota3A, %add3A_503 : vector<16xi32>
    %jit3A_505 = arith.constant 16 : i32
    %eq3A_506 = arith.constant 0 : i32
    %eq3A_507 = arith.cmpi eq, %jit3A_505, %eq3A_506 : i32
    %jit3A_508 = arith.constant 1 : i32
    %select_n3A_509 = arith.select %eq3A_507, %jit3A_508, %jit3A_505 : i32
    %rem3A_510 = vector.broadcast %select_n3A_509 : i32 to vector<16xi32>
    %rem3A_511 = arith.remsi %add3A_504, %rem3A_510 : vector<16xi32>
    %ne3A_512 = arith.constant 0 : i32
    %ne3A_513 = vector.broadcast %ne3A_512 : i32 to vector<16xi32>
    %ne3A_514 = arith.cmpi ne, %rem3A_511, %ne3A_513 : vector<16xi32>
    %lt3A_515 = arith.constant 0 : i32
    %lt3A_516 = vector.broadcast %lt3A_515 : i32 to vector<16xi32>
    %lt3A_517 = arith.cmpi slt, %rem3A_511, %lt3A_516 : vector<16xi32>
    %lt3A_518 = arith.constant 0 : i32
    %lt3A_519 = arith.cmpi slt, %select_n3A_509, %lt3A_518 : i32
    %ne3A_520 = vector.broadcast %lt3A_519 : i1 to vector<16xi1>
    %ne3A_521 = vector.broadcast %ne3A_520 : vector<16xi1> to vector<16xi1>
    %ne3A_522 = arith.xori %lt3A_517, %ne3A_521 : vector<16xi1>
    %and3A_523 = arith.andi %ne3A_522, %ne3A_514 : vector<16xi1>
    %add3A_524 = vector.broadcast %select_n3A_509 : i32 to vector<16xi32>
    %add3A_525 = arith.addi %rem3A_511, %add3A_524 : vector<16xi32>
    %select_n3A_526 = arith.select %and3A_523, %add3A_525, %rem3A_511 : vector<16xi1>, vector<16xi32>
    %add3A_527 = arith.constant 9 : i32
    %add3A_528 = vector.broadcast %add3A_527 : i32 to vector<16xi32>
    %add3A_529 = arith.addi %iota3A, %add3A_528 : vector<16xi32>
    %jit3A_530 = arith.constant 16 : i32
    %eq3A_531 = arith.constant 0 : i32
    %eq3A_532 = arith.cmpi eq, %jit3A_530, %eq3A_531 : i32
    %jit3A_533 = arith.constant 1 : i32
    %select_n3A_534 = arith.select %eq3A_532, %jit3A_533, %jit3A_530 : i32
    %rem3A_535 = vector.broadcast %select_n3A_534 : i32 to vector<16xi32>
    %rem3A_536 = arith.remsi %add3A_529, %rem3A_535 : vector<16xi32>
    %ne3A_537 = arith.constant 0 : i32
    %ne3A_538 = vector.broadcast %ne3A_537 : i32 to vector<16xi32>
    %ne3A_539 = arith.cmpi ne, %rem3A_536, %ne3A_538 : vector<16xi32>
    %lt3A_540 = arith.constant 0 : i32
    %lt3A_541 = vector.broadcast %lt3A_540 : i32 to vector<16xi32>
    %lt3A_542 = arith.cmpi slt, %rem3A_536, %lt3A_541 : vector<16xi32>
    %lt3A_543 = arith.constant 0 : i32
    %lt3A_544 = arith.cmpi slt, %select_n3A_534, %lt3A_543 : i32
    %ne3A_545 = vector.broadcast %lt3A_544 : i1 to vector<16xi1>
    %ne3A_546 = vector.broadcast %ne3A_545 : vector<16xi1> to vector<16xi1>
    %ne3A_547 = arith.xori %lt3A_542, %ne3A_546 : vector<16xi1>
    %and3A_548 = arith.andi %ne3A_547, %ne3A_539 : vector<16xi1>
    %add3A_549 = vector.broadcast %select_n3A_534 : i32 to vector<16xi32>
    %add3A_550 = arith.addi %rem3A_536, %add3A_549 : vector<16xi32>
    %select_n3A_551 = arith.select %and3A_548, %add3A_550, %rem3A_536 : vector<16xi1>, vector<16xi32>
    %add3A_552 = arith.constant 10 : i32
    %add3A_553 = vector.broadcast %add3A_552 : i32 to vector<16xi32>
    %add3A_554 = arith.addi %iota3A, %add3A_553 : vector<16xi32>
    %jit3A_555 = arith.constant 16 : i32
    %eq3A_556 = arith.constant 0 : i32
    %eq3A_557 = arith.cmpi eq, %jit3A_555, %eq3A_556 : i32
    %jit3A_558 = arith.constant 1 : i32
    %select_n3A_559 = arith.select %eq3A_557, %jit3A_558, %jit3A_555 : i32
    %rem3A_560 = vector.broadcast %select_n3A_559 : i32 to vector<16xi32>
    %rem3A_561 = arith.remsi %add3A_554, %rem3A_560 : vector<16xi32>
    %ne3A_562 = arith.constant 0 : i32
    %ne3A_563 = vector.broadcast %ne3A_562 : i32 to vector<16xi32>
    %ne3A_564 = arith.cmpi ne, %rem3A_561, %ne3A_563 : vector<16xi32>
    %lt3A_565 = arith.constant 0 : i32
    %lt3A_566 = vector.broadcast %lt3A_565 : i32 to vector<16xi32>
    %lt3A_567 = arith.cmpi slt, %rem3A_561, %lt3A_566 : vector<16xi32>
    %lt3A_568 = arith.constant 0 : i32
    %lt3A_569 = arith.cmpi slt, %select_n3A_559, %lt3A_568 : i32
    %ne3A_570 = vector.broadcast %lt3A_569 : i1 to vector<16xi1>
    %ne3A_571 = vector.broadcast %ne3A_570 : vector<16xi1> to vector<16xi1>
    %ne3A_572 = arith.xori %lt3A_567, %ne3A_571 : vector<16xi1>
    %and3A_573 = arith.andi %ne3A_572, %ne3A_564 : vector<16xi1>
    %add3A_574 = vector.broadcast %select_n3A_559 : i32 to vector<16xi32>
    %add3A_575 = arith.addi %rem3A_561, %add3A_574 : vector<16xi32>
    %select_n3A_576 = arith.select %and3A_573, %add3A_575, %rem3A_561 : vector<16xi1>, vector<16xi32>
    %add3A_577 = arith.constant 11 : i32
    %add3A_578 = vector.broadcast %add3A_577 : i32 to vector<16xi32>
    %add3A_579 = arith.addi %iota3A, %add3A_578 : vector<16xi32>
    %jit3A_580 = arith.constant 16 : i32
    %eq3A_581 = arith.constant 0 : i32
    %eq3A_582 = arith.cmpi eq, %jit3A_580, %eq3A_581 : i32
    %jit3A_583 = arith.constant 1 : i32
    %select_n3A_584 = arith.select %eq3A_582, %jit3A_583, %jit3A_580 : i32
    %rem3A_585 = vector.broadcast %select_n3A_584 : i32 to vector<16xi32>
    %rem3A_586 = arith.remsi %add3A_579, %rem3A_585 : vector<16xi32>
    %ne3A_587 = arith.constant 0 : i32
    %ne3A_588 = vector.broadcast %ne3A_587 : i32 to vector<16xi32>
    %ne3A_589 = arith.cmpi ne, %rem3A_586, %ne3A_588 : vector<16xi32>
    %lt3A_590 = arith.constant 0 : i32
    %lt3A_591 = vector.broadcast %lt3A_590 : i32 to vector<16xi32>
    %lt3A_592 = arith.cmpi slt, %rem3A_586, %lt3A_591 : vector<16xi32>
    %lt3A_593 = arith.constant 0 : i32
    %lt3A_594 = arith.cmpi slt, %select_n3A_584, %lt3A_593 : i32
    %ne3A_595 = vector.broadcast %lt3A_594 : i1 to vector<16xi1>
    %ne3A_596 = vector.broadcast %ne3A_595 : vector<16xi1> to vector<16xi1>
    %ne3A_597 = arith.xori %lt3A_592, %ne3A_596 : vector<16xi1>
    %and3A_598 = arith.andi %ne3A_597, %ne3A_589 : vector<16xi1>
    %add3A_599 = vector.broadcast %select_n3A_584 : i32 to vector<16xi32>
    %add3A_600 = arith.addi %rem3A_586, %add3A_599 : vector<16xi32>
    %select_n3A_601 = arith.select %and3A_598, %add3A_600, %rem3A_586 : vector<16xi1>, vector<16xi32>
    %add3A_602 = arith.constant 12 : i32
    %add3A_603 = vector.broadcast %add3A_602 : i32 to vector<16xi32>
    %add3A_604 = arith.addi %iota3A, %add3A_603 : vector<16xi32>
    %jit3A_605 = arith.constant 16 : i32
    %eq3A_606 = arith.constant 0 : i32
    %eq3A_607 = arith.cmpi eq, %jit3A_605, %eq3A_606 : i32
    %jit3A_608 = arith.constant 1 : i32
    %select_n3A_609 = arith.select %eq3A_607, %jit3A_608, %jit3A_605 : i32
    %rem3A_610 = vector.broadcast %select_n3A_609 : i32 to vector<16xi32>
    %rem3A_611 = arith.remsi %add3A_604, %rem3A_610 : vector<16xi32>
    %ne3A_612 = arith.constant 0 : i32
    %ne3A_613 = vector.broadcast %ne3A_612 : i32 to vector<16xi32>
    %ne3A_614 = arith.cmpi ne, %rem3A_611, %ne3A_613 : vector<16xi32>
    %lt3A_615 = arith.constant 0 : i32
    %lt3A_616 = vector.broadcast %lt3A_615 : i32 to vector<16xi32>
    %lt3A_617 = arith.cmpi slt, %rem3A_611, %lt3A_616 : vector<16xi32>
    %lt3A_618 = arith.constant 0 : i32
    %lt3A_619 = arith.cmpi slt, %select_n3A_609, %lt3A_618 : i32
    %ne3A_620 = vector.broadcast %lt3A_619 : i1 to vector<16xi1>
    %ne3A_621 = vector.broadcast %ne3A_620 : vector<16xi1> to vector<16xi1>
    %ne3A_622 = arith.xori %lt3A_617, %ne3A_621 : vector<16xi1>
    %and3A_623 = arith.andi %ne3A_622, %ne3A_614 : vector<16xi1>
    %add3A_624 = vector.broadcast %select_n3A_609 : i32 to vector<16xi32>
    %add3A_625 = arith.addi %rem3A_611, %add3A_624 : vector<16xi32>
    %select_n3A_626 = arith.select %and3A_623, %add3A_625, %rem3A_611 : vector<16xi1>, vector<16xi32>
    %add3A_627 = arith.constant 13 : i32
    %add3A_628 = vector.broadcast %add3A_627 : i32 to vector<16xi32>
    %add3A_629 = arith.addi %iota3A, %add3A_628 : vector<16xi32>
    %jit3A_630 = arith.constant 16 : i32
    %eq3A_631 = arith.constant 0 : i32
    %eq3A_632 = arith.cmpi eq, %jit3A_630, %eq3A_631 : i32
    %jit3A_633 = arith.constant 1 : i32
    %select_n3A_634 = arith.select %eq3A_632, %jit3A_633, %jit3A_630 : i32
    %rem3A_635 = vector.broadcast %select_n3A_634 : i32 to vector<16xi32>
    %rem3A_636 = arith.remsi %add3A_629, %rem3A_635 : vector<16xi32>
    %ne3A_637 = arith.constant 0 : i32
    %ne3A_638 = vector.broadcast %ne3A_637 : i32 to vector<16xi32>
    %ne3A_639 = arith.cmpi ne, %rem3A_636, %ne3A_638 : vector<16xi32>
    %lt3A_640 = arith.constant 0 : i32
    %lt3A_641 = vector.broadcast %lt3A_640 : i32 to vector<16xi32>
    %lt3A_642 = arith.cmpi slt, %rem3A_636, %lt3A_641 : vector<16xi32>
    %lt3A_643 = arith.constant 0 : i32
    %lt3A_644 = arith.cmpi slt, %select_n3A_634, %lt3A_643 : i32
    %ne3A_645 = vector.broadcast %lt3A_644 : i1 to vector<16xi1>
    %ne3A_646 = vector.broadcast %ne3A_645 : vector<16xi1> to vector<16xi1>
    %ne3A_647 = arith.xori %lt3A_642, %ne3A_646 : vector<16xi1>
    %and3A_648 = arith.andi %ne3A_647, %ne3A_639 : vector<16xi1>
    %add3A_649 = vector.broadcast %select_n3A_634 : i32 to vector<16xi32>
    %add3A_650 = arith.addi %rem3A_636, %add3A_649 : vector<16xi32>
    %select_n3A_651 = arith.select %and3A_648, %add3A_650, %rem3A_636 : vector<16xi1>, vector<16xi32>
    %add3A_652 = arith.constant 14 : i32
    %add3A_653 = vector.broadcast %add3A_652 : i32 to vector<16xi32>
    %add3A_654 = arith.addi %iota3A, %add3A_653 : vector<16xi32>
    %jit3A_655 = arith.constant 16 : i32
    %eq3A_656 = arith.constant 0 : i32
    %eq3A_657 = arith.cmpi eq, %jit3A_655, %eq3A_656 : i32
    %jit3A_658 = arith.constant 1 : i32
    %select_n3A_659 = arith.select %eq3A_657, %jit3A_658, %jit3A_655 : i32
    %rem3A_660 = vector.broadcast %select_n3A_659 : i32 to vector<16xi32>
    %rem3A_661 = arith.remsi %add3A_654, %rem3A_660 : vector<16xi32>
    %ne3A_662 = arith.constant 0 : i32
    %ne3A_663 = vector.broadcast %ne3A_662 : i32 to vector<16xi32>
    %ne3A_664 = arith.cmpi ne, %rem3A_661, %ne3A_663 : vector<16xi32>
    %lt3A_665 = arith.constant 0 : i32
    %lt3A_666 = vector.broadcast %lt3A_665 : i32 to vector<16xi32>
    %lt3A_667 = arith.cmpi slt, %rem3A_661, %lt3A_666 : vector<16xi32>
    %lt3A_668 = arith.constant 0 : i32
    %lt3A_669 = arith.cmpi slt, %select_n3A_659, %lt3A_668 : i32
    %ne3A_670 = vector.broadcast %lt3A_669 : i1 to vector<16xi1>
    %ne3A_671 = vector.broadcast %ne3A_670 : vector<16xi1> to vector<16xi1>
    %ne3A_672 = arith.xori %lt3A_667, %ne3A_671 : vector<16xi1>
    %and3A_673 = arith.andi %ne3A_672, %ne3A_664 : vector<16xi1>
    %add3A_674 = vector.broadcast %select_n3A_659 : i32 to vector<16xi32>
    %add3A_675 = arith.addi %rem3A_661, %add3A_674 : vector<16xi32>
    %select_n3A_676 = arith.select %and3A_673, %add3A_675, %rem3A_661 : vector<16xi1>, vector<16xi32>
    %add3A_677 = arith.constant 15 : i32
    %add3A_678 = vector.broadcast %add3A_677 : i32 to vector<16xi32>
    %add3A_679 = arith.addi %iota3A, %add3A_678 : vector<16xi32>
    %jit3A_680 = arith.constant 16 : i32
    %eq3A_681 = arith.constant 0 : i32
    %eq3A_682 = arith.cmpi eq, %jit3A_680, %eq3A_681 : i32
    %jit3A_683 = arith.constant 1 : i32
    %select_n3A_684 = arith.select %eq3A_682, %jit3A_683, %jit3A_680 : i32
    %rem3A_685 = vector.broadcast %select_n3A_684 : i32 to vector<16xi32>
    %rem3A_686 = arith.remsi %add3A_679, %rem3A_685 : vector<16xi32>
    %ne3A_687 = arith.constant 0 : i32
    %ne3A_688 = vector.broadcast %ne3A_687 : i32 to vector<16xi32>
    %ne3A_689 = arith.cmpi ne, %rem3A_686, %ne3A_688 : vector<16xi32>
    %lt3A_690 = arith.constant 0 : i32
    %lt3A_691 = vector.broadcast %lt3A_690 : i32 to vector<16xi32>
    %lt3A_692 = arith.cmpi slt, %rem3A_686, %lt3A_691 : vector<16xi32>
    %lt3A_693 = arith.constant 0 : i32
    %lt3A_694 = arith.cmpi slt, %select_n3A_684, %lt3A_693 : i32
    %ne3A_695 = vector.broadcast %lt3A_694 : i1 to vector<16xi1>
    %ne3A_696 = vector.broadcast %ne3A_695 : vector<16xi1> to vector<16xi1>
    %ne3A_697 = arith.xori %lt3A_692, %ne3A_696 : vector<16xi1>
    %and3A_698 = arith.andi %ne3A_697, %ne3A_689 : vector<16xi1>
    %add3A_699 = vector.broadcast %select_n3A_684 : i32 to vector<16xi32>
    %add3A_700 = arith.addi %rem3A_686, %add3A_699 : vector<16xi32>
    %select_n3A_701 = arith.select %and3A_698, %add3A_700, %rem3A_686 : vector<16xi1>, vector<16xi32>
    %while3A_702 = arith.constant 0 : i32
    %while3A_703 = arith.constant 0 : i32
    %while3A_704 = arith.subi %select_n3A_301, %while3A_702 : i32
    %while3A_705 = arith.addi %while3A_702, %while3A_704 : i32
    %while3A_706 = arith.constant 1 : i32
    %while3A_707 = arith.divsi %while3A_704, %while3A_706 : i32
    %while3A_708 = arith.muli %while3A_707, %while3A_706 : i32
    %while3A_709 = arith.addi %while3A_702, %while3A_708 : i32
    %while3A_710 = arith.constant 1 : i32
    %while3A_711 = scf.for %while3A_744 = %while3A_702 to %while3A_709 step %while3A_710 iter_args(%while3A_745 = %while3A_703) -> (i32)  : i32 {
      %mul3A_746 = arith.constant 16 : i32
      %mul3A_747 = arith.muli %while3A_744, %mul3A_746 : i32
      %get3A_748 = arith.index_cast %mul3A_747 : i32 to index
      %get3A_749 = tpu.vector_load %arg14[%get3A_748] {strides = array<i32>} : memref<4096xf32, #tpu.memory_space<vmem>>, vector<16xf32>,
      %get3A_750 = arith.index_cast %mul3A_747 : i32 to index
      %get3A_751 = tpu.vector_load %arg15[%get3A_750] {strides = array<i32>} : memref<4096xi32, #tpu.memory_space<vmem>>, vector<16xi32>,
      %while3A_752 = arith.constant 0 : i32
      %while3A_753 = arith.subi %select_n3A_301, %while3A_752 : i32
      %while3A_754 = arith.addi %while3A_752, %while3A_753 : i32
      %while3A_755 = arith.constant 1 : i32
      %while3A_756 = arith.divsi %while3A_753, %while3A_755 : i32
      %while3A_757 = arith.muli %while3A_756, %while3A_755 : i32
      %while3A_758 = arith.addi %while3A_752, %while3A_757 : i32
      %while3A_759 = arith.constant 1 : i32
      %while3A_760 = scf.for %while3A_766 = %while3A_752 to %while3A_758 step %while3A_759 iter_args(%while3A_767 = %broadcast_in_dim3A_9) -> (vector<16xi32>)  : i32 {
        %mul3A_768 = arith.constant 16 : i32
        %mul3A_769 = arith.muli %while3A_766, %mul3A_768 : i32
        %add3A_770 = vector.broadcast %mul3A_769 : i32 to vector<16xi32>
        %add3A_771 = arith.addi %add3A_770, %select_n3A_326 : vector<16xi32>
        %gather3A_772 = tpu.vector_load_idx %arg14[%add3A_771] : memref<4096xf32, #tpu.memory_space<vmem>>[vector<16xi32>], vector<16xf32>,
        %gather3A_773 = tpu.vector_load_idx %arg15[%add3A_771] : memref<4096xi32, #tpu.memory_space<vmem>>[vector<16xi32>], vector<16xi32>,
        %gt3A_774 = arith.cmpf ogt, %gather3A_772, %get3A_749 : vector<16xf32>
        %eq3A_775 = arith.cmpf oeq, %gather3A_772, %get3A_749 : vector<16xf32>
        %lt3A_776 = arith.cmpi slt, %gather3A_773, %get3A_751 : vector<16xi32>
        %and3A_777 = arith.andi %eq3A_775, %lt3A_776 : vector<16xi1>
        %or3A_778 = arith.ori %gt3A_774, %and3A_777 : vector<16xi1>
        %select_n3A_779 = arith.select %or3A_778, %broadcast_in_dim3A_7, %broadcast_in_dim3A_9 : vector<16xi1>, vector<16xi32>
        %add3A_780 = arith.addi %while3A_767, %select_n3A_779 : vector<16xi32>
        %add3A_781 = vector.broadcast %mul3A_769 : i32 to vector<16xi32>
        %add3A_782 = arith.addi %add3A_781, %select_n3A_351 : vector<16xi32>
        %gather3A_783 = tpu.vector_load_idx %arg14[%add3A_782] : memref<4096xf32, #tpu.memory_space<vmem>>[vector<16xi32>], vector<16xf32>,
        %gather3A_784 = tpu.vector_load_idx %arg15[%add3A_782] : memref<4096xi32, #tpu.memory_space<vmem>>[vector<16xi32>], vector<16xi32>,
        %gt3A_785 = arith.cmpf ogt, %gather3A_783, %get3A_749 : vector<16xf32>
        %eq3A_786 = arith.cmpf oeq, %gather3A_783, %get3A_749 : vector<16xf32>
        %lt3A_787 = arith.cmpi slt, %gather3A_784, %get3A_751 : vector<16xi32>
        %and3A_788 = arith.andi %eq3A_786, %lt3A_787 : vector<16xi1>
        %or3A_789 = arith.ori %gt3A_785, %and3A_788 : vector<16xi1>
        %select_n3A_790 = arith.select %or3A_789, %broadcast_in_dim3A_7, %broadcast_in_dim3A_9 : vector<16xi1>, vector<16xi32>
        %add3A_791 = arith.addi %add3A_780, %select_n3A_790 : vector<16xi32>
        %add3A_792 = vector.broadcast %mul3A_769 : i32 to vector<16xi32>
        %add3A_793 = arith.addi %add3A_792, %select_n3A_376 : vector<16xi32>
        %gather3A_794 = tpu.vector_load_idx %arg14[%add3A_793] : memref<4096xf32, #tpu.memory_space<vmem>>[vector<16xi32>], vector<16xf32>,
        %gather3A_795 = tpu.vector_load_idx %arg15[%add3A_793] : memref<4096xi32, #tpu.memory_space<vmem>>[vector<16xi32>], vector<16xi32>,
        %gt3A_796 = arith.cmpf ogt, %gather3A_794, %get3A_749 : vector<16xf32>
        %eq3A_797 = arith.cmpf oeq, %gather3A_794, %get3A_749 : vector<16xf32>
        %lt3A_798 = arith.cmpi slt, %gather3A_795, %get3A_751 : vector<16xi32>
        %and3A_799 = arith.andi %eq3A_797, %lt3A_798 : vector<16xi1>
        %or3A_800 = arith.ori %gt3A_796, %and3A_799 : vector<16xi1>
        %select_n3A_801 = arith.select %or3A_800, %broadcast_in_dim3A_7, %broadcast_in_dim3A_9 : vector<16xi1>, vector<16xi32>
        %add3A_802 = arith.addi %add3A_791, %select_n3A_801 : vector<16xi32>
        %add3A_803 = vector.broadcast %mul3A_769 : i32 to vector<16xi32>
        %add3A_804 = arith.addi %add3A_803, %select_n3A_401 : vector<16xi32>
        %gather3A_805 = tpu.vector_load_idx %arg14[%add3A_804] : memref<4096xf32, #tpu.memory_space<vmem>>[vector<16xi32>], vector<16xf32>,
        %gather3A_806 = tpu.vector_load_idx %arg15[%add3A_804] : memref<4096xi32, #tpu.memory_space<vmem>>[vector<16xi32>], vector<16xi32>,
        %gt3A_807 = arith.cmpf ogt, %gather3A_805, %get3A_749 : vector<16xf32>
        %eq3A_808 = arith.cmpf oeq, %gather3A_805, %get3A_749 : vector<16xf32>
        %lt3A_809 = arith.cmpi slt, %gather3A_806, %get3A_751 : vector<16xi32>
        %and3A_810 = arith.andi %eq3A_808, %lt3A_809 : vector<16xi1>
        %or3A_811 = arith.ori %gt3A_807, %and3A_810 : vector<16xi1>
        %select_n3A_812 = arith.select %or3A_811, %broadcast_in_dim3A_7, %broadcast_in_dim3A_9 : vector<16xi1>, vector<16xi32>
        %add3A_813 = arith.addi %add3A_802, %select_n3A_812 : vector<16xi32>
        %add3A_814 = vector.broadcast %mul3A_769 : i32 to vector<16xi32>
        %add3A_815 = arith.addi %add3A_814, %select_n3A_426 : vector<16xi32>
        %gather3A_816 = tpu.vector_load_idx %arg14[%add3A_815] : memref<4096xf32, #tpu.memory_space<vmem>>[vector<16xi32>], vector<16xf32>,
        %gather3A_817 = tpu.vector_load_idx %arg15[%add3A_815] : memref<4096xi32, #tpu.memory_space<vmem>>[vector<16xi32>], vector<16xi32>,
        %gt3A_818 = arith.cmpf ogt, %gather3A_816, %get3A_749 : vector<16xf32>
        %eq3A_819 = arith.cmpf oeq, %gather3A_816, %get3A_749 : vector<16xf32>
        %lt3A_820 = arith.cmpi slt, %gather3A_817, %get3A_751 : vector<16xi32>
        %and3A_821 = arith.andi %eq3A_819, %lt3A_820 : vector<16xi1>
        %or3A_822 = arith.ori %gt3A_818, %and3A_821 : vector<16xi1>
        %select_n3A_823 = arith.select %or3A_822, %broadcast_in_dim3A_7, %broadcast_in_dim3A_9 : vector<16xi1>, vector<16xi32>
        %add3A_824 = arith.addi %add3A_813, %select_n3A_823 : vector<16xi32>
        %add3A_825 = vector.broadcast %mul3A_769 : i32 to vector<16xi32>
        %add3A_826 = arith.addi %add3A_825, %select_n3A_451 : vector<16xi32>
        %gather3A_827 = tpu.vector_load_idx %arg14[%add3A_826] : memref<4096xf32, #tpu.memory_space<vmem>>[vector<16xi32>], vector<16xf32>,
        %gather3A_828 = tpu.vector_load_idx %arg15[%add3A_826] : memref<4096xi32, #tpu.memory_space<vmem>>[vector<16xi32>], vector<16xi32>,
        %gt3A_829 = arith.cmpf ogt, %gather3A_827, %get3A_749 : vector<16xf32>
        %eq3A_830 = arith.cmpf oeq, %gather3A_827, %get3A_749 : vector<16xf32>
        %lt3A_831 = arith.cmpi slt, %gather3A_828, %get3A_751 : vector<16xi32>
        %and3A_832 = arith.andi %eq3A_830, %lt3A_831 : vector<16xi1>
        %or3A_833 = arith.ori %gt3A_829, %and3A_832 : vector<16xi1>
        %select_n3A_834 = arith.select %or3A_833, %broadcast_in_dim3A_7, %broadcast_in_dim3A_9 : vector<16xi1>, vector<16xi32>
        %add3A_835 = arith.addi %add3A_824, %select_n3A_834 : vector<16xi32>
        %add3A_836 = vector.broadcast %mul3A_769 : i32 to vector<16xi32>
        %add3A_837 = arith.addi %add3A_836, %select_n3A_476 : vector<16xi32>
        %gather3A_838 = tpu.vector_load_idx %arg14[%add3A_837] : memref<4096xf32, #tpu.memory_space<vmem>>[vector<16xi32>], vector<16xf32>,
        %gather3A_839 = tpu.vector_load_idx %arg15[%add3A_837] : memref<4096xi32, #tpu.memory_space<vmem>>[vector<16xi32>], vector<16xi32>,
        %gt3A_840 = arith.cmpf ogt, %gather3A_838, %get3A_749 : vector<16xf32>
        %eq3A_841 = arith.cmpf oeq, %gather3A_838, %get3A_749 : vector<16xf32>
        %lt3A_842 = arith.cmpi slt, %gather3A_839, %get3A_751 : vector<16xi32>
        %and3A_843 = arith.andi %eq3A_841, %lt3A_842 : vector<16xi1>
        %or3A_844 = arith.ori %gt3A_840, %and3A_843 : vector<16xi1>
        %select_n3A_845 = arith.select %or3A_844, %broadcast_in_dim3A_7, %broadcast_in_dim3A_9 : vector<16xi1>, vector<16xi32>
        %add3A_846 = arith.addi %add3A_835, %select_n3A_845 : vector<16xi32>
        %add3A_847 = vector.broadcast %mul3A_769 : i32 to vector<16xi32>
        %add3A_848 = arith.addi %add3A_847, %select_n3A_501 : vector<16xi32>
        %gather3A_849 = tpu.vector_load_idx %arg14[%add3A_848] : memref<4096xf32, #tpu.memory_space<vmem>>[vector<16xi32>], vector<16xf32>,
        %gather3A_850 = tpu.vector_load_idx %arg15[%add3A_848] : memref<4096xi32, #tpu.memory_space<vmem>>[vector<16xi32>], vector<16xi32>,
        %gt3A_851 = arith.cmpf ogt, %gather3A_849, %get3A_749 : vector<16xf32>
        %eq3A_852 = arith.cmpf oeq, %gather3A_849, %get3A_749 : vector<16xf32>
        %lt3A_853 = arith.cmpi slt, %gather3A_850, %get3A_751 : vector<16xi32>
        %and3A_854 = arith.andi %eq3A_852, %lt3A_853 : vector<16xi1>
        %or3A_855 = arith.ori %gt3A_851, %and3A_854 : vector<16xi1>
        %select_n3A_856 = arith.select %or3A_855, %broadcast_in_dim3A_7, %broadcast_in_dim3A_9 : vector<16xi1>, vector<16xi32>
        %add3A_857 = arith.addi %add3A_846, %select_n3A_856 : vector<16xi32>
        %add3A_858 = vector.broadcast %mul3A_769 : i32 to vector<16xi32>
        %add3A_859 = arith.addi %add3A_858, %select_n3A_526 : vector<16xi32>
        %gather3A_860 = tpu.vector_load_idx %arg14[%add3A_859] : memref<4096xf32, #tpu.memory_space<vmem>>[vector<16xi32>], vector<16xf32>,
        %gather3A_861 = tpu.vector_load_idx %arg15[%add3A_859] : memref<4096xi32, #tpu.memory_space<vmem>>[vector<16xi32>], vector<16xi32>,
        %gt3A_862 = arith.cmpf ogt, %gather3A_860, %get3A_749 : vector<16xf32>
        %eq3A_863 = arith.cmpf oeq, %gather3A_860, %get3A_749 : vector<16xf32>
        %lt3A_864 = arith.cmpi slt, %gather3A_861, %get3A_751 : vector<16xi32>
        %and3A_865 = arith.andi %eq3A_863, %lt3A_864 : vector<16xi1>
        %or3A_866 = arith.ori %gt3A_862, %and3A_865 : vector<16xi1>
        %select_n3A_867 = arith.select %or3A_866, %broadcast_in_dim3A_7, %broadcast_in_dim3A_9 : vector<16xi1>, vector<16xi32>
        %add3A_868 = arith.addi %add3A_857, %select_n3A_867 : vector<16xi32>
        %add3A_869 = vector.broadcast %mul3A_769 : i32 to vector<16xi32>
        %add3A_870 = arith.addi %add3A_869, %select_n3A_551 : vector<16xi32>
        %gather3A_871 = tpu.vector_load_idx %arg14[%add3A_870] : memref<4096xf32, #tpu.memory_space<vmem>>[vector<16xi32>], vector<16xf32>,
        %gather3A_872 = tpu.vector_load_idx %arg15[%add3A_870] : memref<4096xi32, #tpu.memory_space<vmem>>[vector<16xi32>], vector<16xi32>,
        %gt3A_873 = arith.cmpf ogt, %gather3A_871, %get3A_749 : vector<16xf32>
        %eq3A_874 = arith.cmpf oeq, %gather3A_871, %get3A_749 : vector<16xf32>
        %lt3A_875 = arith.cmpi slt, %gather3A_872, %get3A_751 : vector<16xi32>
        %and3A_876 = arith.andi %eq3A_874, %lt3A_875 : vector<16xi1>
        %or3A_877 = arith.ori %gt3A_873, %and3A_876 : vector<16xi1>
        %select_n3A_878 = arith.select %or3A_877, %broadcast_in_dim3A_7, %broadcast_in_dim3A_9 : vector<16xi1>, vector<16xi32>
        %add3A_879 = arith.addi %add3A_868, %select_n3A_878 : vector<16xi32>
        %add3A_880 = vector.broadcast %mul3A_769 : i32 to vector<16xi32>
        %add3A_881 = arith.addi %add3A_880, %select_n3A_576 : vector<16xi32>
        %gather3A_882 = tpu.vector_load_idx %arg14[%add3A_881] : memref<4096xf32, #tpu.memory_space<vmem>>[vector<16xi32>], vector<16xf32>,
        %gather3A_883 = tpu.vector_load_idx %arg15[%add3A_881] : memref<4096xi32, #tpu.memory_space<vmem>>[vector<16xi32>], vector<16xi32>,
        %gt3A_884 = arith.cmpf ogt, %gather3A_882, %get3A_749 : vector<16xf32>
        %eq3A_885 = arith.cmpf oeq, %gather3A_882, %get3A_749 : vector<16xf32>
        %lt3A_886 = arith.cmpi slt, %gather3A_883, %get3A_751 : vector<16xi32>
        %and3A_887 = arith.andi %eq3A_885, %lt3A_886 : vector<16xi1>
        %or3A_888 = arith.ori %gt3A_884, %and3A_887 : vector<16xi1>
        %select_n3A_889 = arith.select %or3A_888, %broadcast_in_dim3A_7, %broadcast_in_dim3A_9 : vector<16xi1>, vector<16xi32>
        %add3A_890 = arith.addi %add3A_879, %select_n3A_889 : vector<16xi32>
        %add3A_891 = vector.broadcast %mul3A_769 : i32 to vector<16xi32>
        %add3A_892 = arith.addi %add3A_891, %select_n3A_601 : vector<16xi32>
        %gather3A_893 = tpu.vector_load_idx %arg14[%add3A_892] : memref<4096xf32, #tpu.memory_space<vmem>>[vector<16xi32>], vector<16xf32>,
        %gather3A_894 = tpu.vector_load_idx %arg15[%add3A_892] : memref<4096xi32, #tpu.memory_space<vmem>>[vector<16xi32>], vector<16xi32>,
        %gt3A_895 = arith.cmpf ogt, %gather3A_893, %get3A_749 : vector<16xf32>
        %eq3A_896 = arith.cmpf oeq, %gather3A_893, %get3A_749 : vector<16xf32>
        %lt3A_897 = arith.cmpi slt, %gather3A_894, %get3A_751 : vector<16xi32>
        %and3A_898 = arith.andi %eq3A_896, %lt3A_897 : vector<16xi1>
        %or3A_899 = arith.ori %gt3A_895, %and3A_898 : vector<16xi1>
        %select_n3A_900 = arith.select %or3A_899, %broadcast_in_dim3A_7, %broadcast_in_dim3A_9 : vector<16xi1>, vector<16xi32>
        %add3A_901 = arith.addi %add3A_890, %select_n3A_900 : vector<16xi32>
        %add3A_902 = vector.broadcast %mul3A_769 : i32 to vector<16xi32>
        %add3A_903 = arith.addi %add3A_902, %select_n3A_626 : vector<16xi32>
        %gather3A_904 = tpu.vector_load_idx %arg14[%add3A_903] : memref<4096xf32, #tpu.memory_space<vmem>>[vector<16xi32>], vector<16xf32>,
        %gather3A_905 = tpu.vector_load_idx %arg15[%add3A_903] : memref<4096xi32, #tpu.memory_space<vmem>>[vector<16xi32>], vector<16xi32>,
        %gt3A_906 = arith.cmpf ogt, %gather3A_904, %get3A_749 : vector<16xf32>
        %eq3A_907 = arith.cmpf oeq, %gather3A_904, %get3A_749 : vector<16xf32>
        %lt3A_908 = arith.cmpi slt, %gather3A_905, %get3A_751 : vector<16xi32>
        %and3A_909 = arith.andi %eq3A_907, %lt3A_908 : vector<16xi1>
        %or3A_910 = arith.ori %gt3A_906, %and3A_909 : vector<16xi1>
        %select_n3A_911 = arith.select %or3A_910, %broadcast_in_dim3A_7, %broadcast_in_dim3A_9 : vector<16xi1>, vector<16xi32>
        %add3A_912 = arith.addi %add3A_901, %select_n3A_911 : vector<16xi32>
        %add3A_913 = vector.broadcast %mul3A_769 : i32 to vector<16xi32>
        %add3A_914 = arith.addi %add3A_913, %select_n3A_651 : vector<16xi32>
        %gather3A_915 = tpu.vector_load_idx %arg14[%add3A_914] : memref<4096xf32, #tpu.memory_space<vmem>>[vector<16xi32>], vector<16xf32>,
        %gather3A_916 = tpu.vector_load_idx %arg15[%add3A_914] : memref<4096xi32, #tpu.memory_space<vmem>>[vector<16xi32>], vector<16xi32>,
        %gt3A_917 = arith.cmpf ogt, %gather3A_915, %get3A_749 : vector<16xf32>
        %eq3A_918 = arith.cmpf oeq, %gather3A_915, %get3A_749 : vector<16xf32>
        %lt3A_919 = arith.cmpi slt, %gather3A_916, %get3A_751 : vector<16xi32>
        %and3A_920 = arith.andi %eq3A_918, %lt3A_919 : vector<16xi1>
        %or3A_921 = arith.ori %gt3A_917, %and3A_920 : vector<16xi1>
        %select_n3A_922 = arith.select %or3A_921, %broadcast_in_dim3A_7, %broadcast_in_dim3A_9 : vector<16xi1>, vector<16xi32>
        %add3A_923 = arith.addi %add3A_912, %select_n3A_922 : vector<16xi32>
        %add3A_924 = vector.broadcast %mul3A_769 : i32 to vector<16xi32>
        %add3A_925 = arith.addi %add3A_924, %select_n3A_676 : vector<16xi32>
        %gather3A_926 = tpu.vector_load_idx %arg14[%add3A_925] : memref<4096xf32, #tpu.memory_space<vmem>>[vector<16xi32>], vector<16xf32>,
        %gather3A_927 = tpu.vector_load_idx %arg15[%add3A_925] : memref<4096xi32, #tpu.memory_space<vmem>>[vector<16xi32>], vector<16xi32>,
        %gt3A_928 = arith.cmpf ogt, %gather3A_926, %get3A_749 : vector<16xf32>
        %eq3A_929 = arith.cmpf oeq, %gather3A_926, %get3A_749 : vector<16xf32>
        %lt3A_930 = arith.cmpi slt, %gather3A_927, %get3A_751 : vector<16xi32>
        %and3A_931 = arith.andi %eq3A_929, %lt3A_930 : vector<16xi1>
        %or3A_932 = arith.ori %gt3A_928, %and3A_931 : vector<16xi1>
        %select_n3A_933 = arith.select %or3A_932, %broadcast_in_dim3A_7, %broadcast_in_dim3A_9 : vector<16xi1>, vector<16xi32>
        %add3A_934 = arith.addi %add3A_923, %select_n3A_933 : vector<16xi32>
        %add3A_935 = vector.broadcast %mul3A_769 : i32 to vector<16xi32>
        %add3A_936 = arith.addi %add3A_935, %select_n3A_701 : vector<16xi32>
        %gather3A_937 = tpu.vector_load_idx %arg14[%add3A_936] : memref<4096xf32, #tpu.memory_space<vmem>>[vector<16xi32>], vector<16xf32>,
        %gather3A_938 = tpu.vector_load_idx %arg15[%add3A_936] : memref<4096xi32, #tpu.memory_space<vmem>>[vector<16xi32>], vector<16xi32>,
        %gt3A_939 = arith.cmpf ogt, %gather3A_937, %get3A_749 : vector<16xf32>
        %eq3A_940 = arith.cmpf oeq, %gather3A_937, %get3A_749 : vector<16xf32>
        %lt3A_941 = arith.cmpi slt, %gather3A_938, %get3A_751 : vector<16xi32>
        %and3A_942 = arith.andi %eq3A_940, %lt3A_941 : vector<16xi1>
        %or3A_943 = arith.ori %gt3A_939, %and3A_942 : vector<16xi1>
        %select_n3A_944 = arith.select %or3A_943, %broadcast_in_dim3A_7, %broadcast_in_dim3A_9 : vector<16xi1>, vector<16xi32>
        %add3A_945 = arith.addi %add3A_934, %select_n3A_944 : vector<16xi32>
        scf.yield %add3A_945 : vector<16xi32>
      }
      %while3A_761 = arith.constant 1 : i32
      %while3A_762 = scf.for %while3A_766 = %while3A_758 to %while3A_754 step %while3A_761 iter_args(%while3A_767 = %while3A_760) -> (vector<16xi32>)  : i32 {
        %mul3A_768 = arith.constant 16 : i32
        %mul3A_769 = arith.muli %while3A_766, %mul3A_768 : i32
        %add3A_770 = vector.broadcast %mul3A_769 : i32 to vector<16xi32>
        %add3A_771 = arith.addi %add3A_770, %select_n3A_326 : vector<16xi32>
        %gather3A_772 = tpu.vector_load_idx %arg14[%add3A_771] : memref<4096xf32, #tpu.memory_space<vmem>>[vector<16xi32>], vector<16xf32>,
        %gather3A_773 = tpu.vector_load_idx %arg15[%add3A_771] : memref<4096xi32, #tpu.memory_space<vmem>>[vector<16xi32>], vector<16xi32>,
        %gt3A_774 = arith.cmpf ogt, %gather3A_772, %get3A_749 : vector<16xf32>
        %eq3A_775 = arith.cmpf oeq, %gather3A_772, %get3A_749 : vector<16xf32>
        %lt3A_776 = arith.cmpi slt, %gather3A_773, %get3A_751 : vector<16xi32>
        %and3A_777 = arith.andi %eq3A_775, %lt3A_776 : vector<16xi1>
        %or3A_778 = arith.ori %gt3A_774, %and3A_777 : vector<16xi1>
        %select_n3A_779 = arith.select %or3A_778, %broadcast_in_dim3A_7, %broadcast_in_dim3A_9 : vector<16xi1>, vector<16xi32>
        %add3A_780 = arith.addi %while3A_767, %select_n3A_779 : vector<16xi32>
        %add3A_781 = vector.broadcast %mul3A_769 : i32 to vector<16xi32>
        %add3A_782 = arith.addi %add3A_781, %select_n3A_351 : vector<16xi32>
        %gather3A_783 = tpu.vector_load_idx %arg14[%add3A_782] : memref<4096xf32, #tpu.memory_space<vmem>>[vector<16xi32>], vector<16xf32>,
        %gather3A_784 = tpu.vector_load_idx %arg15[%add3A_782] : memref<4096xi32, #tpu.memory_space<vmem>>[vector<16xi32>], vector<16xi32>,
        %gt3A_785 = arith.cmpf ogt, %gather3A_783, %get3A_749 : vector<16xf32>
        %eq3A_786 = arith.cmpf oeq, %gather3A_783, %get3A_749 : vector<16xf32>
        %lt3A_787 = arith.cmpi slt, %gather3A_784, %get3A_751 : vector<16xi32>
        %and3A_788 = arith.andi %eq3A_786, %lt3A_787 : vector<16xi1>
        %or3A_789 = arith.ori %gt3A_785, %and3A_788 : vector<16xi1>
        %select_n3A_790 = arith.select %or3A_789, %broadcast_in_dim3A_7, %broadcast_in_dim3A_9 : vector<16xi1>, vector<16xi32>
        %add3A_791 = arith.addi %add3A_780, %select_n3A_790 : vector<16xi32>
        %add3A_792 = vector.broadcast %mul3A_769 : i32 to vector<16xi32>
        %add3A_793 = arith.addi %add3A_792, %select_n3A_376 : vector<16xi32>
        %gather3A_794 = tpu.vector_load_idx %arg14[%add3A_793] : memref<4096xf32, #tpu.memory_space<vmem>>[vector<16xi32>], vector<16xf32>,
        %gather3A_795 = tpu.vector_load_idx %arg15[%add3A_793] : memref<4096xi32, #tpu.memory_space<vmem>>[vector<16xi32>], vector<16xi32>,
        %gt3A_796 = arith.cmpf ogt, %gather3A_794, %get3A_749 : vector<16xf32>
        %eq3A_797 = arith.cmpf oeq, %gather3A_794, %get3A_749 : vector<16xf32>
        %lt3A_798 = arith.cmpi slt, %gather3A_795, %get3A_751 : vector<16xi32>
        %and3A_799 = arith.andi %eq3A_797, %lt3A_798 : vector<16xi1>
        %or3A_800 = arith.ori %gt3A_796, %and3A_799 : vector<16xi1>
        %select_n3A_801 = arith.select %or3A_800, %broadcast_in_dim3A_7, %broadcast_in_dim3A_9 : vector<16xi1>, vector<16xi32>
        %add3A_802 = arith.addi %add3A_791, %select_n3A_801 : vector<16xi32>
        %add3A_803 = vector.broadcast %mul3A_769 : i32 to vector<16xi32>
        %add3A_804 = arith.addi %add3A_803, %select_n3A_401 : vector<16xi32>
        %gather3A_805 = tpu.vector_load_idx %arg14[%add3A_804] : memref<4096xf32, #tpu.memory_space<vmem>>[vector<16xi32>], vector<16xf32>,
        %gather3A_806 = tpu.vector_load_idx %arg15[%add3A_804] : memref<4096xi32, #tpu.memory_space<vmem>>[vector<16xi32>], vector<16xi32>,
        %gt3A_807 = arith.cmpf ogt, %gather3A_805, %get3A_749 : vector<16xf32>
        %eq3A_808 = arith.cmpf oeq, %gather3A_805, %get3A_749 : vector<16xf32>
        %lt3A_809 = arith.cmpi slt, %gather3A_806, %get3A_751 : vector<16xi32>
        %and3A_810 = arith.andi %eq3A_808, %lt3A_809 : vector<16xi1>
        %or3A_811 = arith.ori %gt3A_807, %and3A_810 : vector<16xi1>
        %select_n3A_812 = arith.select %or3A_811, %broadcast_in_dim3A_7, %broadcast_in_dim3A_9 : vector<16xi1>, vector<16xi32>
        %add3A_813 = arith.addi %add3A_802, %select_n3A_812 : vector<16xi32>
        %add3A_814 = vector.broadcast %mul3A_769 : i32 to vector<16xi32>
        %add3A_815 = arith.addi %add3A_814, %select_n3A_426 : vector<16xi32>
        %gather3A_816 = tpu.vector_load_idx %arg14[%add3A_815] : memref<4096xf32, #tpu.memory_space<vmem>>[vector<16xi32>], vector<16xf32>,
        %gather3A_817 = tpu.vector_load_idx %arg15[%add3A_815] : memref<4096xi32, #tpu.memory_space<vmem>>[vector<16xi32>], vector<16xi32>,
        %gt3A_818 = arith.cmpf ogt, %gather3A_816, %get3A_749 : vector<16xf32>
        %eq3A_819 = arith.cmpf oeq, %gather3A_816, %get3A_749 : vector<16xf32>
        %lt3A_820 = arith.cmpi slt, %gather3A_817, %get3A_751 : vector<16xi32>
        %and3A_821 = arith.andi %eq3A_819, %lt3A_820 : vector<16xi1>
        %or3A_822 = arith.ori %gt3A_818, %and3A_821 : vector<16xi1>
        %select_n3A_823 = arith.select %or3A_822, %broadcast_in_dim3A_7, %broadcast_in_dim3A_9 : vector<16xi1>, vector<16xi32>
        %add3A_824 = arith.addi %add3A_813, %select_n3A_823 : vector<16xi32>
        %add3A_825 = vector.broadcast %mul3A_769 : i32 to vector<16xi32>
        %add3A_826 = arith.addi %add3A_825, %select_n3A_451 : vector<16xi32>
        %gather3A_827 = tpu.vector_load_idx %arg14[%add3A_826] : memref<4096xf32, #tpu.memory_space<vmem>>[vector<16xi32>], vector<16xf32>,
        %gather3A_828 = tpu.vector_load_idx %arg15[%add3A_826] : memref<4096xi32, #tpu.memory_space<vmem>>[vector<16xi32>], vector<16xi32>,
        %gt3A_829 = arith.cmpf ogt, %gather3A_827, %get3A_749 : vector<16xf32>
        %eq3A_830 = arith.cmpf oeq, %gather3A_827, %get3A_749 : vector<16xf32>
        %lt3A_831 = arith.cmpi slt, %gather3A_828, %get3A_751 : vector<16xi32>
        %and3A_832 = arith.andi %eq3A_830, %lt3A_831 : vector<16xi1>
        %or3A_833 = arith.ori %gt3A_829, %and3A_832 : vector<16xi1>
        %select_n3A_834 = arith.select %or3A_833, %broadcast_in_dim3A_7, %broadcast_in_dim3A_9 : vector<16xi1>, vector<16xi32>
        %add3A_835 = arith.addi %add3A_824, %select_n3A_834 : vector<16xi32>
        %add3A_836 = vector.broadcast %mul3A_769 : i32 to vector<16xi32>
        %add3A_837 = arith.addi %add3A_836, %select_n3A_476 : vector<16xi32>
        %gather3A_838 = tpu.vector_load_idx %arg14[%add3A_837] : memref<4096xf32, #tpu.memory_space<vmem>>[vector<16xi32>], vector<16xf32>,
        %gather3A_839 = tpu.vector_load_idx %arg15[%add3A_837] : memref<4096xi32, #tpu.memory_space<vmem>>[vector<16xi32>], vector<16xi32>,
        %gt3A_840 = arith.cmpf ogt, %gather3A_838, %get3A_749 : vector<16xf32>
        %eq3A_841 = arith.cmpf oeq, %gather3A_838, %get3A_749 : vector<16xf32>
        %lt3A_842 = arith.cmpi slt, %gather3A_839, %get3A_751 : vector<16xi32>
        %and3A_843 = arith.andi %eq3A_841, %lt3A_842 : vector<16xi1>
        %or3A_844 = arith.ori %gt3A_840, %and3A_843 : vector<16xi1>
        %select_n3A_845 = arith.select %or3A_844, %broadcast_in_dim3A_7, %broadcast_in_dim3A_9 : vector<16xi1>, vector<16xi32>
        %add3A_846 = arith.addi %add3A_835, %select_n3A_845 : vector<16xi32>
        %add3A_847 = vector.broadcast %mul3A_769 : i32 to vector<16xi32>
        %add3A_848 = arith.addi %add3A_847, %select_n3A_501 : vector<16xi32>
        %gather3A_849 = tpu.vector_load_idx %arg14[%add3A_848] : memref<4096xf32, #tpu.memory_space<vmem>>[vector<16xi32>], vector<16xf32>,
        %gather3A_850 = tpu.vector_load_idx %arg15[%add3A_848] : memref<4096xi32, #tpu.memory_space<vmem>>[vector<16xi32>], vector<16xi32>,
        %gt3A_851 = arith.cmpf ogt, %gather3A_849, %get3A_749 : vector<16xf32>
        %eq3A_852 = arith.cmpf oeq, %gather3A_849, %get3A_749 : vector<16xf32>
        %lt3A_853 = arith.cmpi slt, %gather3A_850, %get3A_751 : vector<16xi32>
        %and3A_854 = arith.andi %eq3A_852, %lt3A_853 : vector<16xi1>
        %or3A_855 = arith.ori %gt3A_851, %and3A_854 : vector<16xi1>
        %select_n3A_856 = arith.select %or3A_855, %broadcast_in_dim3A_7, %broadcast_in_dim3A_9 : vector<16xi1>, vector<16xi32>
        %add3A_857 = arith.addi %add3A_846, %select_n3A_856 : vector<16xi32>
        %add3A_858 = vector.broadcast %mul3A_769 : i32 to vector<16xi32>
        %add3A_859 = arith.addi %add3A_858, %select_n3A_526 : vector<16xi32>
        %gather3A_860 = tpu.vector_load_idx %arg14[%add3A_859] : memref<4096xf32, #tpu.memory_space<vmem>>[vector<16xi32>], vector<16xf32>,
        %gather3A_861 = tpu.vector_load_idx %arg15[%add3A_859] : memref<4096xi32, #tpu.memory_space<vmem>>[vector<16xi32>], vector<16xi32>,
        %gt3A_862 = arith.cmpf ogt, %gather3A_860, %get3A_749 : vector<16xf32>
        %eq3A_863 = arith.cmpf oeq, %gather3A_860, %get3A_749 : vector<16xf32>
        %lt3A_864 = arith.cmpi slt, %gather3A_861, %get3A_751 : vector<16xi32>
        %and3A_865 = arith.andi %eq3A_863, %lt3A_864 : vector<16xi1>
        %or3A_866 = arith.ori %gt3A_862, %and3A_865 : vector<16xi1>
        %select_n3A_867 = arith.select %or3A_866, %broadcast_in_dim3A_7, %broadcast_in_dim3A_9 : vector<16xi1>, vector<16xi32>
        %add3A_868 = arith.addi %add3A_857, %select_n3A_867 : vector<16xi32>
        %add3A_869 = vector.broadcast %mul3A_769 : i32 to vector<16xi32>
        %add3A_870 = arith.addi %add3A_869, %select_n3A_551 : vector<16xi32>
        %gather3A_871 = tpu.vector_load_idx %arg14[%add3A_870] : memref<4096xf32, #tpu.memory_space<vmem>>[vector<16xi32>], vector<16xf32>,
        %gather3A_872 = tpu.vector_load_idx %arg15[%add3A_870] : memref<4096xi32, #tpu.memory_space<vmem>>[vector<16xi32>], vector<16xi32>,
        %gt3A_873 = arith.cmpf ogt, %gather3A_871, %get3A_749 : vector<16xf32>
        %eq3A_874 = arith.cmpf oeq, %gather3A_871, %get3A_749 : vector<16xf32>
        %lt3A_875 = arith.cmpi slt, %gather3A_872, %get3A_751 : vector<16xi32>
        %and3A_876 = arith.andi %eq3A_874, %lt3A_875 : vector<16xi1>
        %or3A_877 = arith.ori %gt3A_873, %and3A_876 : vector<16xi1>
        %select_n3A_878 = arith.select %or3A_877, %broadcast_in_dim3A_7, %broadcast_in_dim3A_9 : vector<16xi1>, vector<16xi32>
        %add3A_879 = arith.addi %add3A_868, %select_n3A_878 : vector<16xi32>
        %add3A_880 = vector.broadcast %mul3A_769 : i32 to vector<16xi32>
        %add3A_881 = arith.addi %add3A_880, %select_n3A_576 : vector<16xi32>
        %gather3A_882 = tpu.vector_load_idx %arg14[%add3A_881] : memref<4096xf32, #tpu.memory_space<vmem>>[vector<16xi32>], vector<16xf32>,
        %gather3A_883 = tpu.vector_load_idx %arg15[%add3A_881] : memref<4096xi32, #tpu.memory_space<vmem>>[vector<16xi32>], vector<16xi32>,
        %gt3A_884 = arith.cmpf ogt, %gather3A_882, %get3A_749 : vector<16xf32>
        %eq3A_885 = arith.cmpf oeq, %gather3A_882, %get3A_749 : vector<16xf32>
        %lt3A_886 = arith.cmpi slt, %gather3A_883, %get3A_751 : vector<16xi32>
        %and3A_887 = arith.andi %eq3A_885, %lt3A_886 : vector<16xi1>
        %or3A_888 = arith.ori %gt3A_884, %and3A_887 : vector<16xi1>
        %select_n3A_889 = arith.select %or3A_888, %broadcast_in_dim3A_7, %broadcast_in_dim3A_9 : vector<16xi1>, vector<16xi32>
        %add3A_890 = arith.addi %add3A_879, %select_n3A_889 : vector<16xi32>
        %add3A_891 = vector.broadcast %mul3A_769 : i32 to vector<16xi32>
        %add3A_892 = arith.addi %add3A_891, %select_n3A_601 : vector<16xi32>
        %gather3A_893 = tpu.vector_load_idx %arg14[%add3A_892] : memref<4096xf32, #tpu.memory_space<vmem>>[vector<16xi32>], vector<16xf32>,
        %gather3A_894 = tpu.vector_load_idx %arg15[%add3A_892] : memref<4096xi32, #tpu.memory_space<vmem>>[vector<16xi32>], vector<16xi32>,
        %gt3A_895 = arith.cmpf ogt, %gather3A_893, %get3A_749 : vector<16xf32>
        %eq3A_896 = arith.cmpf oeq, %gather3A_893, %get3A_749 : vector<16xf32>
        %lt3A_897 = arith.cmpi slt, %gather3A_894, %get3A_751 : vector<16xi32>
        %and3A_898 = arith.andi %eq3A_896, %lt3A_897 : vector<16xi1>
        %or3A_899 = arith.ori %gt3A_895, %and3A_898 : vector<16xi1>
        %select_n3A_900 = arith.select %or3A_899, %broadcast_in_dim3A_7, %broadcast_in_dim3A_9 : vector<16xi1>, vector<16xi32>
        %add3A_901 = arith.addi %add3A_890, %select_n3A_900 : vector<16xi32>
        %add3A_902 = vector.broadcast %mul3A_769 : i32 to vector<16xi32>
        %add3A_903 = arith.addi %add3A_902, %select_n3A_626 : vector<16xi32>
        %gather3A_904 = tpu.vector_load_idx %arg14[%add3A_903] : memref<4096xf32, #tpu.memory_space<vmem>>[vector<16xi32>], vector<16xf32>,
        %gather3A_905 = tpu.vector_load_idx %arg15[%add3A_903] : memref<4096xi32, #tpu.memory_space<vmem>>[vector<16xi32>], vector<16xi32>,
        %gt3A_906 = arith.cmpf ogt, %gather3A_904, %get3A_749 : vector<16xf32>
        %eq3A_907 = arith.cmpf oeq, %gather3A_904, %get3A_749 : vector<16xf32>
        %lt3A_908 = arith.cmpi slt, %gather3A_905, %get3A_751 : vector<16xi32>
        %and3A_909 = arith.andi %eq3A_907, %lt3A_908 : vector<16xi1>
        %or3A_910 = arith.ori %gt3A_906, %and3A_909 : vector<16xi1>
        %select_n3A_911 = arith.select %or3A_910, %broadcast_in_dim3A_7, %broadcast_in_dim3A_9 : vector<16xi1>, vector<16xi32>
        %add3A_912 = arith.addi %add3A_901, %select_n3A_911 : vector<16xi32>
        %add3A_913 = vector.broadcast %mul3A_769 : i32 to vector<16xi32>
        %add3A_914 = arith.addi %add3A_913, %select_n3A_651 : vector<16xi32>
        %gather3A_915 = tpu.vector_load_idx %arg14[%add3A_914] : memref<4096xf32, #tpu.memory_space<vmem>>[vector<16xi32>], vector<16xf32>,
        %gather3A_916 = tpu.vector_load_idx %arg15[%add3A_914] : memref<4096xi32, #tpu.memory_space<vmem>>[vector<16xi32>], vector<16xi32>,
        %gt3A_917 = arith.cmpf ogt, %gather3A_915, %get3A_749 : vector<16xf32>
        %eq3A_918 = arith.cmpf oeq, %gather3A_915, %get3A_749 : vector<16xf32>
        %lt3A_919 = arith.cmpi slt, %gather3A_916, %get3A_751 : vector<16xi32>
        %and3A_920 = arith.andi %eq3A_918, %lt3A_919 : vector<16xi1>
        %or3A_921 = arith.ori %gt3A_917, %and3A_920 : vector<16xi1>
        %select_n3A_922 = arith.select %or3A_921, %broadcast_in_dim3A_7, %broadcast_in_dim3A_9 : vector<16xi1>, vector<16xi32>
        %add3A_923 = arith.addi %add3A_912, %select_n3A_922 : vector<16xi32>
        %add3A_924 = vector.broadcast %mul3A_769 : i32 to vector<16xi32>
        %add3A_925 = arith.addi %add3A_924, %select_n3A_676 : vector<16xi32>
        %gather3A_926 = tpu.vector_load_idx %arg14[%add3A_925] : memref<4096xf32, #tpu.memory_space<vmem>>[vector<16xi32>], vector<16xf32>,
        %gather3A_927 = tpu.vector_load_idx %arg15[%add3A_925] : memref<4096xi32, #tpu.memory_space<vmem>>[vector<16xi32>], vector<16xi32>,
        %gt3A_928 = arith.cmpf ogt, %gather3A_926, %get3A_749 : vector<16xf32>
        %eq3A_929 = arith.cmpf oeq, %gather3A_926, %get3A_749 : vector<16xf32>
        %lt3A_930 = arith.cmpi slt, %gather3A_927, %get3A_751 : vector<16xi32>
        %and3A_931 = arith.andi %eq3A_929, %lt3A_930 : vector<16xi1>
        %or3A_932 = arith.ori %gt3A_928, %and3A_931 : vector<16xi1>
        %select_n3A_933 = arith.select %or3A_932, %broadcast_in_dim3A_7, %broadcast_in_dim3A_9 : vector<16xi1>, vector<16xi32>
        %add3A_934 = arith.addi %add3A_923, %select_n3A_933 : vector<16xi32>
        %add3A_935 = vector.broadcast %mul3A_769 : i32 to vector<16xi32>
        %add3A_936 = arith.addi %add3A_935, %select_n3A_701 : vector<16xi32>
        %gather3A_937 = tpu.vector_load_idx %arg14[%add3A_936] : memref<4096xf32, #tpu.memory_space<vmem>>[vector<16xi32>], vector<16xf32>,
        %gather3A_938 = tpu.vector_load_idx %arg15[%add3A_936] : memref<4096xi32, #tpu.memory_space<vmem>>[vector<16xi32>], vector<16xi32>,
        %gt3A_939 = arith.cmpf ogt, %gather3A_937, %get3A_749 : vector<16xf32>
        %eq3A_940 = arith.cmpf oeq, %gather3A_937, %get3A_749 : vector<16xf32>
        %lt3A_941 = arith.cmpi slt, %gather3A_938, %get3A_751 : vector<16xi32>
        %and3A_942 = arith.andi %eq3A_940, %lt3A_941 : vector<16xi1>
        %or3A_943 = arith.ori %gt3A_939, %and3A_942 : vector<16xi1>
        %select_n3A_944 = arith.select %or3A_943, %broadcast_in_dim3A_7, %broadcast_in_dim3A_9 : vector<16xi1>, vector<16xi32>
        %add3A_945 = arith.addi %add3A_934, %select_n3A_944 : vector<16xi32>
        scf.yield %add3A_945 : vector<16xi32>
      }
      %swap3A_763 = arith.index_cast %mul3A_747 : i32 to index
      %swap3A_764 = tpu.vector_load %arg16[%swap3A_763] {strides = array<i32>} : memref<4096xi32, #tpu.memory_space<vmem>>, vector<16xi32>,
      tpu.vector_store %arg16[%swap3A_763], %while3A_762 {strides = array<i32>} : memref<4096xi32, #tpu.memory_space<vmem>>, vector<16xi32>,
      %while3A_765 = arith.constant 0 : i32
      scf.yield %while3A_765 : i32
    }
    %while3A_712 = arith.constant 1 : i32
    %while3A_713 = scf.for %while3A_744 = %while3A_709 to %while3A_705 step %while3A_712 iter_args(%while3A_745 = %while3A_711) -> (i32)  : i32 {
      %mul3A_746 = arith.constant 16 : i32
      %mul3A_747 = arith.muli %while3A_744, %mul3A_746 : i32
      %get3A_748 = arith.index_cast %mul3A_747 : i32 to index
      %get3A_749 = tpu.vector_load %arg14[%get3A_748] {strides = array<i32>} : memref<4096xf32, #tpu.memory_space<vmem>>, vector<16xf32>,
      %get3A_750 = arith.index_cast %mul3A_747 : i32 to index
      %get3A_751 = tpu.vector_load %arg15[%get3A_750] {strides = array<i32>} : memref<4096xi32, #tpu.memory_space<vmem>>, vector<16xi32>,
      %while3A_752 = arith.constant 0 : i32
      %while3A_753 = arith.subi %select_n3A_301, %while3A_752 : i32
      %while3A_754 = arith.addi %while3A_752, %while3A_753 : i32
      %while3A_755 = arith.constant 1 : i32
      %while3A_756 = arith.divsi %while3A_753, %while3A_755 : i32
      %while3A_757 = arith.muli %while3A_756, %while3A_755 : i32
      %while3A_758 = arith.addi %while3A_752, %while3A_757 : i32
      %while3A_759 = arith.constant 1 : i32
      %while3A_760 = scf.for %while3A_766 = %while3A_752 to %while3A_758 step %while3A_759 iter_args(%while3A_767 = %broadcast_in_dim3A_9) -> (vector<16xi32>)  : i32 {
        %mul3A_768 = arith.constant 16 : i32
        %mul3A_769 = arith.muli %while3A_766, %mul3A_768 : i32
        %add3A_770 = vector.broadcast %mul3A_769 : i32 to vector<16xi32>
        %add3A_771 = arith.addi %add3A_770, %select_n3A_326 : vector<16xi32>
        %gather3A_772 = tpu.vector_load_idx %arg14[%add3A_771] : memref<4096xf32, #tpu.memory_space<vmem>>[vector<16xi32>], vector<16xf32>,
        %gather3A_773 = tpu.vector_load_idx %arg15[%add3A_771] : memref<4096xi32, #tpu.memory_space<vmem>>[vector<16xi32>], vector<16xi32>,
        %gt3A_774 = arith.cmpf ogt, %gather3A_772, %get3A_749 : vector<16xf32>
        %eq3A_775 = arith.cmpf oeq, %gather3A_772, %get3A_749 : vector<16xf32>
        %lt3A_776 = arith.cmpi slt, %gather3A_773, %get3A_751 : vector<16xi32>
        %and3A_777 = arith.andi %eq3A_775, %lt3A_776 : vector<16xi1>
        %or3A_778 = arith.ori %gt3A_774, %and3A_777 : vector<16xi1>
        %select_n3A_779 = arith.select %or3A_778, %broadcast_in_dim3A_7, %broadcast_in_dim3A_9 : vector<16xi1>, vector<16xi32>
        %add3A_780 = arith.addi %while3A_767, %select_n3A_779 : vector<16xi32>
        %add3A_781 = vector.broadcast %mul3A_769 : i32 to vector<16xi32>
        %add3A_782 = arith.addi %add3A_781, %select_n3A_351 : vector<16xi32>
        %gather3A_783 = tpu.vector_load_idx %arg14[%add3A_782] : memref<4096xf32, #tpu.memory_space<vmem>>[vector<16xi32>], vector<16xf32>,
        %gather3A_784 = tpu.vector_load_idx %arg15[%add3A_782] : memref<4096xi32, #tpu.memory_space<vmem>>[vector<16xi32>], vector<16xi32>,
        %gt3A_785 = arith.cmpf ogt, %gather3A_783, %get3A_749 : vector<16xf32>
        %eq3A_786 = arith.cmpf oeq, %gather3A_783, %get3A_749 : vector<16xf32>
        %lt3A_787 = arith.cmpi slt, %gather3A_784, %get3A_751 : vector<16xi32>
        %and3A_788 = arith.andi %eq3A_786, %lt3A_787 : vector<16xi1>
        %or3A_789 = arith.ori %gt3A_785, %and3A_788 : vector<16xi1>
        %select_n3A_790 = arith.select %or3A_789, %broadcast_in_dim3A_7, %broadcast_in_dim3A_9 : vector<16xi1>, vector<16xi32>
        %add3A_791 = arith.addi %add3A_780, %select_n3A_790 : vector<16xi32>
        %add3A_792 = vector.broadcast %mul3A_769 : i32 to vector<16xi32>
        %add3A_793 = arith.addi %add3A_792, %select_n3A_376 : vector<16xi32>
        %gather3A_794 = tpu.vector_load_idx %arg14[%add3A_793] : memref<4096xf32, #tpu.memory_space<vmem>>[vector<16xi32>], vector<16xf32>,
        %gather3A_795 = tpu.vector_load_idx %arg15[%add3A_793] : memref<4096xi32, #tpu.memory_space<vmem>>[vector<16xi32>], vector<16xi32>,
        %gt3A_796 = arith.cmpf ogt, %gather3A_794, %get3A_749 : vector<16xf32>
        %eq3A_797 = arith.cmpf oeq, %gather3A_794, %get3A_749 : vector<16xf32>
        %lt3A_798 = arith.cmpi slt, %gather3A_795, %get3A_751 : vector<16xi32>
        %and3A_799 = arith.andi %eq3A_797, %lt3A_798 : vector<16xi1>
        %or3A_800 = arith.ori %gt3A_796, %and3A_799 : vector<16xi1>
        %select_n3A_801 = arith.select %or3A_800, %broadcast_in_dim3A_7, %broadcast_in_dim3A_9 : vector<16xi1>, vector<16xi32>
        %add3A_802 = arith.addi %add3A_791, %select_n3A_801 : vector<16xi32>
        %add3A_803 = vector.broadcast %mul3A_769 : i32 to vector<16xi32>
        %add3A_804 = arith.addi %add3A_803, %select_n3A_401 : vector<16xi32>
        %gather3A_805 = tpu.vector_load_idx %arg14[%add3A_804] : memref<4096xf32, #tpu.memory_space<vmem>>[vector<16xi32>], vector<16xf32>,
        %gather3A_806 = tpu.vector_load_idx %arg15[%add3A_804] : memref<4096xi32, #tpu.memory_space<vmem>>[vector<16xi32>], vector<16xi32>,
        %gt3A_807 = arith.cmpf ogt, %gather3A_805, %get3A_749 : vector<16xf32>
        %eq3A_808 = arith.cmpf oeq, %gather3A_805, %get3A_749 : vector<16xf32>
        %lt3A_809 = arith.cmpi slt, %gather3A_806, %get3A_751 : vector<16xi32>
        %and3A_810 = arith.andi %eq3A_808, %lt3A_809 : vector<16xi1>
        %or3A_811 = arith.ori %gt3A_807, %and3A_810 : vector<16xi1>
        %select_n3A_812 = arith.select %or3A_811, %broadcast_in_dim3A_7, %broadcast_in_dim3A_9 : vector<16xi1>, vector<16xi32>
        %add3A_813 = arith.addi %add3A_802, %select_n3A_812 : vector<16xi32>
        %add3A_814 = vector.broadcast %mul3A_769 : i32 to vector<16xi32>
        %add3A_815 = arith.addi %add3A_814, %select_n3A_426 : vector<16xi32>
        %gather3A_816 = tpu.vector_load_idx %arg14[%add3A_815] : memref<4096xf32, #tpu.memory_space<vmem>>[vector<16xi32>], vector<16xf32>,
        %gather3A_817 = tpu.vector_load_idx %arg15[%add3A_815] : memref<4096xi32, #tpu.memory_space<vmem>>[vector<16xi32>], vector<16xi32>,
        %gt3A_818 = arith.cmpf ogt, %gather3A_816, %get3A_749 : vector<16xf32>
        %eq3A_819 = arith.cmpf oeq, %gather3A_816, %get3A_749 : vector<16xf32>
        %lt3A_820 = arith.cmpi slt, %gather3A_817, %get3A_751 : vector<16xi32>
        %and3A_821 = arith.andi %eq3A_819, %lt3A_820 : vector<16xi1>
        %or3A_822 = arith.ori %gt3A_818, %and3A_821 : vector<16xi1>
        %select_n3A_823 = arith.select %or3A_822, %broadcast_in_dim3A_7, %broadcast_in_dim3A_9 : vector<16xi1>, vector<16xi32>
        %add3A_824 = arith.addi %add3A_813, %select_n3A_823 : vector<16xi32>
        %add3A_825 = vector.broadcast %mul3A_769 : i32 to vector<16xi32>
        %add3A_826 = arith.addi %add3A_825, %select_n3A_451 : vector<16xi32>
        %gather3A_827 = tpu.vector_load_idx %arg14[%add3A_826] : memref<4096xf32, #tpu.memory_space<vmem>>[vector<16xi32>], vector<16xf32>,
        %gather3A_828 = tpu.vector_load_idx %arg15[%add3A_826] : memref<4096xi32, #tpu.memory_space<vmem>>[vector<16xi32>], vector<16xi32>,
        %gt3A_829 = arith.cmpf ogt, %gather3A_827, %get3A_749 : vector<16xf32>
        %eq3A_830 = arith.cmpf oeq, %gather3A_827, %get3A_749 : vector<16xf32>
        %lt3A_831 = arith.cmpi slt, %gather3A_828, %get3A_751 : vector<16xi32>
        %and3A_832 = arith.andi %eq3A_830, %lt3A_831 : vector<16xi1>
        %or3A_833 = arith.ori %gt3A_829, %and3A_832 : vector<16xi1>
        %select_n3A_834 = arith.select %or3A_833, %broadcast_in_dim3A_7, %broadcast_in_dim3A_9 : vector<16xi1>, vector<16xi32>
        %add3A_835 = arith.addi %add3A_824, %select_n3A_834 : vector<16xi32>
        %add3A_836 = vector.broadcast %mul3A_769 : i32 to vector<16xi32>
        %add3A_837 = arith.addi %add3A_836, %select_n3A_476 : vector<16xi32>
        %gather3A_838 = tpu.vector_load_idx %arg14[%add3A_837] : memref<4096xf32, #tpu.memory_space<vmem>>[vector<16xi32>], vector<16xf32>,
        %gather3A_839 = tpu.vector_load_idx %arg15[%add3A_837] : memref<4096xi32, #tpu.memory_space<vmem>>[vector<16xi32>], vector<16xi32>,
        %gt3A_840 = arith.cmpf ogt, %gather3A_838, %get3A_749 : vector<16xf32>
        %eq3A_841 = arith.cmpf oeq, %gather3A_838, %get3A_749 : vector<16xf32>
        %lt3A_842 = arith.cmpi slt, %gather3A_839, %get3A_751 : vector<16xi32>
        %and3A_843 = arith.andi %eq3A_841, %lt3A_842 : vector<16xi1>
        %or3A_844 = arith.ori %gt3A_840, %and3A_843 : vector<16xi1>
        %select_n3A_845 = arith.select %or3A_844, %broadcast_in_dim3A_7, %broadcast_in_dim3A_9 : vector<16xi1>, vector<16xi32>
        %add3A_846 = arith.addi %add3A_835, %select_n3A_845 : vector<16xi32>
        %add3A_847 = vector.broadcast %mul3A_769 : i32 to vector<16xi32>
        %add3A_848 = arith.addi %add3A_847, %select_n3A_501 : vector<16xi32>
        %gather3A_849 = tpu.vector_load_idx %arg14[%add3A_848] : memref<4096xf32, #tpu.memory_space<vmem>>[vector<16xi32>], vector<16xf32>,
        %gather3A_850 = tpu.vector_load_idx %arg15[%add3A_848] : memref<4096xi32, #tpu.memory_space<vmem>>[vector<16xi32>], vector<16xi32>,
        %gt3A_851 = arith.cmpf ogt, %gather3A_849, %get3A_749 : vector<16xf32>
        %eq3A_852 = arith.cmpf oeq, %gather3A_849, %get3A_749 : vector<16xf32>
        %lt3A_853 = arith.cmpi slt, %gather3A_850, %get3A_751 : vector<16xi32>
        %and3A_854 = arith.andi %eq3A_852, %lt3A_853 : vector<16xi1>
        %or3A_855 = arith.ori %gt3A_851, %and3A_854 : vector<16xi1>
        %select_n3A_856 = arith.select %or3A_855, %broadcast_in_dim3A_7, %broadcast_in_dim3A_9 : vector<16xi1>, vector<16xi32>
        %add3A_857 = arith.addi %add3A_846, %select_n3A_856 : vector<16xi32>
        %add3A_858 = vector.broadcast %mul3A_769 : i32 to vector<16xi32>
        %add3A_859 = arith.addi %add3A_858, %select_n3A_526 : vector<16xi32>
        %gather3A_860 = tpu.vector_load_idx %arg14[%add3A_859] : memref<4096xf32, #tpu.memory_space<vmem>>[vector<16xi32>], vector<16xf32>,
        %gather3A_861 = tpu.vector_load_idx %arg15[%add3A_859] : memref<4096xi32, #tpu.memory_space<vmem>>[vector<16xi32>], vector<16xi32>,
        %gt3A_862 = arith.cmpf ogt, %gather3A_860, %get3A_749 : vector<16xf32>
        %eq3A_863 = arith.cmpf oeq, %gather3A_860, %get3A_749 : vector<16xf32>
        %lt3A_864 = arith.cmpi slt, %gather3A_861, %get3A_751 : vector<16xi32>
        %and3A_865 = arith.andi %eq3A_863, %lt3A_864 : vector<16xi1>
        %or3A_866 = arith.ori %gt3A_862, %and3A_865 : vector<16xi1>
        %select_n3A_867 = arith.select %or3A_866, %broadcast_in_dim3A_7, %broadcast_in_dim3A_9 : vector<16xi1>, vector<16xi32>
        %add3A_868 = arith.addi %add3A_857, %select_n3A_867 : vector<16xi32>
        %add3A_869 = vector.broadcast %mul3A_769 : i32 to vector<16xi32>
        %add3A_870 = arith.addi %add3A_869, %select_n3A_551 : vector<16xi32>
        %gather3A_871 = tpu.vector_load_idx %arg14[%add3A_870] : memref<4096xf32, #tpu.memory_space<vmem>>[vector<16xi32>], vector<16xf32>,
        %gather3A_872 = tpu.vector_load_idx %arg15[%add3A_870] : memref<4096xi32, #tpu.memory_space<vmem>>[vector<16xi32>], vector<16xi32>,
        %gt3A_873 = arith.cmpf ogt, %gather3A_871, %get3A_749 : vector<16xf32>
        %eq3A_874 = arith.cmpf oeq, %gather3A_871, %get3A_749 : vector<16xf32>
        %lt3A_875 = arith.cmpi slt, %gather3A_872, %get3A_751 : vector<16xi32>
        %and3A_876 = arith.andi %eq3A_874, %lt3A_875 : vector<16xi1>
        %or3A_877 = arith.ori %gt3A_873, %and3A_876 : vector<16xi1>
        %select_n3A_878 = arith.select %or3A_877, %broadcast_in_dim3A_7, %broadcast_in_dim3A_9 : vector<16xi1>, vector<16xi32>
        %add3A_879 = arith.addi %add3A_868, %select_n3A_878 : vector<16xi32>
        %add3A_880 = vector.broadcast %mul3A_769 : i32 to vector<16xi32>
        %add3A_881 = arith.addi %add3A_880, %select_n3A_576 : vector<16xi32>
        %gather3A_882 = tpu.vector_load_idx %arg14[%add3A_881] : memref<4096xf32, #tpu.memory_space<vmem>>[vector<16xi32>], vector<16xf32>,
        %gather3A_883 = tpu.vector_load_idx %arg15[%add3A_881] : memref<4096xi32, #tpu.memory_space<vmem>>[vector<16xi32>], vector<16xi32>,
        %gt3A_884 = arith.cmpf ogt, %gather3A_882, %get3A_749 : vector<16xf32>
        %eq3A_885 = arith.cmpf oeq, %gather3A_882, %get3A_749 : vector<16xf32>
        %lt3A_886 = arith.cmpi slt, %gather3A_883, %get3A_751 : vector<16xi32>
        %and3A_887 = arith.andi %eq3A_885, %lt3A_886 : vector<16xi1>
        %or3A_888 = arith.ori %gt3A_884, %and3A_887 : vector<16xi1>
        %select_n3A_889 = arith.select %or3A_888, %broadcast_in_dim3A_7, %broadcast_in_dim3A_9 : vector<16xi1>, vector<16xi32>
        %add3A_890 = arith.addi %add3A_879, %select_n3A_889 : vector<16xi32>
        %add3A_891 = vector.broadcast %mul3A_769 : i32 to vector<16xi32>
        %add3A_892 = arith.addi %add3A_891, %select_n3A_601 : vector<16xi32>
        %gather3A_893 = tpu.vector_load_idx %arg14[%add3A_892] : memref<4096xf32, #tpu.memory_space<vmem>>[vector<16xi32>], vector<16xf32>,
        %gather3A_894 = tpu.vector_load_idx %arg15[%add3A_892] : memref<4096xi32, #tpu.memory_space<vmem>>[vector<16xi32>], vector<16xi32>,
        %gt3A_895 = arith.cmpf ogt, %gather3A_893, %get3A_749 : vector<16xf32>
        %eq3A_896 = arith.cmpf oeq, %gather3A_893, %get3A_749 : vector<16xf32>
        %lt3A_897 = arith.cmpi slt, %gather3A_894, %get3A_751 : vector<16xi32>
        %and3A_898 = arith.andi %eq3A_896, %lt3A_897 : vector<16xi1>
        %or3A_899 = arith.ori %gt3A_895, %and3A_898 : vector<16xi1>
        %select_n3A_900 = arith.select %or3A_899, %broadcast_in_dim3A_7, %broadcast_in_dim3A_9 : vector<16xi1>, vector<16xi32>
        %add3A_901 = arith.addi %add3A_890, %select_n3A_900 : vector<16xi32>
        %add3A_902 = vector.broadcast %mul3A_769 : i32 to vector<16xi32>
        %add3A_903 = arith.addi %add3A_902, %select_n3A_626 : vector<16xi32>
        %gather3A_904 = tpu.vector_load_idx %arg14[%add3A_903] : memref<4096xf32, #tpu.memory_space<vmem>>[vector<16xi32>], vector<16xf32>,
        %gather3A_905 = tpu.vector_load_idx %arg15[%add3A_903] : memref<4096xi32, #tpu.memory_space<vmem>>[vector<16xi32>], vector<16xi32>,
        %gt3A_906 = arith.cmpf ogt, %gather3A_904, %get3A_749 : vector<16xf32>
        %eq3A_907 = arith.cmpf oeq, %gather3A_904, %get3A_749 : vector<16xf32>
        %lt3A_908 = arith.cmpi slt, %gather3A_905, %get3A_751 : vector<16xi32>
        %and3A_909 = arith.andi %eq3A_907, %lt3A_908 : vector<16xi1>
        %or3A_910 = arith.ori %gt3A_906, %and3A_909 : vector<16xi1>
        %select_n3A_911 = arith.select %or3A_910, %broadcast_in_dim3A_7, %broadcast_in_dim3A_9 : vector<16xi1>, vector<16xi32>
        %add3A_912 = arith.addi %add3A_901, %select_n3A_911 : vector<16xi32>
        %add3A_913 = vector.broadcast %mul3A_769 : i32 to vector<16xi32>
        %add3A_914 = arith.addi %add3A_913, %select_n3A_651 : vector<16xi32>
        %gather3A_915 = tpu.vector_load_idx %arg14[%add3A_914] : memref<4096xf32, #tpu.memory_space<vmem>>[vector<16xi32>], vector<16xf32>,
        %gather3A_916 = tpu.vector_load_idx %arg15[%add3A_914] : memref<4096xi32, #tpu.memory_space<vmem>>[vector<16xi32>], vector<16xi32>,
        %gt3A_917 = arith.cmpf ogt, %gather3A_915, %get3A_749 : vector<16xf32>
        %eq3A_918 = arith.cmpf oeq, %gather3A_915, %get3A_749 : vector<16xf32>
        %lt3A_919 = arith.cmpi slt, %gather3A_916, %get3A_751 : vector<16xi32>
        %and3A_920 = arith.andi %eq3A_918, %lt3A_919 : vector<16xi1>
        %or3A_921 = arith.ori %gt3A_917, %and3A_920 : vector<16xi1>
        %select_n3A_922 = arith.select %or3A_921, %broadcast_in_dim3A_7, %broadcast_in_dim3A_9 : vector<16xi1>, vector<16xi32>
        %add3A_923 = arith.addi %add3A_912, %select_n3A_922 : vector<16xi32>
        %add3A_924 = vector.broadcast %mul3A_769 : i32 to vector<16xi32>
        %add3A_925 = arith.addi %add3A_924, %select_n3A_676 : vector<16xi32>
        %gather3A_926 = tpu.vector_load_idx %arg14[%add3A_925] : memref<4096xf32, #tpu.memory_space<vmem>>[vector<16xi32>], vector<16xf32>,
        %gather3A_927 = tpu.vector_load_idx %arg15[%add3A_925] : memref<4096xi32, #tpu.memory_space<vmem>>[vector<16xi32>], vector<16xi32>,
        %gt3A_928 = arith.cmpf ogt, %gather3A_926, %get3A_749 : vector<16xf32>
        %eq3A_929 = arith.cmpf oeq, %gather3A_926, %get3A_749 : vector<16xf32>
        %lt3A_930 = arith.cmpi slt, %gather3A_927, %get3A_751 : vector<16xi32>
        %and3A_931 = arith.andi %eq3A_929, %lt3A_930 : vector<16xi1>
        %or3A_932 = arith.ori %gt3A_928, %and3A_931 : vector<16xi1>
        %select_n3A_933 = arith.select %or3A_932, %broadcast_in_dim3A_7, %broadcast_in_dim3A_9 : vector<16xi1>, vector<16xi32>
        %add3A_934 = arith.addi %add3A_923, %select_n3A_933 : vector<16xi32>
        %add3A_935 = vector.broadcast %mul3A_769 : i32 to vector<16xi32>
        %add3A_936 = arith.addi %add3A_935, %select_n3A_701 : vector<16xi32>
        %gather3A_937 = tpu.vector_load_idx %arg14[%add3A_936] : memref<4096xf32, #tpu.memory_space<vmem>>[vector<16xi32>], vector<16xf32>,
        %gather3A_938 = tpu.vector_load_idx %arg15[%add3A_936] : memref<4096xi32, #tpu.memory_space<vmem>>[vector<16xi32>], vector<16xi32>,
        %gt3A_939 = arith.cmpf ogt, %gather3A_937, %get3A_749 : vector<16xf32>
        %eq3A_940 = arith.cmpf oeq, %gather3A_937, %get3A_749 : vector<16xf32>
        %lt3A_941 = arith.cmpi slt, %gather3A_938, %get3A_751 : vector<16xi32>
        %and3A_942 = arith.andi %eq3A_940, %lt3A_941 : vector<16xi1>
        %or3A_943 = arith.ori %gt3A_939, %and3A_942 : vector<16xi1>
        %select_n3A_944 = arith.select %or3A_943, %broadcast_in_dim3A_7, %broadcast_in_dim3A_9 : vector<16xi1>, vector<16xi32>
        %add3A_945 = arith.addi %add3A_934, %select_n3A_944 : vector<16xi32>
        scf.yield %add3A_945 : vector<16xi32>
      }
      %while3A_761 = arith.constant 1 : i32
      %while3A_762 = scf.for %while3A_766 = %while3A_758 to %while3A_754 step %while3A_761 iter_args(%while3A_767 = %while3A_760) -> (vector<16xi32>)  : i32 {
        %mul3A_768 = arith.constant 16 : i32
        %mul3A_769 = arith.muli %while3A_766, %mul3A_768 : i32
        %add3A_770 = vector.broadcast %mul3A_769 : i32 to vector<16xi32>
        %add3A_771 = arith.addi %add3A_770, %select_n3A_326 : vector<16xi32>
        %gather3A_772 = tpu.vector_load_idx %arg14[%add3A_771] : memref<4096xf32, #tpu.memory_space<vmem>>[vector<16xi32>], vector<16xf32>,
        %gather3A_773 = tpu.vector_load_idx %arg15[%add3A_771] : memref<4096xi32, #tpu.memory_space<vmem>>[vector<16xi32>], vector<16xi32>,
        %gt3A_774 = arith.cmpf ogt, %gather3A_772, %get3A_749 : vector<16xf32>
        %eq3A_775 = arith.cmpf oeq, %gather3A_772, %get3A_749 : vector<16xf32>
        %lt3A_776 = arith.cmpi slt, %gather3A_773, %get3A_751 : vector<16xi32>
        %and3A_777 = arith.andi %eq3A_775, %lt3A_776 : vector<16xi1>
        %or3A_778 = arith.ori %gt3A_774, %and3A_777 : vector<16xi1>
        %select_n3A_779 = arith.select %or3A_778, %broadcast_in_dim3A_7, %broadcast_in_dim3A_9 : vector<16xi1>, vector<16xi32>
        %add3A_780 = arith.addi %while3A_767, %select_n3A_779 : vector<16xi32>
        %add3A_781 = vector.broadcast %mul3A_769 : i32 to vector<16xi32>
        %add3A_782 = arith.addi %add3A_781, %select_n3A_351 : vector<16xi32>
        %gather3A_783 = tpu.vector_load_idx %arg14[%add3A_782] : memref<4096xf32, #tpu.memory_space<vmem>>[vector<16xi32>], vector<16xf32>,
        %gather3A_784 = tpu.vector_load_idx %arg15[%add3A_782] : memref<4096xi32, #tpu.memory_space<vmem>>[vector<16xi32>], vector<16xi32>,
        %gt3A_785 = arith.cmpf ogt, %gather3A_783, %get3A_749 : vector<16xf32>
        %eq3A_786 = arith.cmpf oeq, %gather3A_783, %get3A_749 : vector<16xf32>
        %lt3A_787 = arith.cmpi slt, %gather3A_784, %get3A_751 : vector<16xi32>
        %and3A_788 = arith.andi %eq3A_786, %lt3A_787 : vector<16xi1>
        %or3A_789 = arith.ori %gt3A_785, %and3A_788 : vector<16xi1>
        %select_n3A_790 = arith.select %or3A_789, %broadcast_in_dim3A_7, %broadcast_in_dim3A_9 : vector<16xi1>, vector<16xi32>
        %add3A_791 = arith.addi %add3A_780, %select_n3A_790 : vector<16xi32>
        %add3A_792 = vector.broadcast %mul3A_769 : i32 to vector<16xi32>
        %add3A_793 = arith.addi %add3A_792, %select_n3A_376 : vector<16xi32>
        %gather3A_794 = tpu.vector_load_idx %arg14[%add3A_793] : memref<4096xf32, #tpu.memory_space<vmem>>[vector<16xi32>], vector<16xf32>,
        %gather3A_795 = tpu.vector_load_idx %arg15[%add3A_793] : memref<4096xi32, #tpu.memory_space<vmem>>[vector<16xi32>], vector<16xi32>,
        %gt3A_796 = arith.cmpf ogt, %gather3A_794, %get3A_749 : vector<16xf32>
        %eq3A_797 = arith.cmpf oeq, %gather3A_794, %get3A_749 : vector<16xf32>
        %lt3A_798 = arith.cmpi slt, %gather3A_795, %get3A_751 : vector<16xi32>
        %and3A_799 = arith.andi %eq3A_797, %lt3A_798 : vector<16xi1>
        %or3A_800 = arith.ori %gt3A_796, %and3A_799 : vector<16xi1>
        %select_n3A_801 = arith.select %or3A_800, %broadcast_in_dim3A_7, %broadcast_in_dim3A_9 : vector<16xi1>, vector<16xi32>
        %add3A_802 = arith.addi %add3A_791, %select_n3A_801 : vector<16xi32>
        %add3A_803 = vector.broadcast %mul3A_769 : i32 to vector<16xi32>
        %add3A_804 = arith.addi %add3A_803, %select_n3A_401 : vector<16xi32>
        %gather3A_805 = tpu.vector_load_idx %arg14[%add3A_804] : memref<4096xf32, #tpu.memory_space<vmem>>[vector<16xi32>], vector<16xf32>,
        %gather3A_806 = tpu.vector_load_idx %arg15[%add3A_804] : memref<4096xi32, #tpu.memory_space<vmem>>[vector<16xi32>], vector<16xi32>,
        %gt3A_807 = arith.cmpf ogt, %gather3A_805, %get3A_749 : vector<16xf32>
        %eq3A_808 = arith.cmpf oeq, %gather3A_805, %get3A_749 : vector<16xf32>
        %lt3A_809 = arith.cmpi slt, %gather3A_806, %get3A_751 : vector<16xi32>
        %and3A_810 = arith.andi %eq3A_808, %lt3A_809 : vector<16xi1>
        %or3A_811 = arith.ori %gt3A_807, %and3A_810 : vector<16xi1>
        %select_n3A_812 = arith.select %or3A_811, %broadcast_in_dim3A_7, %broadcast_in_dim3A_9 : vector<16xi1>, vector<16xi32>
        %add3A_813 = arith.addi %add3A_802, %select_n3A_812 : vector<16xi32>
        %add3A_814 = vector.broadcast %mul3A_769 : i32 to vector<16xi32>
        %add3A_815 = arith.addi %add3A_814, %select_n3A_426 : vector<16xi32>
        %gather3A_816 = tpu.vector_load_idx %arg14[%add3A_815] : memref<4096xf32, #tpu.memory_space<vmem>>[vector<16xi32>], vector<16xf32>,
        %gather3A_817 = tpu.vector_load_idx %arg15[%add3A_815] : memref<4096xi32, #tpu.memory_space<vmem>>[vector<16xi32>], vector<16xi32>,
        %gt3A_818 = arith.cmpf ogt, %gather3A_816, %get3A_749 : vector<16xf32>
        %eq3A_819 = arith.cmpf oeq, %gather3A_816, %get3A_749 : vector<16xf32>
        %lt3A_820 = arith.cmpi slt, %gather3A_817, %get3A_751 : vector<16xi32>
        %and3A_821 = arith.andi %eq3A_819, %lt3A_820 : vector<16xi1>
        %or3A_822 = arith.ori %gt3A_818, %and3A_821 : vector<16xi1>
        %select_n3A_823 = arith.select %or3A_822, %broadcast_in_dim3A_7, %broadcast_in_dim3A_9 : vector<16xi1>, vector<16xi32>
        %add3A_824 = arith.addi %add3A_813, %select_n3A_823 : vector<16xi32>
        %add3A_825 = vector.broadcast %mul3A_769 : i32 to vector<16xi32>
        %add3A_826 = arith.addi %add3A_825, %select_n3A_451 : vector<16xi32>
        %gather3A_827 = tpu.vector_load_idx %arg14[%add3A_826] : memref<4096xf32, #tpu.memory_space<vmem>>[vector<16xi32>], vector<16xf32>,
        %gather3A_828 = tpu.vector_load_idx %arg15[%add3A_826] : memref<4096xi32, #tpu.memory_space<vmem>>[vector<16xi32>], vector<16xi32>,
        %gt3A_829 = arith.cmpf ogt, %gather3A_827, %get3A_749 : vector<16xf32>
        %eq3A_830 = arith.cmpf oeq, %gather3A_827, %get3A_749 : vector<16xf32>
        %lt3A_831 = arith.cmpi slt, %gather3A_828, %get3A_751 : vector<16xi32>
        %and3A_832 = arith.andi %eq3A_830, %lt3A_831 : vector<16xi1>
        %or3A_833 = arith.ori %gt3A_829, %and3A_832 : vector<16xi1>
        %select_n3A_834 = arith.select %or3A_833, %broadcast_in_dim3A_7, %broadcast_in_dim3A_9 : vector<16xi1>, vector<16xi32>
        %add3A_835 = arith.addi %add3A_824, %select_n3A_834 : vector<16xi32>
        %add3A_836 = vector.broadcast %mul3A_769 : i32 to vector<16xi32>
        %add3A_837 = arith.addi %add3A_836, %select_n3A_476 : vector<16xi32>
        %gather3A_838 = tpu.vector_load_idx %arg14[%add3A_837] : memref<4096xf32, #tpu.memory_space<vmem>>[vector<16xi32>], vector<16xf32>,
        %gather3A_839 = tpu.vector_load_idx %arg15[%add3A_837] : memref<4096xi32, #tpu.memory_space<vmem>>[vector<16xi32>], vector<16xi32>,
        %gt3A_840 = arith.cmpf ogt, %gather3A_838, %get3A_749 : vector<16xf32>
        %eq3A_841 = arith.cmpf oeq, %gather3A_838, %get3A_749 : vector<16xf32>
        %lt3A_842 = arith.cmpi slt, %gather3A_839, %get3A_751 : vector<16xi32>
        %and3A_843 = arith.andi %eq3A_841, %lt3A_842 : vector<16xi1>
        %or3A_844 = arith.ori %gt3A_840, %and3A_843 : vector<16xi1>
        %select_n3A_845 = arith.select %or3A_844, %broadcast_in_dim3A_7, %broadcast_in_dim3A_9 : vector<16xi1>, vector<16xi32>
        %add3A_846 = arith.addi %add3A_835, %select_n3A_845 : vector<16xi32>
        %add3A_847 = vector.broadcast %mul3A_769 : i32 to vector<16xi32>
        %add3A_848 = arith.addi %add3A_847, %select_n3A_501 : vector<16xi32>
        %gather3A_849 = tpu.vector_load_idx %arg14[%add3A_848] : memref<4096xf32, #tpu.memory_space<vmem>>[vector<16xi32>], vector<16xf32>,
        %gather3A_850 = tpu.vector_load_idx %arg15[%add3A_848] : memref<4096xi32, #tpu.memory_space<vmem>>[vector<16xi32>], vector<16xi32>,
        %gt3A_851 = arith.cmpf ogt, %gather3A_849, %get3A_749 : vector<16xf32>
        %eq3A_852 = arith.cmpf oeq, %gather3A_849, %get3A_749 : vector<16xf32>
        %lt3A_853 = arith.cmpi slt, %gather3A_850, %get3A_751 : vector<16xi32>
        %and3A_854 = arith.andi %eq3A_852, %lt3A_853 : vector<16xi1>
        %or3A_855 = arith.ori %gt3A_851, %and3A_854 : vector<16xi1>
        %select_n3A_856 = arith.select %or3A_855, %broadcast_in_dim3A_7, %broadcast_in_dim3A_9 : vector<16xi1>, vector<16xi32>
        %add3A_857 = arith.addi %add3A_846, %select_n3A_856 : vector<16xi32>
        %add3A_858 = vector.broadcast %mul3A_769 : i32 to vector<16xi32>
        %add3A_859 = arith.addi %add3A_858, %select_n3A_526 : vector<16xi32>
        %gather3A_860 = tpu.vector_load_idx %arg14[%add3A_859] : memref<4096xf32, #tpu.memory_space<vmem>>[vector<16xi32>], vector<16xf32>,
        %gather3A_861 = tpu.vector_load_idx %arg15[%add3A_859] : memref<4096xi32, #tpu.memory_space<vmem>>[vector<16xi32>], vector<16xi32>,
        %gt3A_862 = arith.cmpf ogt, %gather3A_860, %get3A_749 : vector<16xf32>
        %eq3A_863 = arith.cmpf oeq, %gather3A_860, %get3A_749 : vector<16xf32>
        %lt3A_864 = arith.cmpi slt, %gather3A_861, %get3A_751 : vector<16xi32>
        %and3A_865 = arith.andi %eq3A_863, %lt3A_864 : vector<16xi1>
        %or3A_866 = arith.ori %gt3A_862, %and3A_865 : vector<16xi1>
        %select_n3A_867 = arith.select %or3A_866, %broadcast_in_dim3A_7, %broadcast_in_dim3A_9 : vector<16xi1>, vector<16xi32>
        %add3A_868 = arith.addi %add3A_857, %select_n3A_867 : vector<16xi32>
        %add3A_869 = vector.broadcast %mul3A_769 : i32 to vector<16xi32>
        %add3A_870 = arith.addi %add3A_869, %select_n3A_551 : vector<16xi32>
        %gather3A_871 = tpu.vector_load_idx %arg14[%add3A_870] : memref<4096xf32, #tpu.memory_space<vmem>>[vector<16xi32>], vector<16xf32>,
        %gather3A_872 = tpu.vector_load_idx %arg15[%add3A_870] : memref<4096xi32, #tpu.memory_space<vmem>>[vector<16xi32>], vector<16xi32>,
        %gt3A_873 = arith.cmpf ogt, %gather3A_871, %get3A_749 : vector<16xf32>
        %eq3A_874 = arith.cmpf oeq, %gather3A_871, %get3A_749 : vector<16xf32>
        %lt3A_875 = arith.cmpi slt, %gather3A_872, %get3A_751 : vector<16xi32>
        %and3A_876 = arith.andi %eq3A_874, %lt3A_875 : vector<16xi1>
        %or3A_877 = arith.ori %gt3A_873, %and3A_876 : vector<16xi1>
        %select_n3A_878 = arith.select %or3A_877, %broadcast_in_dim3A_7, %broadcast_in_dim3A_9 : vector<16xi1>, vector<16xi32>
        %add3A_879 = arith.addi %add3A_868, %select_n3A_878 : vector<16xi32>
        %add3A_880 = vector.broadcast %mul3A_769 : i32 to vector<16xi32>
        %add3A_881 = arith.addi %add3A_880, %select_n3A_576 : vector<16xi32>
        %gather3A_882 = tpu.vector_load_idx %arg14[%add3A_881] : memref<4096xf32, #tpu.memory_space<vmem>>[vector<16xi32>], vector<16xf32>,
        %gather3A_883 = tpu.vector_load_idx %arg15[%add3A_881] : memref<4096xi32, #tpu.memory_space<vmem>>[vector<16xi32>], vector<16xi32>,
        %gt3A_884 = arith.cmpf ogt, %gather3A_882, %get3A_749 : vector<16xf32>
        %eq3A_885 = arith.cmpf oeq, %gather3A_882, %get3A_749 : vector<16xf32>
        %lt3A_886 = arith.cmpi slt, %gather3A_883, %get3A_751 : vector<16xi32>
        %and3A_887 = arith.andi %eq3A_885, %lt3A_886 : vector<16xi1>
        %or3A_888 = arith.ori %gt3A_884, %and3A_887 : vector<16xi1>
        %select_n3A_889 = arith.select %or3A_888, %broadcast_in_dim3A_7, %broadcast_in_dim3A_9 : vector<16xi1>, vector<16xi32>
        %add3A_890 = arith.addi %add3A_879, %select_n3A_889 : vector<16xi32>
        %add3A_891 = vector.broadcast %mul3A_769 : i32 to vector<16xi32>
        %add3A_892 = arith.addi %add3A_891, %select_n3A_601 : vector<16xi32>
        %gather3A_893 = tpu.vector_load_idx %arg14[%add3A_892] : memref<4096xf32, #tpu.memory_space<vmem>>[vector<16xi32>], vector<16xf32>,
        %gather3A_894 = tpu.vector_load_idx %arg15[%add3A_892] : memref<4096xi32, #tpu.memory_space<vmem>>[vector<16xi32>], vector<16xi32>,
        %gt3A_895 = arith.cmpf ogt, %gather3A_893, %get3A_749 : vector<16xf32>
        %eq3A_896 = arith.cmpf oeq, %gather3A_893, %get3A_749 : vector<16xf32>
        %lt3A_897 = arith.cmpi slt, %gather3A_894, %get3A_751 : vector<16xi32>
        %and3A_898 = arith.andi %eq3A_896, %lt3A_897 : vector<16xi1>
        %or3A_899 = arith.ori %gt3A_895, %and3A_898 : vector<16xi1>
        %select_n3A_900 = arith.select %or3A_899, %broadcast_in_dim3A_7, %broadcast_in_dim3A_9 : vector<16xi1>, vector<16xi32>
        %add3A_901 = arith.addi %add3A_890, %select_n3A_900 : vector<16xi32>
        %add3A_902 = vector.broadcast %mul3A_769 : i32 to vector<16xi32>
        %add3A_903 = arith.addi %add3A_902, %select_n3A_626 : vector<16xi32>
        %gather3A_904 = tpu.vector_load_idx %arg14[%add3A_903] : memref<4096xf32, #tpu.memory_space<vmem>>[vector<16xi32>], vector<16xf32>,
        %gather3A_905 = tpu.vector_load_idx %arg15[%add3A_903] : memref<4096xi32, #tpu.memory_space<vmem>>[vector<16xi32>], vector<16xi32>,
        %gt3A_906 = arith.cmpf ogt, %gather3A_904, %get3A_749 : vector<16xf32>
        %eq3A_907 = arith.cmpf oeq, %gather3A_904, %get3A_749 : vector<16xf32>
        %lt3A_908 = arith.cmpi slt, %gather3A_905, %get3A_751 : vector<16xi32>
        %and3A_909 = arith.andi %eq3A_907, %lt3A_908 : vector<16xi1>
        %or3A_910 = arith.ori %gt3A_906, %and3A_909 : vector<16xi1>
        %select_n3A_911 = arith.select %or3A_910, %broadcast_in_dim3A_7, %broadcast_in_dim3A_9 : vector<16xi1>, vector<16xi32>
        %add3A_912 = arith.addi %add3A_901, %select_n3A_911 : vector<16xi32>
        %add3A_913 = vector.broadcast %mul3A_769 : i32 to vector<16xi32>
        %add3A_914 = arith.addi %add3A_913, %select_n3A_651 : vector<16xi32>
        %gather3A_915 = tpu.vector_load_idx %arg14[%add3A_914] : memref<4096xf32, #tpu.memory_space<vmem>>[vector<16xi32>], vector<16xf32>,
        %gather3A_916 = tpu.vector_load_idx %arg15[%add3A_914] : memref<4096xi32, #tpu.memory_space<vmem>>[vector<16xi32>], vector<16xi32>,
        %gt3A_917 = arith.cmpf ogt, %gather3A_915, %get3A_749 : vector<16xf32>
        %eq3A_918 = arith.cmpf oeq, %gather3A_915, %get3A_749 : vector<16xf32>
        %lt3A_919 = arith.cmpi slt, %gather3A_916, %get3A_751 : vector<16xi32>
        %and3A_920 = arith.andi %eq3A_918, %lt3A_919 : vector<16xi1>
        %or3A_921 = arith.ori %gt3A_917, %and3A_920 : vector<16xi1>
        %select_n3A_922 = arith.select %or3A_921, %broadcast_in_dim3A_7, %broadcast_in_dim3A_9 : vector<16xi1>, vector<16xi32>
        %add3A_923 = arith.addi %add3A_912, %select_n3A_922 : vector<16xi32>
        %add3A_924 = vector.broadcast %mul3A_769 : i32 to vector<16xi32>
        %add3A_925 = arith.addi %add3A_924, %select_n3A_676 : vector<16xi32>
        %gather3A_926 = tpu.vector_load_idx %arg14[%add3A_925] : memref<4096xf32, #tpu.memory_space<vmem>>[vector<16xi32>], vector<16xf32>,
        %gather3A_927 = tpu.vector_load_idx %arg15[%add3A_925] : memref<4096xi32, #tpu.memory_space<vmem>>[vector<16xi32>], vector<16xi32>,
        %gt3A_928 = arith.cmpf ogt, %gather3A_926, %get3A_749 : vector<16xf32>
        %eq3A_929 = arith.cmpf oeq, %gather3A_926, %get3A_749 : vector<16xf32>
        %lt3A_930 = arith.cmpi slt, %gather3A_927, %get3A_751 : vector<16xi32>
        %and3A_931 = arith.andi %eq3A_929, %lt3A_930 : vector<16xi1>
        %or3A_932 = arith.ori %gt3A_928, %and3A_931 : vector<16xi1>
        %select_n3A_933 = arith.select %or3A_932, %broadcast_in_dim3A_7, %broadcast_in_dim3A_9 : vector<16xi1>, vector<16xi32>
        %add3A_934 = arith.addi %add3A_923, %select_n3A_933 : vector<16xi32>
        %add3A_935 = vector.broadcast %mul3A_769 : i32 to vector<16xi32>
        %add3A_936 = arith.addi %add3A_935, %select_n3A_701 : vector<16xi32>
        %gather3A_937 = tpu.vector_load_idx %arg14[%add3A_936] : memref<4096xf32, #tpu.memory_space<vmem>>[vector<16xi32>], vector<16xf32>,
        %gather3A_938 = tpu.vector_load_idx %arg15[%add3A_936] : memref<4096xi32, #tpu.memory_space<vmem>>[vector<16xi32>], vector<16xi32>,
        %gt3A_939 = arith.cmpf ogt, %gather3A_937, %get3A_749 : vector<16xf32>
        %eq3A_940 = arith.cmpf oeq, %gather3A_937, %get3A_749 : vector<16xf32>
        %lt3A_941 = arith.cmpi slt, %gather3A_938, %get3A_751 : vector<16xi32>
        %and3A_942 = arith.andi %eq3A_940, %lt3A_941 : vector<16xi1>
        %or3A_943 = arith.ori %gt3A_939, %and3A_942 : vector<16xi1>
        %select_n3A_944 = arith.select %or3A_943, %broadcast_in_dim3A_7, %broadcast_in_dim3A_9 : vector<16xi1>, vector<16xi32>
        %add3A_945 = arith.addi %add3A_934, %select_n3A_944 : vector<16xi32>
        scf.yield %add3A_945 : vector<16xi32>
      }
      %swap3A_763 = arith.index_cast %mul3A_747 : i32 to index
      %swap3A_764 = tpu.vector_load %arg16[%swap3A_763] {strides = array<i32>} : memref<4096xi32, #tpu.memory_space<vmem>>, vector<16xi32>,
      tpu.vector_store %arg16[%swap3A_763], %while3A_762 {strides = array<i32>} : memref<4096xi32, #tpu.memory_space<vmem>>, vector<16xi32>,
      %while3A_765 = arith.constant 0 : i32
      scf.yield %while3A_765 : i32
    }
    %broadcast_in_dim3A_714 = arith.constant 300 : i32
    %broadcast_in_dim3A_715 = vector.broadcast %broadcast_in_dim3A_714 : i32 to vector<16xi32>
    %get3A = arith.constant 0 : index
    %get3A_716 = tpu.vector_load %arg18[%get3A] {strides = array<i32>} : memref<32xf32, #tpu.memory_space<vmem>>, vector<16xf32>,
    %get3A_717 = arith.constant 16 : index
    %get3A_718 = tpu.vector_load %arg18[%get3A_717] {strides = array<i32>} : memref<32xf32, #tpu.memory_space<vmem>>, vector<16xf32>,
    %while3A_719 = arith.constant 1.250000e-02 : f32
    %while3A_720 = arith.constant 0 : i32
    %while3A_721 = arith.constant 0 : i32
    %while3A_722 = arith.subi %select_n3A_301, %while3A_720 : i32
    %while3A_723 = arith.addi %while3A_720, %while3A_722 : i32
    %while3A_724 = arith.constant 1 : i32
    %while3A_725 = arith.divsi %while3A_722, %while3A_724 : i32
    %while3A_726 = arith.muli %while3A_725, %while3A_724 : i32
    %while3A_727 = arith.addi %while3A_720, %while3A_726 : i32
    %while3A_728 = arith.constant 1 : i32
    %while3A_729 = scf.for %while3A_744 = %while3A_720 to %while3A_727 step %while3A_728 iter_args(%while3A_745 = %while3A_721) -> (i32)  : i32 {
      %mul3A_746 = arith.constant 16 : i32
      %mul3A_747 = arith.muli %while3A_744, %mul3A_746 : i32
      %get3A_748 = arith.index_cast %mul3A_747 : i32 to index
      %get3A_749 = tpu.vector_load %arg14[%get3A_748] {strides = array<i32>} : memref<4096xf32, #tpu.memory_space<vmem>>, vector<16xf32>,
      %mul3A_750 = arith.constant 16 : i32
      %mul3A_751 = arith.muli %while3A_744, %mul3A_750 : i32
      %get3A_752 = arith.index_cast %mul3A_751 : i32 to index
      %get3A_753 = tpu.vector_load %arg15[%get3A_752] {strides = array<i32>} : memref<4096xi32, #tpu.memory_space<vmem>>, vector<16xi32>,
      %mul3A_754 = arith.constant 16 : i32
      %mul3A_755 = arith.muli %while3A_744, %mul3A_754 : i32
      %get3A_756 = arith.index_cast %mul3A_755 : i32 to index
      %get3A_757 = tpu.vector_load %arg16[%get3A_756] {strides = array<i32>} : memref<4096xi32, #tpu.memory_space<vmem>>, vector<16xi32>,
      %lt3A_758 = arith.cmpi slt, %get3A_757, %broadcast_in_dim3A_715 : vector<16xi32>
      %select_n3A_759 = arith.select %lt3A_758, %get3A_757, %broadcast_in_dim3A_715 : vector<16xi1>, vector<16xi32>
      %neg3A = arith.constant 0.000000e+00 : f32
      %neg3A_760 = vector.broadcast %neg3A : f32 to vector<16xf32>
      %neg3A_761 = arith.subf %neg3A_760, %get3A_749 : vector<16xf32>
      %exp3A = math.exp %neg3A_761 : vector<16xf32>
      %add3A_762 = arith.constant 1.000000e+00 : f32
      %add3A_763 = vector.broadcast %add3A_762 : f32 to vector<16xf32>
      %add3A_764 = arith.addf %add3A_763, %exp3A : vector<16xf32>
      %div3A_765 = arith.constant 1.000000e+00 : f32
      %div3A_766 = vector.broadcast %div3A_765 : f32 to vector<16xf32>
      %div3A_767 = arith.divf %div3A_766, %add3A_764 : vector<16xf32>
      %convert_element_type3A = arith.sitofp %get3A_753 : vector<16xi32> to vector<16xf32>
      %add3A_768 = arith.constant 5.000000e-01 : f32
      %add3A_769 = vector.broadcast %add3A_768 : f32 to vector<16xf32>
      %add3A_770 = arith.addf %convert_element_type3A, %add3A_769 : vector<16xf32>
      %mul3A_771 = vector.broadcast %while3A_719 : f32 to vector<16xf32>
      %mul3A_772 = arith.mulf %add3A_770, %mul3A_771 : vector<16xf32>
      %convert_element_type3A_773 = arith.fptosi %mul3A_772 : vector<16xf32> to vector<16xi32>
      %mul3A_774 = arith.constant 80 : i32
      %mul3A_775 = vector.broadcast %mul3A_774 : i32 to vector<16xi32>
      %mul3A_776 = arith.muli %convert_element_type3A_773, %mul3A_775 : vector<16xi32>
      %sub3A_777 = arith.subi %get3A_753, %mul3A_776 : vector<16xi32>
      tpu.vector_store_idx %arg21[%select_n3A_759], %div3A_767 masked %lt3A_758 : memref<320xf32, #tpu.memory_space<vmem>>[vector<16xi32>], vector<16xf32>, vector<16xi1>
      tpu.vector_store_idx %arg20[%select_n3A_759], %sub3A_777 masked %lt3A_758 : memref<320xi32, #tpu.memory_space<vmem>>[vector<16xi32>], vector<16xi32>, vector<16xi1>
      %select_n3A_778 = arith.select %lt3A_758, %convert_element_type3A_773, %broadcast_in_dim3A_9 : vector<16xi1>, vector<16xi32>
      %gather3A_779 = tpu.vector_load_idx %arg17[%select_n3A_778] : memref<80000xf32, #tpu.memory_space<vmem>>[vector<16xi32>], vector<16xf32>,
      %add3A_780 = arith.constant 20000 : i32
      %add3A_781 = vector.broadcast %add3A_780 : i32 to vector<16xi32>
      %add3A_782 = arith.addi %select_n3A_778, %add3A_781 : vector<16xi32>
      %gather3A_783 = tpu.vector_load_idx %arg17[%add3A_782] : memref<80000xf32, #tpu.memory_space<vmem>>[vector<16xi32>], vector<16xf32>,
      %add3A_784 = arith.constant 40000 : i32
      %add3A_785 = vector.broadcast %add3A_784 : i32 to vector<16xi32>
      %add3A_786 = arith.addi %select_n3A_778, %add3A_785 : vector<16xi32>
      %gather3A_787 = tpu.vector_load_idx %arg17[%add3A_786] : memref<80000xf32, #tpu.memory_space<vmem>>[vector<16xi32>], vector<16xf32>,
      %add3A_788 = arith.constant 60000 : i32
      %add3A_789 = vector.broadcast %add3A_788 : i32 to vector<16xi32>
      %add3A_790 = arith.addi %select_n3A_778, %add3A_789 : vector<16xi32>
      %gather3A_791 = tpu.vector_load_idx %arg17[%add3A_790] : memref<80000xf32, #tpu.memory_space<vmem>>[vector<16xi32>], vector<16xf32>,
      %mul3A_792 = arith.constant 5.000000e-01 : f32
      %mul3A_793 = vector.broadcast %mul3A_792 : f32 to vector<16xf32>
      %mul3A_794 = arith.mulf %mul3A_793, %gather3A_787 : vector<16xf32>
      %sub3A_795 = arith.subf %gather3A_779, %mul3A_794 : vector<16xf32>
      %mul3A_796 = arith.mulf %sub3A_795, %get3A_716 : vector<16xf32>
      tpu.vector_store_idx %arg22[%select_n3A_759], %mul3A_796 masked %lt3A_758 : memref<320xf32, #tpu.memory_space<vmem>>[vector<16xi32>], vector<16xf32>, vector<16xi1>
      %mul3A_797 = arith.constant 5.000000e-01 : f32
      %mul3A_798 = vector.broadcast %mul3A_797 : f32 to vector<16xf32>
      %mul3A_799 = arith.mulf %mul3A_798, %gather3A_791 : vector<16xf32>
      %sub3A_800 = arith.subf %gather3A_783, %mul3A_799 : vector<16xf32>
      %mul3A_801 = arith.mulf %sub3A_800, %get3A_718 : vector<16xf32>
      tpu.vector_store_idx %arg23[%select_n3A_759], %mul3A_801 masked %lt3A_758 : memref<320xf32, #tpu.memory_space<vmem>>[vector<16xi32>], vector<16xf32>, vector<16xi1>
      %mul3A_802 = arith.constant 5.000000e-01 : f32
      %mul3A_803 = vector.broadcast %mul3A_802 : f32 to vector<16xf32>
      %mul3A_804 = arith.mulf %mul3A_803, %gather3A_787 : vector<16xf32>
      %add3A_805 = arith.addf %gather3A_779, %mul3A_804 : vector<16xf32>
      %mul3A_806 = arith.mulf %add3A_805, %get3A_716 : vector<16xf32>
      tpu.vector_store_idx %arg24[%select_n3A_759], %mul3A_806 masked %lt3A_758 : memref<320xf32, #tpu.memory_space<vmem>>[vector<16xi32>], vector<16xf32>, vector<16xi1>
      %mul3A_807 = arith.constant 5.000000e-01 : f32
      %mul3A_808 = vector.broadcast %mul3A_807 : f32 to vector<16xf32>
      %mul3A_809 = arith.mulf %mul3A_808, %gather3A_791 : vector<16xf32>
      %add3A_810 = arith.addf %gather3A_783, %mul3A_809 : vector<16xf32>
      %mul3A_811 = arith.mulf %add3A_810, %get3A_718 : vector<16xf32>
      tpu.vector_store_idx %arg25[%select_n3A_759], %mul3A_811 masked %lt3A_758 : memref<320xf32, #tpu.memory_space<vmem>>[vector<16xi32>], vector<16xf32>, vector<16xi1>
      %while3A_812 = arith.constant 0 : i32
      scf.yield %while3A_812 : i32
    }
    %while3A_730 = arith.constant 1 : i32
    %while3A_731 = scf.for %while3A_744 = %while3A_727 to %while3A_723 step %while3A_730 iter_args(%while3A_745 = %while3A_729) -> (i32)  : i32 {
      %mul3A_746 = arith.constant 16 : i32
      %mul3A_747 = arith.muli %while3A_744, %mul3A_746 : i32
      %get3A_748 = arith.index_cast %mul3A_747 : i32 to index
      %get3A_749 = tpu.vector_load %arg14[%get3A_748] {strides = array<i32>} : memref<4096xf32, #tpu.memory_space<vmem>>, vector<16xf32>,
      %mul3A_750 = arith.constant 16 : i32
      %mul3A_751 = arith.muli %while3A_744, %mul3A_750 : i32
      %get3A_752 = arith.index_cast %mul3A_751 : i32 to index
      %get3A_753 = tpu.vector_load %arg15[%get3A_752] {strides = array<i32>} : memref<4096xi32, #tpu.memory_space<vmem>>, vector<16xi32>,
      %mul3A_754 = arith.constant 16 : i32
      %mul3A_755 = arith.muli %while3A_744, %mul3A_754 : i32
      %get3A_756 = arith.index_cast %mul3A_755 : i32 to index
      %get3A_757 = tpu.vector_load %arg16[%get3A_756] {strides = array<i32>} : memref<4096xi32, #tpu.memory_space<vmem>>, vector<16xi32>,
      %lt3A_758 = arith.cmpi slt, %get3A_757, %broadcast_in_dim3A_715 : vector<16xi32>
      %select_n3A_759 = arith.select %lt3A_758, %get3A_757, %broadcast_in_dim3A_715 : vector<16xi1>, vector<16xi32>
      %neg3A = arith.constant 0.000000e+00 : f32
      %neg3A_760 = vector.broadcast %neg3A : f32 to vector<16xf32>
      %neg3A_761 = arith.subf %neg3A_760, %get3A_749 : vector<16xf32>
      %exp3A = math.exp %neg3A_761 : vector<16xf32>
      %add3A_762 = arith.constant 1.000000e+00 : f32
      %add3A_763 = vector.broadcast %add3A_762 : f32 to vector<16xf32>
      %add3A_764 = arith.addf %add3A_763, %exp3A : vector<16xf32>
      %div3A_765 = arith.constant 1.000000e+00 : f32
      %div3A_766 = vector.broadcast %div3A_765 : f32 to vector<16xf32>
      %div3A_767 = arith.divf %div3A_766, %add3A_764 : vector<16xf32>
      %convert_element_type3A = arith.sitofp %get3A_753 : vector<16xi32> to vector<16xf32>
      %add3A_768 = arith.constant 5.000000e-01 : f32
      %add3A_769 = vector.broadcast %add3A_768 : f32 to vector<16xf32>
      %add3A_770 = arith.addf %convert_element_type3A, %add3A_769 : vector<16xf32>
      %mul3A_771 = vector.broadcast %while3A_719 : f32 to vector<16xf32>
      %mul3A_772 = arith.mulf %add3A_770, %mul3A_771 : vector<16xf32>
      %convert_element_type3A_773 = arith.fptosi %mul3A_772 : vector<16xf32> to vector<16xi32>
      %mul3A_774 = arith.constant 80 : i32
      %mul3A_775 = vector.broadcast %mul3A_774 : i32 to vector<16xi32>
      %mul3A_776 = arith.muli %convert_element_type3A_773, %mul3A_775 : vector<16xi32>
      %sub3A_777 = arith.subi %get3A_753, %mul3A_776 : vector<16xi32>
      tpu.vector_store_idx %arg21[%select_n3A_759], %div3A_767 masked %lt3A_758 : memref<320xf32, #tpu.memory_space<vmem>>[vector<16xi32>], vector<16xf32>, vector<16xi1>
      tpu.vector_store_idx %arg20[%select_n3A_759], %sub3A_777 masked %lt3A_758 : memref<320xi32, #tpu.memory_space<vmem>>[vector<16xi32>], vector<16xi32>, vector<16xi1>
      %select_n3A_778 = arith.select %lt3A_758, %convert_element_type3A_773, %broadcast_in_dim3A_9 : vector<16xi1>, vector<16xi32>
      %gather3A_779 = tpu.vector_load_idx %arg17[%select_n3A_778] : memref<80000xf32, #tpu.memory_space<vmem>>[vector<16xi32>], vector<16xf32>,
      %add3A_780 = arith.constant 20000 : i32
      %add3A_781 = vector.broadcast %add3A_780 : i32 to vector<16xi32>
      %add3A_782 = arith.addi %select_n3A_778, %add3A_781 : vector<16xi32>
      %gather3A_783 = tpu.vector_load_idx %arg17[%add3A_782] : memref<80000xf32, #tpu.memory_space<vmem>>[vector<16xi32>], vector<16xf32>,
      %add3A_784 = arith.constant 40000 : i32
      %add3A_785 = vector.broadcast %add3A_784 : i32 to vector<16xi32>
      %add3A_786 = arith.addi %select_n3A_778, %add3A_785 : vector<16xi32>
      %gather3A_787 = tpu.vector_load_idx %arg17[%add3A_786] : memref<80000xf32, #tpu.memory_space<vmem>>[vector<16xi32>], vector<16xf32>,
      %add3A_788 = arith.constant 60000 : i32
      %add3A_789 = vector.broadcast %add3A_788 : i32 to vector<16xi32>
      %add3A_790 = arith.addi %select_n3A_778, %add3A_789 : vector<16xi32>
      %gather3A_791 = tpu.vector_load_idx %arg17[%add3A_790] : memref<80000xf32, #tpu.memory_space<vmem>>[vector<16xi32>], vector<16xf32>,
      %mul3A_792 = arith.constant 5.000000e-01 : f32
      %mul3A_793 = vector.broadcast %mul3A_792 : f32 to vector<16xf32>
      %mul3A_794 = arith.mulf %mul3A_793, %gather3A_787 : vector<16xf32>
      %sub3A_795 = arith.subf %gather3A_779, %mul3A_794 : vector<16xf32>
      %mul3A_796 = arith.mulf %sub3A_795, %get3A_716 : vector<16xf32>
      tpu.vector_store_idx %arg22[%select_n3A_759], %mul3A_796 masked %lt3A_758 : memref<320xf32, #tpu.memory_space<vmem>>[vector<16xi32>], vector<16xf32>, vector<16xi1>
      %mul3A_797 = arith.constant 5.000000e-01 : f32
      %mul3A_798 = vector.broadcast %mul3A_797 : f32 to vector<16xf32>
      %mul3A_799 = arith.mulf %mul3A_798, %gather3A_791 : vector<16xf32>
      %sub3A_800 = arith.subf %gather3A_783, %mul3A_799 : vector<16xf32>
      %mul3A_801 = arith.mulf %sub3A_800, %get3A_718 : vector<16xf32>
      tpu.vector_store_idx %arg23[%select_n3A_759], %mul3A_801 masked %lt3A_758 : memref<320xf32, #tpu.memory_space<vmem>>[vector<16xi32>], vector<16xf32>, vector<16xi1>
      %mul3A_802 = arith.constant 5.000000e-01 : f32
      %mul3A_803 = vector.broadcast %mul3A_802 : f32 to vector<16xf32>
      %mul3A_804 = arith.mulf %mul3A_803, %gather3A_787 : vector<16xf32>
      %add3A_805 = arith.addf %gather3A_779, %mul3A_804 : vector<16xf32>
      %mul3A_806 = arith.mulf %add3A_805, %get3A_716 : vector<16xf32>
      tpu.vector_store_idx %arg24[%select_n3A_759], %mul3A_806 masked %lt3A_758 : memref<320xf32, #tpu.memory_space<vmem>>[vector<16xi32>], vector<16xf32>, vector<16xi1>
      %mul3A_807 = arith.constant 5.000000e-01 : f32
      %mul3A_808 = vector.broadcast %mul3A_807 : f32 to vector<16xf32>
      %mul3A_809 = arith.mulf %mul3A_808, %gather3A_791 : vector<16xf32>
      %add3A_810 = arith.addf %gather3A_783, %mul3A_809 : vector<16xf32>
      %mul3A_811 = arith.mulf %add3A_810, %get3A_718 : vector<16xf32>
      tpu.vector_store_idx %arg25[%select_n3A_759], %mul3A_811 masked %lt3A_758 : memref<320xf32, #tpu.memory_space<vmem>>[vector<16xi32>], vector<16xf32>, vector<16xi1>
      %while3A_812 = arith.constant 0 : i32
      scf.yield %while3A_812 : i32
    }
    %mul3A_732 = arith.constant 320 : i32
    %mul3A_733 = arith.muli %add3A, %mul3A_732 : i32
    "tpu.region"() ({
      %run_scoped3A = tpu.sem_alloc : memref<!tpu.dma_semaphore, #tpu.memory_space<semaphore_mem>>
      %dma_start3A_744 = tpu.memref_slice %arg5[%mul3A_733] : memref<10240xi32, #tpu.memory_space<hbm>> -> memref<320xi32, #tpu.memory_space<hbm>>
      %dma_start3A_745 = tpu.memref_slice %arg5[%mul3A_733] : memref<10240xi32, #tpu.memory_space<hbm>> -> memref<320xi32, #tpu.memory_space<hbm>>
      tpu.enqueue_dma source(%arg20 : memref<320xi32, #tpu.memory_space<vmem>>) target(%dma_start3A_745 : memref<320xi32, #tpu.memory_space<hbm>>) target_semaphore(%run_scoped3A : memref<!tpu.dma_semaphore, #tpu.memory_space<semaphore_mem>>)
      %dma_wait3A = tpu.memref_slice %arg5[%mul3A_733] : memref<10240xi32, #tpu.memory_space<hbm>> -> memref<320xi32, #tpu.memory_space<hbm>>
      %dma_wait3A_746 = tpu.memref_slice %arg5[%mul3A_733] : memref<10240xi32, #tpu.memory_space<hbm>> -> memref<320xi32, #tpu.memory_space<hbm>>
      tpu.wait_dma2 semaphore(%run_scoped3A : memref<!tpu.dma_semaphore, #tpu.memory_space<semaphore_mem>>) src(%arg20 : memref<320xi32, #tpu.memory_space<vmem>>) dst(%dma_wait3A_746 : memref<320xi32, #tpu.memory_space<hbm>>)
      tpu.yield
    }) : () -> ()
    %mul3A_734 = arith.constant 320 : i32
    %mul3A_735 = arith.muli %add3A, %mul3A_734 : i32
    "tpu.region"() ({
      %run_scoped3A = tpu.sem_alloc : memref<!tpu.dma_semaphore, #tpu.memory_space<semaphore_mem>>
      %dma_start3A_744 = tpu.memref_slice %arg6[%mul3A_735] : memref<10240xf32, #tpu.memory_space<hbm>> -> memref<320xf32, #tpu.memory_space<hbm>>
      %dma_start3A_745 = tpu.memref_slice %arg6[%mul3A_735] : memref<10240xf32, #tpu.memory_space<hbm>> -> memref<320xf32, #tpu.memory_space<hbm>>
      tpu.enqueue_dma source(%arg21 : memref<320xf32, #tpu.memory_space<vmem>>) target(%dma_start3A_745 : memref<320xf32, #tpu.memory_space<hbm>>) target_semaphore(%run_scoped3A : memref<!tpu.dma_semaphore, #tpu.memory_space<semaphore_mem>>)
      %dma_wait3A = tpu.memref_slice %arg6[%mul3A_735] : memref<10240xf32, #tpu.memory_space<hbm>> -> memref<320xf32, #tpu.memory_space<hbm>>
      %dma_wait3A_746 = tpu.memref_slice %arg6[%mul3A_735] : memref<10240xf32, #tpu.memory_space<hbm>> -> memref<320xf32, #tpu.memory_space<hbm>>
      tpu.wait_dma2 semaphore(%run_scoped3A : memref<!tpu.dma_semaphore, #tpu.memory_space<semaphore_mem>>) src(%arg21 : memref<320xf32, #tpu.memory_space<vmem>>) dst(%dma_wait3A_746 : memref<320xf32, #tpu.memory_space<hbm>>)
      tpu.yield
    }) : () -> ()
    %mul3A_736 = arith.constant 320 : i32
    %mul3A_737 = arith.muli %add3A, %mul3A_736 : i32
    "tpu.region"() ({
      %run_scoped3A = tpu.sem_alloc : memref<!tpu.dma_semaphore, #tpu.memory_space<semaphore_mem>>
      %dma_start3A_744 = tpu.memref_slice %arg7[%mul3A_737] : memref<10240xf32, #tpu.memory_space<hbm>> -> memref<320xf32, #tpu.memory_space<hbm>>
      %dma_start3A_745 = tpu.memref_slice %arg7[%mul3A_737] : memref<10240xf32, #tpu.memory_space<hbm>> -> memref<320xf32, #tpu.memory_space<hbm>>
      tpu.enqueue_dma source(%arg22 : memref<320xf32, #tpu.memory_space<vmem>>) target(%dma_start3A_745 : memref<320xf32, #tpu.memory_space<hbm>>) target_semaphore(%run_scoped3A : memref<!tpu.dma_semaphore, #tpu.memory_space<semaphore_mem>>)
      %dma_wait3A = tpu.memref_slice %arg7[%mul3A_737] : memref<10240xf32, #tpu.memory_space<hbm>> -> memref<320xf32, #tpu.memory_space<hbm>>
      %dma_wait3A_746 = tpu.memref_slice %arg7[%mul3A_737] : memref<10240xf32, #tpu.memory_space<hbm>> -> memref<320xf32, #tpu.memory_space<hbm>>
      tpu.wait_dma2 semaphore(%run_scoped3A : memref<!tpu.dma_semaphore, #tpu.memory_space<semaphore_mem>>) src(%arg22 : memref<320xf32, #tpu.memory_space<vmem>>) dst(%dma_wait3A_746 : memref<320xf32, #tpu.memory_space<hbm>>)
      tpu.yield
    }) : () -> ()
    %mul3A_738 = arith.constant 320 : i32
    %mul3A_739 = arith.muli %add3A, %mul3A_738 : i32
    "tpu.region"() ({
      %run_scoped3A = tpu.sem_alloc : memref<!tpu.dma_semaphore, #tpu.memory_space<semaphore_mem>>
      %dma_start3A_744 = tpu.memref_slice %arg8[%mul3A_739] : memref<10240xf32, #tpu.memory_space<hbm>> -> memref<320xf32, #tpu.memory_space<hbm>>
      %dma_start3A_745 = tpu.memref_slice %arg8[%mul3A_739] : memref<10240xf32, #tpu.memory_space<hbm>> -> memref<320xf32, #tpu.memory_space<hbm>>
      tpu.enqueue_dma source(%arg23 : memref<320xf32, #tpu.memory_space<vmem>>) target(%dma_start3A_745 : memref<320xf32, #tpu.memory_space<hbm>>) target_semaphore(%run_scoped3A : memref<!tpu.dma_semaphore, #tpu.memory_space<semaphore_mem>>)
      %dma_wait3A = tpu.memref_slice %arg8[%mul3A_739] : memref<10240xf32, #tpu.memory_space<hbm>> -> memref<320xf32, #tpu.memory_space<hbm>>
      %dma_wait3A_746 = tpu.memref_slice %arg8[%mul3A_739] : memref<10240xf32, #tpu.memory_space<hbm>> -> memref<320xf32, #tpu.memory_space<hbm>>
      tpu.wait_dma2 semaphore(%run_scoped3A : memref<!tpu.dma_semaphore, #tpu.memory_space<semaphore_mem>>) src(%arg23 : memref<320xf32, #tpu.memory_space<vmem>>) dst(%dma_wait3A_746 : memref<320xf32, #tpu.memory_space<hbm>>)
      tpu.yield
    }) : () -> ()
    %mul3A_740 = arith.constant 320 : i32
    %mul3A_741 = arith.muli %add3A, %mul3A_740 : i32
    "tpu.region"() ({
      %run_scoped3A = tpu.sem_alloc : memref<!tpu.dma_semaphore, #tpu.memory_space<semaphore_mem>>
      %dma_start3A_744 = tpu.memref_slice %arg9[%mul3A_741] : memref<10240xf32, #tpu.memory_space<hbm>> -> memref<320xf32, #tpu.memory_space<hbm>>
      %dma_start3A_745 = tpu.memref_slice %arg9[%mul3A_741] : memref<10240xf32, #tpu.memory_space<hbm>> -> memref<320xf32, #tpu.memory_space<hbm>>
      tpu.enqueue_dma source(%arg24 : memref<320xf32, #tpu.memory_space<vmem>>) target(%dma_start3A_745 : memref<320xf32, #tpu.memory_space<hbm>>) target_semaphore(%run_scoped3A : memref<!tpu.dma_semaphore, #tpu.memory_space<semaphore_mem>>)
      %dma_wait3A = tpu.memref_slice %arg9[%mul3A_741] : memref<10240xf32, #tpu.memory_space<hbm>> -> memref<320xf32, #tpu.memory_space<hbm>>
      %dma_wait3A_746 = tpu.memref_slice %arg9[%mul3A_741] : memref<10240xf32, #tpu.memory_space<hbm>> -> memref<320xf32, #tpu.memory_space<hbm>>
      tpu.wait_dma2 semaphore(%run_scoped3A : memref<!tpu.dma_semaphore, #tpu.memory_space<semaphore_mem>>) src(%arg24 : memref<320xf32, #tpu.memory_space<vmem>>) dst(%dma_wait3A_746 : memref<320xf32, #tpu.memory_space<hbm>>)
      tpu.yield
    }) : () -> ()
    %mul3A_742 = arith.constant 320 : i32
    %mul3A_743 = arith.muli %add3A, %mul3A_742 : i32
    "tpu.region"() ({
      %run_scoped3A = tpu.sem_alloc : memref<!tpu.dma_semaphore, #tpu.memory_space<semaphore_mem>>
      %dma_start3A_744 = tpu.memref_slice %arg10[%mul3A_743] : memref<10240xf32, #tpu.memory_space<hbm>> -> memref<320xf32, #tpu.memory_space<hbm>>
      %dma_start3A_745 = tpu.memref_slice %arg10[%mul3A_743] : memref<10240xf32, #tpu.memory_space<hbm>> -> memref<320xf32, #tpu.memory_space<hbm>>
      tpu.enqueue_dma source(%arg25 : memref<320xf32, #tpu.memory_space<vmem>>) target(%dma_start3A_745 : memref<320xf32, #tpu.memory_space<hbm>>) target_semaphore(%run_scoped3A : memref<!tpu.dma_semaphore, #tpu.memory_space<semaphore_mem>>)
      %dma_wait3A = tpu.memref_slice %arg10[%mul3A_743] : memref<10240xf32, #tpu.memory_space<hbm>> -> memref<320xf32, #tpu.memory_space<hbm>>
      %dma_wait3A_746 = tpu.memref_slice %arg10[%mul3A_743] : memref<10240xf32, #tpu.memory_space<hbm>> -> memref<320xf32, #tpu.memory_space<hbm>>
      tpu.wait_dma2 semaphore(%run_scoped3A : memref<!tpu.dma_semaphore, #tpu.memory_space<semaphore_mem>>) src(%arg25 : memref<320xf32, #tpu.memory_space<vmem>>) dst(%dma_wait3A_746 : memref<320xf32, #tpu.memory_space<hbm>>)
      tpu.yield
    }) : () -> ()
    return
  }
}

</mosaic_0001>

<sc_bundles>
// kernel: kernel.3.cloned.1.call-start
scs
__scs_entry_jumppad:
0x0: {  	(pc) =	sbr.rel $0x88, $3  }
0x1: {  	(tag) =	ssettag $0x0;
	lr =	simm.s32 $0x1  }
0x2: {  	[smem:$0x3F9E] =	sst lr;
	_ =	strace $0xD0000000  }
0x3: {  	_ = 	snop  }
0x4: {  	_ = 	snop  }
0x5: {  	_ = 	snop  }
0x6: {  	_ = 	snop  }
0x7: {  	_ = 	snop  }
__scs_overlays_trampoline_lowered:
0x8: {  	[smem:$0x3FAD] =	sst s0  }
0x9: {  	[smem:$0x3FAE] =	sst s1  }
0xa: {  	[smem:$0x3FAF] =	sst s2  }
0xb: {  	[smem:$0x3FB0] =	sst s3  }
0xc: {  	[smem:$0x3FB1] =	sst s4  }
0xd: {  	[smem:$0x3FB2] =	sst s5  }
0xe: {  	[smem:$0x3FB3] =	sst s6  }
0xf: {  	[smem:$0x3FB4] =	sst s7  }
0x10: {  	[smem:$0x3FB5] =	sst s8  }
0x11: {  	[smem:$0x3FB6] =	sst s9;
	s0 =	simm.s32 @!p0 $0x0  }
0x12: {  	s1 =	sld [smem:$0x3F9C];
	s0 =	simm.s32 @p0 $0x1  }
0x13: {  	[smem:$0x3FB7] =	sst s0;
	s0 =	simm.s32 @!p1 $0x0  }
0x14: {  	s2 =	sld [smem:$0x3F9B];
	s0 =	simm.s32 @p1 $0x1  }
0x15: {  	[smem:$0x3FB8] =	sst s0;
	s0 =	simm.s32 @!p2 $0x0  }
0x16: {  	s3 =	sld [smem:$0x3FDB];
	s0 =	simm.s32 @p2 $0x1  }
0x17: {  	s4 =	simm.s32 $0x1BF5;
	[smem:$0x3FBA] =	sst s0  }
0x18: {  	s0 =	sld [smem:$0x3F9D];
	_ =	swait.ge [sflag:s4], $0x0  }
0x19: {  	s7 =	sld [smem:$0x3F9E]  }
0x1a: {  	s8 =	sadd.s32 $0xFFFFE003, lr  }
0x1b: {  	s9 =	sadd.s32 $0xFFFFFEF7, lr;
	s5 =	simm.s32 $0xFFFFFFFF;
	p2 =	slt.u32 s8, $0xFFFFF086  }
0x1c: {  	p1 =	slt.u32 s9, $0xF7A;
	s5 =	simm.s32 @!p2 $0x0  }
0x1d: {  	s5 =	simm.s32 @p1 $0x1;
	p0 =	seq.s32 s7, s2  }
0x1e: {  	s7 =	smul.u32 @!p0 $0xF7A, s2;
	p2 =	seq.s32 @!p0 s5, $0x0  }
0x1f: {  	s9 =	smul.u32 $0xF7A, s1;
	s8 =	simm.s32 @!p0 $0x1BF5;
	p2 =	por !p2, p0  }
0x20: {  	[sflag:s8] =	ssyncset.s32 @!p0 $0xFFFFF086;
	s6 =	sadd.s32 @!p0 s3, s7;
	s7 =	simm.s32 @!p0 $0x108  }
0x21: {  	s3 =	sadd.s32 s3, s9;
	s6 =	sadd.s32 @!p0 $0x88, s6;
	s7 =	simm.s32 @p2 $0x1082  }
0x22: {  	[simem:s7], [sflag:s8] =	dma.local @!p0 [hbm:s6], $0xF7A  }
0x23: {  	s9 =	sor.u32 $0xD0000000, s2;
	s6 =	simm.s32 $0x108;
	_ =	swait.ge @!p0 [sflag:s8], $0x0  }
0x24: {  	s3 =	sadd.s32 $0x88, s3;
	s6 =	simm.s32 @!p1 $0x1082;
	[sflag:s4] =	ssyncset.s32 $0xFFFFF086  }
0x25: {  	[simem:s6], [sflag:s4] =	dma.local [hbm:s3], $0xF7A  }
0x26: {  	[smem:$0x3F9E] =	sst s1;
	(tag) =	ssettag s2;
	_ =	strace s9  }
0x27: {  	s1 =	sld [smem:$0x3FAE]  }
0x28: {  	s2 =	sld [smem:$0x3FAF]  }
0x29: {  	s4 =	sld [smem:$0x3FB1]  }
0x2a: {  	p0 =	seq.s32 s5, $0x0;
	s5 =	sld [smem:$0x3FB2]  }
0x2b: {  	s6 =	sld [smem:$0x3FB3]  }
0x2c: {  	s7 =	sld [smem:$0x3FB4]  }
0x2d: {  	s3 =	simm.s32 $0x108;
	s8 =	sld [smem:$0x3FB5]  }
0x2e: {  	s3 =	simm.s32 @!p0 $0x1082;
	s9 =	sld [smem:$0x3FB6]  }
0x2f: {  	lr =	sadd.s32 s0, s3;
	s0 =	sld [smem:$0x3FAD]  }
0x30: {  	s3 =	sld [smem:$0x3FB0]  }
0x31: {  	[smem:$0x3FB9] =	sst s10  }
0x32: {  	s10 =	sld [smem:$0x3FB7];
	_ =	sdelay $0x3  }
0x33: {  	p0 =	seq.s32 s10, $0x1;
	s10 =	sld [smem:$0x3FB9];
	_ =	sdelay $0x3  }
0x34: {  	[smem:$0x3FB9] =	sst s10  }
0x35: {  	s10 =	sld [smem:$0x3FB8];
	_ =	sdelay $0x3  }
0x36: {  	p1 =	seq.s32 s10, $0x1;
	s10 =	sld [smem:$0x3FB9];
	_ =	sdelay $0x3  }
0x37: {  	[smem:$0x3FB9] =	sst s10  }
0x38: {  	s10 =	sld [smem:$0x3FBA]  }
0x39: {  	_ = 	snop;
	(pc) =	sbr.ind lr, $3  }
0x3a: {  	_ = 	snop  }
0x3b: {  	_ = 	snop  }
0x3c: {  	p2 =	seq.s32 s10, $0x1;
	s10 =	sld [smem:$0x3FB9]  }
0x3d: {  	_ =	shalt  }
0x3e: {  	_ =	shalt  }
0x3f: {  	_ =	shalt  }
0x40: {  	_ =	shalt  }
0x41: {  	_ =	shalt  }
0x42: {  	_ =	shalt  }
0x43: {  	_ =	shalt  }
0x44: {  	_ =	shalt  }
0x45: {  	_ =	shalt  }
0x46: {  	_ =	shalt  }
0x47: {  	_ =	shalt  }
0x48: {  	_ =	shalt  }
0x49: {  	_ =	shalt  }
0x4a: {  	_ =	shalt  }
0x4b: {  	_ =	shalt  }
0x4c: {  	_ =	shalt  }
0x4d: {  	_ =	shalt  }
0x4e: {  	_ =	shalt  }
0x4f: {  	_ =	shalt  }
0x50: {  	_ =	shalt  }
0x51: {  	_ =	shalt  }
0x52: {  	_ =	shalt  }
0x53: {  	_ =	shalt  }
0x54: {  	_ =	shalt  }
0x55: {  	_ =	shalt  }
0x56: {  	_ =	shalt  }
0x57: {  	_ =	shalt  }
0x58: {  	_ =	shalt  }
0x59: {  	_ =	shalt  }
0x5a: {  	_ =	shalt  }
0x5b: {  	_ =	shalt  }
0x5c: {  	_ =	shalt  }
0x5d: {  	_ =	shalt  }
0x5e: {  	_ =	shalt  }
0x5f: {  	_ =	shalt  }
0x60: {  	_ =	shalt  }
0x61: {  	_ =	shalt  }
0x62: {  	_ =	shalt  }
0x63: {  	_ =	shalt  }
0x64: {  	_ =	shalt  }
0x65: {  	_ =	shalt  }
0x66: {  	_ =	shalt  }
0x67: {  	_ =	shalt  }
0x68: {  	_ =	shalt  }
0x69: {  	_ =	shalt  }
0x6a: {  	_ =	shalt  }
0x6b: {  	_ =	shalt  }
0x6c: {  	_ =	shalt  }
0x6d: {  	_ =	shalt  }
0x6e: {  	_ =	shalt  }
0x6f: {  	_ =	shalt  }
0x70: {  	_ =	shalt  }
0x71: {  	_ =	shalt  }
0x72: {  	_ =	shalt  }
0x73: {  	_ =	shalt  }
0x74: {  	_ =	shalt  }
0x75: {  	_ =	shalt  }
0x76: {  	_ =	shalt  }
0x77: {  	_ =	shalt  }
0x78: {  	_ =	shalt  }
0x79: {  	_ =	shalt  }
0x7a: {  	_ =	shalt  }
0x7b: {  	_ =	shalt  }
0x7c: {  	_ =	shalt  }
0x7d: {  	_ =	shalt  }
0x7e: {  	_ =	shalt  }
0x7f: {  	_ =	shalt  }
0x80: {  	_ =	shalt  }
0x81: {  	_ =	shalt  }
0x82: {  	_ =	shalt  }
0x83: {  	_ =	shalt  }
0x84: {  	_ =	shalt  }
0x85: {  	_ =	shalt  }
0x86: {  	_ =	shalt  }
0x87: {  	_ =	shalt  }
.Lfunc_end0:
.L_simem_size_0:
called_computation_lowered:
.L_overlay_start_0:
0x88: {  	s2 =	sld [smem:$0x3FD9]  }
0x89: {  	s3 =	sld [smem:$0x3FFE];
	_ =	sdelay $0x1  }
0x8a: {  	s1 =	srdreg.scid  }
0x8b: {  	s0 =	sand.u32 $0x1, s1  }
0x8c: {  	s14 =	sshll.u32 s0, $0xA;
	s2 =	sadd.s32 s3, s2  }
0x8d: {  	s2 =	sadd.s32 s2, s14  }
0x8e: {  	[smem:$0x3FC5] =	sst s2  }
0x8f: {  	_ = 	snop  }
0x90: {  	s2 =	sld [smem:$0x3FD0];
	_ =	sdelay $0x2  }
0x91: {  	s15 =	simm.s32 $0xA;
	s4 =	simm.s32 $0x10  }
0x92: {  	[smem:s4], [sflag:s15] =	dma.local [hbm:s2], $0x1  }
0x93: {  	_ =	swait.eq [sflag:s15], $0x1  }
0x94: {  	s16 =	sld [smem:$0x10];
	[sflag:s15] =	ssyncset.done $0x0  }
0x95: {  	s17 =	sld [smem:$0x11];
	[sflag:s15] =	ssyncadd.s32 $0xFFFFFFFF  }
0x96: {  	s18 =	sld [smem:$0x12];
	(tm) =	ssettm $0x1  }
0x97: {  	s5 =	sld [smem:$0x3FFB];
	_ =	sdelay $0x3  }
0x98: {  	_ =	strace s5  }
0x99: {  	s5 =	sld [smem:$0x3FFC];
	_ =	sdelay $0x3  }
0x9a: {  	_ =	strace s5  }
0x9b: {  	s5 =	sld [smem:$0x3FFD];
	_ =	sdelay $0x3  }
0x9c: {  	_ =	strace s5  }
0x9d: {  	_ =	strace $0x8FFFFFFF  }
0x9e: {  	s19 =	sld [smem:$0x3FDB];
	_ =	sdelay $0x1  }
0x9f: {  	s6 =	simm.s32 $_scs_section_size  }
0xa0: {  	s7 =	simm.s32 $_size__tile_overlayer_lowered;
	s8 =	simm.s32 $_tile_overlayer_lowered  }
0xa1: {  	s22 =	simm.s32 $0x1BFF;
	s21 =	sshll.u32 s8, $0x1;
	s5 =	sadd.s32 s6, s19  }
0xa2: {  	s9 =	simm.s32 $0x0;
	s20 =	sshll.u32 s7, $0x1;
	s7 =	sadd.s32 s21, s5  }
0xa3: {  	[timem:s9], [sflag:s22] =	dma.local [hbm:s7], s20  }
0xa4: {  	_ =	swait.ge [sflag:s22], s20  }
0xa5: {  	s6 =	ssub.s32 $0x0, s20;
	[sflag:s22] =	ssyncset.done $0x0  }
0xa6: {  	[sflag:s22] =	ssyncadd.s32 s6;
	_ =	sdelay $0x1  }
0xa7: {  	s23 =	simm.s32 $0x1B8B  }
0xa8: {  	_ =	swait.ge [sflag:s23], $0x1  }
0xa9: {  	[sflag:s23] =	ssyncset.done $0x0  }
0xaa: {  	s25 =	simm.s32 $0x1B8E;
	s24 =	sld [smem:$0x3FFE];
	[sflag:s23] =	ssyncadd.s32 $0xFFFFFFFF  }
0xab: {  	s26 =	simm.s32 $execute0_lowered;
	[smem:$0x3FD2] =	sst s25  }
0xac: {  	s7 =	sshll.u32 s26, $0x1;
	_ =	strace $0x80000046;
	[dreg:$0x1] =	wrdreg $0xFFFFFFFF  }
0xad: {  	s28 =	simm.s32 $_size_execute0_lowered;
	s5 =	sadd.s32 s5, s7;
	[dreg:$0x0] =	wrdreg $0x0  }
0xae: {  	s7 =	sshll.u32 s28, $0x1;
	[dreg:$0x2] =	wrdreg s5  }
0xaf: {  	[dreg:$0x3] =	wrdreg s7  }
0xb0: {  	[dreg:$0x4] =	wrdreg $0xC0  }
0xb1: {  	_ =	task [dreg:s9], $0x5FFFF  }
0xb2: {  	[dreg:$0x1] =	wrdreg $0xFFFFFFFF  }
0xb3: {  	[dreg:$0x0] =	wrdreg $0x60  }
0xb4: {  	[dreg:$0x2] =	wrdreg s24  }
0xb5: {  	[dreg:$0x3] =	wrdreg s16  }
0xb6: {  	[dreg:$0x4] =	wrdreg s18  }
0xb7: {  	[dreg:$0x5] =	wrdreg s17  }
0xb8: {  	[dreg:$0x6] =	wrdreg $0x9  }
0xb9: {  	_ =	task.clear_ibuf [dreg:s9], $0x7FFFF;
	_ =	strace $0x90000046  }
0xba: {  	s29 =	simm.s32 $0x9;
	_ =	strace $0x80000048  }
0xbb: {  	_ =	swait.ge [sflag:s29], $0x1  }
0xbc: {  	[sflag:s29] =	ssyncadd.s32 $0xFFFFFFFF  }
0xbd: {  	_ =	strace $0x90000048  }
0xbe: {  	_ =	sfence  }
0xbf: {  	s30 =	sld [smem:$0x0];
	_ =	sdelay $0x2  }
0xc0: {  	s31 =	sshll.u32 s1, $0xD;
	s1 =	sshrl.u32 s1, $0x2  }
0xc1: {  	s3 =	sand.u32 $0x4000, s31;
	s1 =	sadd.s32 s1, s30  }
0xc2: {  	s0 =	sor.u32 s3, s0;
	s1 =	sshll.u32 s1, $0x11  }
0xc3: {  	s0 =	sor.u32 s1, s0  }
0xc4: {  	s0 =	sadd.s32 $0x8F2B, s0  }
0xc5: {  	[sflag:s0] =	ssyncadd.remote.s32 $0x1  }
0xc6: {  	_ =	sfence.sel $0xFFFF  }
0xc7: {  	[dreg:$0x0] =	wrdreg $0xFFFFFFFF;
	(pc) =	sbr.abs _section_cstart, $3  }
0xc8: {  	[dreg:$0x1] =	wrdreg $0xFFFFFFFF  }
0xc9: {  	_ =	task.clear_ibuf [dreg:s9], $0x2FFFF;
	_ =	strace $0x9FFFFFFF  }
0xca: {  	(tm) =	ssettm $0x7FFFFFFF  }
0xcb: {  	_ =	shalt  }
tec
execute0_lowered:
.L_overlay_start_1:
0x0: {  	(tag) =	ssettag $0x1  }
0x1: {  	v0 =	vlaneseq.u32;
	v2 =	vimm.s32 $0x0  }
0x2: {  	v10 =	vimm.s32 $0xEFCDAB89;
	v11 =	vimm.s32 $0x67452301;
	v15 =	vimm.s32 $0xDCFE98BA  }
0x3: {  	v16 =	vimm.s32 $0x54761032;
	v17 =	vimm.s32 $0xBA98FEDC;
	v18 =	vimm.s32 $0x32107654  }
0x4: {  	v19 =	vimm.s32 $0x76543210;
	v23 =	vimm.s32 $0xDCBA9876;
	v24 =	vimm.s32 $0xBA987654  }
0x5: {  	v25 =	vimm.s32 $0xE40000;
	v26 =	vimm.s32 $0x32100000;
	v29 =	vimm.s32 $0x7060504  }
0x6: {  	vm0 =	vcmask $0x3F30;
	v31 =	vimm.s32 $0x210FEDCB;
	v62 =	vimm.s32 $0xA9876543  }
0x7: {  	v32 =	vimm.s32 $0x43210FED;
	v13 =	vunpack.c.l.s4.s8 v10;
	v14 =	vunpack.c.l.s4.s8 v11  }
0x8: {  	v63 =	vimm.s32 $0x543210FE;
	v35 =	vimm.s32 $0x6543210F;
	v1 =	vmul.u32 $0x50, v0  }
0x9: {  	v15 =	vunpack.c.l.s4.s8 v15;
	v13 =	vunpack.c.0.s8.s32 v13;
	v14 =	vunpack.c.0.s8.s32 v14  }
0xa: {  	v3 =	vor.u32 $0x10, v0;
	v16 =	vunpack.c.l.s4.s8 v16;
	v17 =	vunpack.c.l.s4.s8 v17  }
0xb: {  	v13 =	vcombine.low v14, v13;
	v14 =	vunpack.c.0.s8.s32 v15;
	v15 =	vunpack.c.l.s4.s8 v18  }
0xc: {  	v23 =	vunpack.c.l.s4.s8 v23;
	v16 =	vunpack.c.0.s8.s32 v16;
	v18 =	vimm.s32 $0xFEDCBA98  }
0xd: {  	v17 =	vunpack.c.0.s8.s32 v17;
	v18 =	vunpack.c.l.s4.s8 v18;
	v15 =	vunpack.c.0.s8.s32 v15  }
0xe: {  	v24 =	vunpack.c.l.s4.s8 v24;
	v14 =	vcombine.low v16, v14;
	v16 =	vunpack.c.l.s4.s8 v19  }
0xf: {  	v15 =	vcombine.low v15, v17;
	v17 =	vunpack.c.0.s8.s32 v18;
	v18 =	vimm.s32 $0xEDCBA987  }
0x10: {  	v19 =	vimm.s32 $0x65432100;
	v16 =	vunpack.c.0.s8.s32 v16;
	v18 =	vunpack.c.l.s4.s8 v18  }
0x11: {  	s2 =	rddreg [dreg:$0x0];
	v25 =	vunpack.c.l.s2.s4 v25;
	v20 =	vunpack.c.l.s4.s8 v19;
	v17 =	vand.u32 $0xF, v17  }
0x12: {  	s5 =	rddreg [dreg:$0x1];
	v56 =	vunpack.c.l.s4.s8 v26;
	v16 =	vcombine.low v17, v16;
	v17 =	vunpack.c.0.s8.s32 v18  }
0x13: {  	s0 =	rddreg [dreg:$0x2];
	v60 =	vunpack.c.0.s8.s32 v29;
	v21 =	vunpack.c.0.s8.s32 v20;
	v20 =	vimm.s32 $0x54321000  }
0x14: {  	s1 =	rddreg [dreg:$0x3];
	v29 =	vimm.s32 $0x10FEDCBA;
	v27 =	vunpack.c.l.s4.s8 v20;
	v22 =	vand.u32 $0xF, v17  }
0x15: {  	s3 =	srdreg.scid;
	s6 =	stileid.u32;
	s20 =	simm.s32 $0x0;
	v31 =	vunpack.c.l.s4.s8 v31;
	[tilespmem:$0x1FF60] =	vst v17;
	v17 =	vunpack.c.0.s8.s32 v23;
	v20 =	vcombine.low v21, v22  }
0x16: {  	s11 =	simm.s32 $0x8F80;
	s16 =	simm.s32 $0x1F80;
	s17 =	simm.s32 $0x3F80;
	v34 =	vunpack.c.l.s4.s8 v32;
	v37 =	vunpack.c.l.s4.s8 v63;
	v58 =	vunpack.c.0.s8.s32 v27  }
0x17: {  	s18 =	simm.s32 $0x1C880;
	s4 =	sand.u32 $0x1, s3;
	s21 =	sshll.u32 s6, $0x1;
	v57 =	vunpack.c.l.s4.s8 v25;
	v59 =	vand.u32 $0xF, v17;
	[tilespmem:$0x1FF70] =	vst v20;
	v20 =	vunpack.c.0.s8.s32 v24  }
0x18: {  	s28 =	simm.s32 $0x1CD80;
	s29 =	simm.s32 $0x1CF00;
	v38 =	vunpack.c.l.s4.s8 v35;
	s6 =	sor.u32 s4, s21;
	v27 =	vunpack.c.0.s8.s32 v56;
	[tilespmem:$0x1FF80] =	vst v17;
	v17 =	vcombine.low v58, v59  }
0x19: {  	s30 =	simm.s32 $0x1D080;
	[smem:$0x7FF] =	sst s20;
	v4 =	vadd.s32 $0x500, v1;
	s7 =	smul.u32 $0x2710, s6;
	v30 =	vunpack.c.0.s8.s32 v57;
	[tilespmem:$0x1FF90] =	vst v20;
	v28 =	vand.u32 $0xF, v20  }
0x1a: {  	s14 =	simm.s32 $0x2;
	v29 =	vunpack.c.l.s4.s8 v29;
	s8 =	smul.u32 $0x28, s6;
	_ =	strace $0x80000047;
	[tilespmem:$0x1FFA0] =	vst v17;
	v17 =	vcombine.low v27, v28;
	v27 =	vimm.s32 $0xFEDCBA9  }
0x1b: {  	s9 =	ssub.s32 $0x2, s4;
	v5 =	vadd.s32 $0xA00, v1;
	s4 =	smul.u32 $0x186A00, s6;
	s7 =	sadd.s32 s7, s2;
	v61 =	vand.u32 $0x3, v30;
	v27 =	vunpack.c.l.s4.s8 v27  }
0x1c: {  	s3 =	sadd.s32 $0x4F000, s2;
	v6 =	vadd.s32 $0xF00, v1;
	s6 =	sshll.u32 s6, $0x2;
	s7 =	sadd.s32 $0xE00, s7;
	v28 =	vimm.s32 $0x87654321;
	[tilespmem:$0x1FFB0] =	vst v17;
	v17 =	vsel vm0, v60, v61  }
0x1d: {  	v7 =	vadd.s32 $0x1400, v1;
	s5 =	sadd.s32 s5, s6;
	s2 =	sadd.s32 s8, s2;
	[dreg:$0x5] =	wrdreg s7;
	v28 =	vunpack.c.l.s4.s8 v28;
	[tilespmem:$0x1FFC0] =	vst v17;
	v17 =	vunpack.c.0.s8.s32 v27  }
0x1e: {  	s15 =	simm.s32 $0x0;
	v8 =	vadd.s32 $0x1900, v1;
	v9 =	vadd.s32 $0x1E00, v1;
	v10 =	vadd.s32 $0x2300, v1;
	s22 =	sadd.s32 $0x66AA00, s2;
	[dreg:$0x6] =	wrdreg s5  }
0x1f: {  	s21 =	simm.s32 $0x1;
	v11 =	vor.u32 $0x2800, v1;
	s24 =	sadd.s32 $0x669800, s2;
	v30 =	vimm.s32 $0x98765432;
	[dreg:$0x7] =	wrdreg s22;
	[tilespmem:$0x1FFD0] =	vst v17;
	v17 =	vunpack.c.0.s8.s32 v28  }
0x20: {  	v12 =	vadd.s32 $0x2D00, v1;
	s10 =	sshrl.u32 s9, $0x1;
	v25 =	vunpack.c.l.s4.s8 v62;
	s25 =	sadd.s32 $0x669E00, s2;
	v30 =	vunpack.c.l.s4.s8 v30;
	[dreg:$0x8] =	wrdreg s24  }
0x21: {  	v35 =	vunpack.c.0.s8.s32 v37;
	s9 =	ssub.s32 s9, s10;
	s2 =	sadd.s32 $0x66A400, s2;
	v13 =	vand.u32 $0xF, v13;
	[dreg:$0x9] =	wrdreg s25;
	[tilespmem:$0x1FFE0] =	vst v17;
	v17 =	vunpack.c.0.s8.s32 v29  }
.Ltmp0:
0x22: {  	s0 =	sadd.s32 s0, s8;
	[dreg:$0xa] =	wrdreg s2;
	v29 =	vunpack.c.0.s8.s32 v30;
	v30 =	vunpack.c.0.s8.s32 v31;
	v31 =	vimm.s32 $0x3210FEDC;
	(pc) =	sbr.rel .LBB2_1-.Ltmp0, $4  }
0x23: {  	s23 =	sshrl.u32 s4, $0x3;
	s26 =	sadd.s32 s1, s8;
	v19 =	vimm.s32 $0x7FFFFFFF;
	[dreg:$0xb] =	wrdreg s0;
	v33 =	vunpack.c.l.s4.s8 v31;
	v31 =	vimm.s32 $0xCBA98765  }
0x24: {  	s31 =	smax.u32 s9, $0x1;
	s13 =	sadd.s32 s3, s23;
	v14 =	vand.u32 $0xF, v14;
	v15 =	vand.u32 $0xF, v15;
	[dreg:$0xc] =	wrdreg s26;
	v36 =	vunpack.c.l.s4.s8 v31  }
0x25: {  	s23 =	simm.s32 $0x6F80;
	v18 =	vimm.f32 $-3.000000010e+38;
	[dreg:$0xd] =	wrdreg s31;
	s22 =	simm.s32 $0x5F80;
	v31 =	vunpack.c.0.s8.s32 v25;
	v32 =	vunpack.c.0.s8.s32 v33  }
0x26: {  	s24 =	simm.s32 $0x1CA80;
	s25 =	simm.s32 $0x1C900;
	s26 =	simm.s32 $0x1CC00;
	[tilespmem:$0x1FFF0] =	vst v17;
	v33 =	vunpack.c.0.s8.s32 v34;
	v34 =	vunpack.c.0.s8.s32 v36;
	v36 =	vunpack.c.0.s8.s32 v38  }
.LBB2_31:
0x27: {  	_ =	sdelay $0x4  }
0x28: {  	[tilespmem:v39+s30+$0x0] =	vst.idx.msk vm0, v25  }
.LBB2_32:
0x29: {  	s0 =	rddreg [dreg:$0xb]  }
0x2a: {  	[hbm4b:s0+s20] =	stream.linear.scatter [tilespmem:s25], [sflag:$0x2], $0x140, $0x38;
	[tilespmem:$0x1D200] =	vst v63  }
0x2b: {  	_ =	swait.ge [sflag:s14], $0x140  }
0x2c: {  	[sflag:s14] =	ssyncset.done $0x0  }
0x2d: {  	s8 =	rddreg [dreg:$0x7];
	[sflag:s14] =	ssyncadd.s32 $0xFFFFFEC0  }
0x2e: {  	[hbm4b:s8+s20] =	stream.linear.scatter [tilespmem:s24], [sflag:$0x2], $0x140, $0x38;
	[tilespmem:$0x1D200] =	vst v63  }
0x2f: {  	_ =	swait.ge [sflag:s14], $0x140  }
0x30: {  	[sflag:s14] =	ssyncset.done $0x0  }
0x31: {  	s9 =	rddreg [dreg:$0xc];
	[sflag:s14] =	ssyncadd.s32 $0xFFFFFEC0  }
0x32: {  	[hbm4b:s9+s20] =	stream.linear.scatter [tilespmem:s26], [sflag:$0x2], $0x140, $0x38;
	[tilespmem:$0x1D200] =	vst v63  }
0x33: {  	_ =	swait.ge [sflag:s14], $0x140  }
0x34: {  	[sflag:s14] =	ssyncset.done $0x0  }
0x35: {  	s10 =	rddreg [dreg:$0x8];
	[sflag:s14] =	ssyncadd.s32 $0xFFFFFEC0  }
0x36: {  	[hbm4b:s10+s20] =	stream.linear.scatter [tilespmem:s28], [sflag:$0x2], $0x140, $0x38;
	[tilespmem:$0x1D200] =	vst v63  }
0x37: {  	_ =	swait.ge [sflag:s14], $0x140  }
0x38: {  	[sflag:s14] =	ssyncset.done $0x0  }
0x39: {  	s12 =	rddreg [dreg:$0x9];
	[sflag:s14] =	ssyncadd.s32 $0xFFFFFEC0  }
0x3a: {  	[hbm4b:s12+s20] =	stream.linear.scatter [tilespmem:s29], [sflag:$0x2], $0x140, $0x38;
	[tilespmem:$0x1D200] =	vst v63  }
0x3b: {  	_ =	swait.ge [sflag:s14], $0x140  }
0x3c: {  	[sflag:s14] =	ssyncset.done $0x0  }
0x3d: {  	s19 =	rddreg [dreg:$0xa];
	[sflag:s14] =	ssyncadd.s32 $0xFFFFFEC0  }
0x3e: {  	[hbm4b:s19+s20] =	stream.linear.scatter [tilespmem:s30], [sflag:$0x2], $0x140, $0x38;
	[tilespmem:$0x1D200] =	vst v63  }
0x3f: {  	_ =	swait.ge [sflag:s14], $0x140  }
0x40: {  	s15 =	sadd.s32 $0x1, s15;
	s31 =	rddreg [dreg:$0xd]  }
0x41: {  	p0 =	sne.s32 s15, s31  }
.Ltmp1:
0x42: {  	_ = 	snop;
	(pc) =	sbr.rel @!p0 .LBB2_33-.Ltmp1, $3  }
0x43: {  	_ =	sdelay $0x1  }
0x44: {  	[sflag:s14] =	ssyncset.done $0x0  }
0x45: {  	[sflag:s14] =	ssyncadd.s32 $0xFFFFFEC0  }
.LBB2_1:
0x46: {  	[dreg:$0xe] =	wrdreg s15  }
0x47: {  	s0 =	rddreg [dreg:$0x5]  }
0x48: {  	[tilespmem:s11], [sflag:$0x2] =	stream.linear.gather [hbm4b:s0+s20], $0x13880, $0x38;
	[tilespmem:$0x1D200] =	vst v63  }
0x49: {  	_ =	swait.ge [sflag:s14], $0x13880  }
0x4a: {  	[sflag:s14] =	ssyncset.done $0x0  }
0x4b: {  	s1 =	simm.s32 $0x1C800;
	s31 =	rddreg [dreg:$0x6];
	[sflag:s14] =	ssyncadd.s32 $0xFFFEC780  }
0x4c: {  	[tilespmem:s1], [sflag:$0x2] =	stream.linear.gather [hbm4b:s31+s20], $0x20, $0x38;
	[tilespmem:$0x1D200] =	vst v63  }
0x4d: {  	p0 =	por $0x0, $0x0;
	_ =	swait.ge [sflag:s14], $0x20  }
0x4e: {  	s5 =	simm.s32 $0x0;
	s12 =	simm.s32 $0x0;
	[sflag:s14] =	ssyncset.done $0x0  }
0x4f: {  	s0 =	simm.s32 $0x0;
	s1 =	simm.s32 $0x0;
	[sflag:s14] =	ssyncadd.s32 $0xFFFFFFE0  }
0x50: {  	v46 =	vimm.s32 $0x0;
	v25 =	vimm.s32 $0x0;
	[tilespmem:s20], [sflag:$0x1] =	stream.linear.gather [hbm4b:s13+s20], $0xFA0, $0x38;
	[tilespmem:$0x1D200] =	vst v63  }
.LBB2_2:
0x51: {  	s2 =	simm.s32 $0x1  }
0x52: {  	s6 =	smov.u32 s12;
	s2 =	simm.s32 @!p0 $0x0  }
0x53: {  	s12 =	sadd.s32 $0x1, s12;
	p1 =	seq.s32 s6, $0x18F;
	s7 =	smul.u32 $0x3E80, s2  }
0x54: {  	_ =	swait.ge [sflag:s21], $0xFA0;
	s6 =	sand.u32 $0x1, s6;
	s8 =	smul.u32 @!p1 $0xFA0, s12  }
0x55: {  	[sflag:s21] =	ssyncset.done $0x0;
	s6 =	sxor.u32 @!p1 $0x1, s6  }
0x56: {  	s6 =	smul.u32 @!p1 $0x3E80, s6;
	s7 =	sshrl.u32 s7, $0x2;
	s8 =	sadd.s32 @!p1 s4, s8  }
0x57: {  	[sflag:s21] =	ssyncadd.s32 $0xFFFFF060;
	s9 =	sadd.s32 $0x50, s7;
	s7 =	sshrl.u32 @!p1 s8, $0x3  }
0x58: {  	s6 =	sshrl.u32 @!p1 s6, $0x2;
	s8 =	simm.s32 @!p1 $0x0;
	s7 =	sadd.s32 @!p1 s3, s7  }
0x59: {  	[tilespmem:s6], [sflag:$0x1] =	stream.linear.gather @!p1 [hbm4b:s7+s8], $0xFA0, $0x38;
	[tilespmem:$0x1D200] =	vst v63  }
0x5a: {  	v50 =	vld [tilespmem:s9+$0xFFFFFFB0]  }
0x5b: {  	v51 =	vld [tilespmem:s9+$0xFFFFFFC0]  }
0x5c: {  	v47 =	vld [tilespmem:s9+$0xFFFFFFD0]  }
0x5d: {  	vm0 =	vlt.s32 v25, $0x1FE0;
	vm1 =	vlt.s32 v46, $0x1FE0;
	v44 =	vld [tilespmem:s9+$0xFFFFFFE0]  }
0x5e: {  	v43 =	vadd.s32 s0, v6;
	v41 =	vadd.s32 s0, v7;
	v38 =	vadd.s32 s0, v8  }
0x5f: {  	v55 =	vadd.s32 s0, v4;
	v48 =	vadd.s32 s0, v5;
	v54 =	vadd.s32 s0, v1  }
0x60: {  	v37 =	vnsel vm0, $0x1FE0, v25;
	v39 =	vnsel vm1, $0x1FE0, v46;
	s7 =	smul.u32 $0xFA0, s2;
	vm1 =	vgt.f32 v50, $3.450000050e+00  }
0x61: {  	v53 =	vadd.s32 v0, v37;
	v56 =	vadd.s32 v3, v39;
	v40 =	vld [tilespmem:s9+$0x0];
	vm4 =	vgt.f32 v51, $3.450000050e+00  }
0x62: {  	v45 =	vld [tilespmem:s9+$0xFFFFFFF0];
	s2 =	sadd.s32 $0x0, s7;
	vm2 =	vgt.f32 v47, $3.450000050e+00;
	vm0 =	vgt.f32 v44, $3.450000050e+00;
	v42 =	vsel vm1, $0x20, v2  }
0x63: {  	v37 =	vld [tilespmem:s9+$0x40];
	s2 =	sand.u32 $0x3FE0, s2;
	v49 =	vsel vm4, $0x20, v2;
	v57 =	vsel vm0, $0x20, v2;
	v25 =	vadd.s32 v25, v42  }
0x64: {  	v39 =	vld [tilespmem:s2+$0x80];
	v58 =	vsel vm2, $0x20, v2;
	v52 =	vadd.s32 v46, v49;
	vm3 =	vlt.s32 v25, $0x1FE0  }
0x65: {  	v42 =	vld [tilespmem:s9+$0x20];
	v61 =	vnsel vm3, $0x1FE0, v25;
	vm3 =	vlt.s32 v52, $0x1FE0;
	v25 =	vadd.s32 v25, v58  }
0x66: {  	v46 =	vld [tilespmem:s9+$0x10];
	v49 =	vadd.s32 v0, v61;
	v62 =	vnsel vm3, $0x1FE0, v52;
	v52 =	vadd.s32 v52, v57;
	[tilespmem:v53+s16+$0x0] =	vst.idx.msk vm1, v50  }
0x67: {  	s14 =	sadd.s32 $0x3200, s0;
	vm3 =	vgt.f32 v45, $3.450000050e+00;
	vm5 =	vlt.s32 v25, $0x1FE0;
	v50 =	vadd.s32 v3, v62;
	[tilespmem:v53+s17+$0x0] =	vst.idx.msk vm1, v54  }
0x68: {  	s31 =	simm.s32 $0x140;
	s10 =	smov.u32 s0;
	s15 =	sadd.s32 $0xA0, s9;
	v63 =	vnsel vm5, $0x1FE0, v25;
	vm5 =	vlt.s32 v52, $0x1FE0;
	vm1 =	vgt.f32 v40, $3.450000050e+00;
	[tilespmem:v56+s16+$0x0] =	vst.idx.msk vm4, v51  }
0x69: {  	s6 =	smov.u32 s14;
	s8 =	smov.u32 s15;
	s9 =	simm.s32 $0xA0;
	v54 =	vsel vm3, $0x20, v2;
	v53 =	vnsel vm5, $0x1FE0, v52;
	v51 =	vadd.s32 v0, v63;
	[tilespmem:v56+s17+$0x0] =	vst.idx.msk vm4, v55  }
.LBB2_3:
0x6a: {  	s14 =	sadd.s32 $0x3200, s14  }
0x6b: {  	s15 =	sadd.s32 $0xA0, s15;
	vm4 =	vgt.f32 v39, $3.450000050e+00;
	v25 =	vadd.s32 v25, v54;
	v54 =	vsel vm1, $0x20, v2;
	s19 =	smov.u32 s31;
	s2 =	sadd.s32 $0xA0, s31  }
0x6c: {  	p1 =	sne.s32 s31, $0xF00;
	vm5 =	vgt.f32 v42, $3.450000050e+00;
	v53 =	vadd.s32 v3, v53;
	v52 =	vadd.s32 v52, v54;
	[tilespmem:v49+s16+$0x0] =	vst.idx.msk vm2, v47  }
0x6d: {  	vm6 =	vgt.f32 v46, $3.450000050e+00;
	vm7 =	vlt.s32 v25, $0x1FE0;
	vm8 =	vlt.s32 v52, $0x1FE0;
	[tilespmem:v49+s17+$0x0] =	vst.idx.msk vm2, v48  }
0x6e: {  	v47 =	vnsel vm7, $0x1FE0, v25;
	v48 =	vsel vm6, $0x20, v2;
	v49 =	vnsel vm8, $0x1FE0, v52;
	[tilespmem:v50+s16+$0x0] =	vst.idx.msk vm0, v44  }
0x6f: {  	v44 =	vadd.s32 v0, v47;
	v25 =	vadd.s32 v25, v48;
	v47 =	vsel vm4, $0x20, v2;
	[tilespmem:v50+s17+$0x0] =	vst.idx.msk vm0, v43  }
0x70: {  	v43 =	vadd.s32 v3, v49;
	vm2 =	vlt.s32 v25, $0x1FE0;
	v49 =	vadd.s32 v25, v47;
	[tilespmem:v51+s16+$0x0] =	vst.idx.msk vm3, v45  }
0x71: {  	vm0 =	vgt.f32 v37, $3.450000050e+00;
	v45 =	vsel vm5, $0x20, v2;
	v25 =	vnsel vm2, $0x1FE0, v25;
	[tilespmem:v51+s17+$0x0] =	vst.idx.msk vm3, v41  }
0x72: {  	v41 =	vadd.s32 v52, v45;
	v25 =	vadd.s32 v0, v25;
	v45 =	vsel vm0, $0x20, v2;
	[tilespmem:v53+s16+$0x0] =	vst.idx.msk vm1, v40  }
0x73: {  	vm2 =	vlt.s32 v41, $0x1FE0;
	v50 =	vadd.s32 v41, v45;
	[tilespmem:v53+s17+$0x0] =	vst.idx.msk vm1, v38  }
0x74: {  	v40 =	vadd.s32 s10, v9;
	vm1 =	vlt.s32 v50, $0x1FE0;
	v38 =	vnsel vm2, $0x1FE0, v41;
	[tilespmem:v44+s16+$0x0] =	vst.idx.msk vm6, v46  }
0x75: {  	v46 =	vnsel vm1, $0x1FE0, v50;
	v38 =	vadd.s32 v3, v38;
	[tilespmem:v44+s17+$0x0] =	vst.idx.msk vm6, v40  }
0x76: {  	v40 =	vadd.s32 s10, v10;
	[tilespmem:v43+s16+$0x0] =	vst.idx.msk vm5, v42  }
0x77: {  	[tilespmem:v43+s17+$0x0] =	vst.idx.msk vm5, v40  }
0x78: {  	vm1 =	vlt.s32 v49, $0x1FE0;
	[tilespmem:v25+s16+$0x0] =	vst.idx.msk vm4, v39;
	v39 =	vadd.s32 s10, v11  }
0x79: {  	v40 =	vnsel vm1, $0x1FE0, v49;
	[tilespmem:v25+s17+$0x0] =	vst.idx.msk vm4, v39  }
0x7a: {  	v51 =	vadd.s32 v0, v40;
	v25 =	vadd.s32 s10, v12;
	s10 =	smov.u32 s6;
	s6 =	smov.u32 s14;
	[tilespmem:v38+s16+$0x0] =	vst.idx.msk vm0, v37  }
0x7b: {  	[tilespmem:v38+s17+$0x0] =	vst.idx.msk vm0, v25  }
0x7c: {  	v53 =	vld [tilespmem:s8+$0xFFFFFFB0]  }
0x7d: {  	v54 =	vld [tilespmem:s8+$0xFFFFFFC0]  }
0x7e: {  	v47 =	vld [tilespmem:s8+$0xFFFFFFD0]  }
0x7f: {  	v44 =	vld [tilespmem:s8+$0xFFFFFFE0]  }
0x80: {  	v43 =	vadd.s32 s10, v6;
	v41 =	vadd.s32 s10, v7;
	v38 =	vadd.s32 s10, v8;
	v40 =	vld [tilespmem:s8+$0x0]  }
0x81: {  	s31 =	sadd.s32 s9, s7;
	s9 =	smov.u32 s19;
	v55 =	vadd.s32 s10, v4;
	v48 =	vadd.s32 s10, v5;
	v45 =	vld [tilespmem:s8+$0xFFFFFFF0];
	vm1 =	vgt.f32 v53, $3.450000050e+00  }
0x82: {  	s19 =	sand.u32 $0x3FE0, s31;
	v57 =	vadd.s32 v3, v46;
	v56 =	vadd.s32 s10, v1;
	v37 =	vld [tilespmem:s8+$0x40];
	v25 =	vsel vm1, $0x20, v2  }
0x83: {  	vm4 =	vgt.f32 v54, $3.450000050e+00;
	v39 =	vld [tilespmem:s19+$0x80];
	vm2 =	vgt.f32 v47, $3.450000050e+00;
	v25 =	vadd.s32 v49, v25  }
0x84: {  	v49 =	vsel vm4, $0x20, v2;
	v42 =	vld [tilespmem:s8+$0x20];
	vm0 =	vgt.f32 v44, $3.450000050e+00;
	vm3 =	vlt.s32 v25, $0x1FE0  }
0x85: {  	v50 =	vadd.s32 v50, v49;
	v46 =	vld [tilespmem:s8+$0x10];
	v49 =	vnsel vm3, $0x1FE0, v25;
	v52 =	vsel vm0, $0x20, v2;
	s8 =	smov.u32 s15  }
.Ltmp2:
0x86: {  	v58 =	vsel vm2, $0x20, v2;
	vm3 =	vlt.s32 v50, $0x1FE0;
	v49 =	vadd.s32 v0, v49;
	(pc) =	sbr.rel @p1 .LBB2_3-.Ltmp2, $4  }
0x87: {  	v25 =	vadd.s32 v25, v58;
	v58 =	vnsel vm3, $0x1FE0, v50;
	v52 =	vadd.s32 v50, v52;
	[tilespmem:v51+s16+$0x0] =	vst.idx.msk vm1, v53  }
0x88: {  	vm3 =	vgt.f32 v45, $3.450000050e+00;
	vm5 =	vlt.s32 v25, $0x1FE0;
	v50 =	vadd.s32 v3, v58;
	[tilespmem:v51+s17+$0x0] =	vst.idx.msk vm1, v56  }
0x89: {  	vm1 =	vgt.f32 v40, $3.450000050e+00;
	v51 =	vnsel vm5, $0x1FE0, v25;
	vm5 =	vlt.s32 v52, $0x1FE0;
	[tilespmem:v57+s16+$0x0] =	vst.idx.msk vm4, v54  }
0x8a: {  	s31 =	smov.u32 s2;
	v51 =	vadd.s32 v0, v51;
	v54 =	vsel vm3, $0x20, v2;
	v53 =	vnsel vm5, $0x1FE0, v52;
	[tilespmem:v57+s17+$0x0] =	vst.idx.msk vm4, v55  }
0x8b: {  	_ =	sdelay $0x4  }
0x8c: {  	v25 =	vadd.s32 v25, v54;
	[tilespmem:v49+s16+$0x0] =	vst.idx.msk vm2, v47  }
0x8d: {  	v21 =	vsel vm1, $0x20, v2;
	v53 =	vadd.s32 v3, v53;
	vm4 =	vlt.s32 v25, $0x1FE0;
	[tilespmem:v49+s17+$0x0] =	vst.idx.msk vm2, v48  }
0x8e: {  	vm13 =	vgt.f32 v46, $3.450000050e+00;
	v47 =	vadd.s32 v52, v21;
	v22 =	vnsel vm4, $0x1FE0, v25;
	[tilespmem:v50+s16+$0x0] =	vst.idx.msk vm0, v44  }
0x8f: {  	v23 =	vsel vm13, $0x20, v2;
	vm14 =	vlt.s32 v47, $0x1FE0;
	v48 =	vadd.s32 v0, v22;
	[tilespmem:v50+s17+$0x0] =	vst.idx.msk vm0, v43  }
0x90: {  	vm15 =	vgt.f32 v42, $3.450000050e+00;
	v25 =	vadd.s32 v25, v23;
	v49 =	vnsel vm14, $0x1FE0, v47;
	[tilespmem:v51+s16+$0x0] =	vst.idx.msk vm3, v45  }
0x91: {  	vm8 =	vlt.s32 v25, $0x1FE0;
	v50 =	vsel vm15, $0x20, v2;
	v43 =	vadd.s32 v3, v49;
	[tilespmem:v51+s17+$0x0] =	vst.idx.msk vm3, v41  }
0x92: {  	vm9 =	vgt.f32 v39, $3.450000050e+00;
	v44 =	vadd.s32 v47, v50;
	v51 =	vnsel vm8, $0x1FE0, v25;
	[tilespmem:v53+s16+$0x0] =	vst.idx.msk vm1, v40  }
0x93: {  	vm10 =	vlt.s32 v44, $0x1FE0;
	v52 =	vadd.s32 v0, v51;
	[tilespmem:v53+s17+$0x0] =	vst.idx.msk vm1, v38  }
0x94: {  	vm11 =	vgt.f32 v37, $3.450000050e+00;
	v54 =	vadd.s32 s10, v9;
	v53 =	vnsel vm10, $0x1FE0, v44;
	[tilespmem:v48+s16+$0x0] =	vst.idx.msk vm13, v46  }
0x95: {  	v38 =	vadd.s32 v3, v53;
	[tilespmem:v48+s17+$0x0] =	vst.idx.msk vm13, v54  }
0x96: {  	v55 =	vadd.s32 s10, v10;
	[tilespmem:v43+s16+$0x0] =	vst.idx.msk vm15, v42  }
0x97: {  	[tilespmem:v43+s17+$0x0] =	vst.idx.msk vm15, v55  }
0x98: {  	v56 =	vadd.s32 s10, v11;
	[tilespmem:v52+s16+$0x0] =	vst.idx.msk vm9, v39  }
0x99: {  	[tilespmem:v52+s17+$0x0] =	vst.idx.msk vm9, v56  }
0x9a: {  	v57 =	vadd.s32 s10, v12;
	[tilespmem:v38+s16+$0x0] =	vst.idx.msk vm11, v37  }
0x9b: {  	[tilespmem:v38+s17+$0x0] =	vst.idx.msk vm11, v57  }
0x9c: {  	v58 =	vsel vm9, $0x20, v2;
	v38 =	vld [tilespmem:s8+$0xFFFFFFB0]  }
0x9d: {  	v25 =	vadd.s32 v25, v58  }
0x9e: {  	v63 =	vadd.s32 s6, v1;
	vm12 =	vlt.s32 v25, $0x1FE0;
	v39 =	vld [tilespmem:s8+$0xFFFFFFC0]  }
0x9f: {  	v59 =	vsel vm11, $0x20, v2;
	v47 =	vadd.s32 s6, v8;
	v60 =	vnsel vm12, $0x1FE0, v25  }
0xa0: {  	v49 =	vadd.s32 s6, v4;
	v50 =	vadd.s32 s6, v5;
	v40 =	vadd.s32 v0, v60;
	v41 =	vld [tilespmem:s8+$0xFFFFFFD0]  }
0xa1: {  	v46 =	vadd.s32 s6, v7;
	v37 =	vadd.s32 v44, v59;
	v43 =	vld [tilespmem:s8+$0xFFFFFFE0];
	vm14 =	vgt.f32 v38, $3.450000050e+00  }
0xa2: {  	v44 =	vadd.s32 s6, v6;
	vm13 =	vlt.s32 v37, $0x1FE0;
	v45 =	vld [tilespmem:s8+$0x0];
	v62 =	vsel vm14, $0x20, v2  }
0xa3: {  	s2 =	sadd.s32 s9, s7;
	v61 =	vnsel vm13, $0x1FE0, v37;
	v48 =	vld [tilespmem:s8+$0xFFFFFFF0];
	vm15 =	vgt.f32 v39, $3.450000050e+00;
	v25 =	vadd.s32 v25, v62  }
0xa4: {  	s2 =	sand.u32 $0x3FE0, s2;
	v53 =	vld [tilespmem:s8+$0x40];
	v42 =	vadd.s32 v3, v61;
	v21 =	vsel vm15, $0x20, v2;
	vm8 =	vlt.s32 v25, $0x1FE0  }
0xa5: {  	v51 =	vld [tilespmem:s2+$0x80];
	vm9 =	vgt.f32 v41, $3.450000050e+00;
	v37 =	vadd.s32 v37, v21;
	v22 =	vnsel vm8, $0x1FE0, v25  }
0xa6: {  	v55 =	vld [tilespmem:s8+$0x20];
	v57 =	vsel vm9, $0x20, v2;
	vm10 =	vlt.s32 v37, $0x1FE0;
	v54 =	vadd.s32 v0, v22  }
0xa7: {  	v56 =	vld [tilespmem:s8+$0x10];
	vm11 =	vgt.f32 v43, $3.450000050e+00;
	v25 =	vadd.s32 v25, v57;
	v23 =	vnsel vm10, $0x1FE0, v37;
	[tilespmem:v40+s16+$0x0] =	vst.idx.msk vm14, v38  }
0xa8: {  	v60 =	vsel vm11, $0x20, v2;
	v57 =	vadd.s32 v3, v23;
	vm12 =	vlt.s32 v25, $0x1FE0;
	[tilespmem:v40+s17+$0x0] =	vst.idx.msk vm14, v63  }
0xa9: {  	vm13 =	vgt.f32 v48, $3.450000050e+00;
	v37 =	vadd.s32 v37, v60;
	v61 =	vnsel vm12, $0x1FE0, v25;
	[tilespmem:v42+s16+$0x0] =	vst.idx.msk vm15, v39  }
0xaa: {  	v62 =	vsel vm13, $0x20, v2;
	vm14 =	vlt.s32 v37, $0x1FE0;
	v38 =	vadd.s32 v0, v61;
	[tilespmem:v42+s17+$0x0] =	vst.idx.msk vm15, v49  }
0xab: {  	v25 =	vadd.s32 v25, v62;
	v63 =	vnsel vm14, $0x1FE0, v37;
	vm15 =	vgt.f32 v45, $3.450000050e+00;
	[tilespmem:v54+s16+$0x0] =	vst.idx.msk vm9, v41  }
0xac: {  	vm8 =	vlt.s32 v25, $0x1FE0;
	v40 =	vadd.s32 v3, v63;
	v21 =	vsel vm15, $0x20, v2;
	[tilespmem:v54+s17+$0x0] =	vst.idx.msk vm9, v50  }
0xad: {  	v22 =	vnsel vm8, $0x1FE0, v25;
	v37 =	vadd.s32 v37, v21;
	vm9 =	vgt.f32 v56, $3.450000050e+00;
	[tilespmem:v57+s16+$0x0] =	vst.idx.msk vm11, v43  }
0xae: {  	v39 =	vadd.s32 v0, v22;
	vm10 =	vlt.s32 v37, $0x1FE0;
	v23 =	vsel vm9, $0x20, v2;
	[tilespmem:v57+s17+$0x0] =	vst.idx.msk vm11, v44  }
0xaf: {  	vm11 =	vgt.f32 v55, $3.450000050e+00;
	v49 =	vnsel vm10, $0x1FE0, v37;
	v25 =	vadd.s32 v25, v23;
	[tilespmem:v38+s16+$0x0] =	vst.idx.msk vm13, v48  }
0xb0: {  	v50 =	vadd.s32 v3, v49;
	vm12 =	vlt.s32 v25, $0x1FE0;
	v52 =	vsel vm11, $0x20, v2;
	[tilespmem:v38+s17+$0x0] =	vst.idx.msk vm13, v46  }
0xb1: {  	vm13 =	vgt.f32 v51, $3.450000050e+00;
	v54 =	vnsel vm12, $0x1FE0, v25;
	v37 =	vadd.s32 v37, v52;
	[tilespmem:v40+s16+$0x0] =	vst.idx.msk vm15, v45  }
0xb2: {  	v38 =	vadd.s32 v0, v54;
	vm14 =	vlt.s32 v37, $0x1FE0;
	[tilespmem:v40+s17+$0x0] =	vst.idx.msk vm15, v47  }
0xb3: {  	v58 =	vadd.s32 s6, v9;
	vm15 =	vgt.f32 v53, $3.450000050e+00;
	v57 =	vnsel vm14, $0x1FE0, v37;
	[tilespmem:v39+s16+$0x0] =	vst.idx.msk vm9, v56  }
0xb4: {  	v40 =	vadd.s32 v3, v57;
	[tilespmem:v39+s17+$0x0] =	vst.idx.msk vm9, v58  }
0xb5: {  	p2 =	sne.s32 s12, $0x190;
	v59 =	vadd.s32 s6, v10;
	[tilespmem:v50+s16+$0x0] =	vst.idx.msk vm11, v55  }
.Ltmp3:
0xb6: {  	[tilespmem:v50+s17+$0x0] =	vst.idx.msk vm11, v59;
	(pc) =	sbr.rel @p2 .LBB2_2-.Ltmp3, $4  }
0xb7: {  	s5 =	sadd.s32 $0xFA0, s5;
	v60 =	vadd.s32 s6, v11;
	[tilespmem:v38+s16+$0x0] =	vst.idx.msk vm13, v51  }
0xb8: {  	s7 =	simm.s32 $0x1;
	s0 =	sadd.s32 $0x4E200, s0;
	p1 =	seq.s32 s5, $0x4E20;
	[tilespmem:v38+s17+$0x0] =	vst.idx.msk vm13, v60  }
0xb9: {  	p0 =	por !p0, !p0;
	s7 =	simm.s32 @!p1 $0x0;
	s2 =	sadd.s32 $0x1, s1;
	v63 =	vadd.s32 s6, v12;
	v61 =	vsel vm13, $0x20, v2;
	v62 =	vsel vm15, $0x20, v2;
	[tilespmem:v40+s16+$0x0] =	vst.idx.msk vm15, v53  }
0xba: {  	s5 =	simm.s32 @p1 $0x0;
	s1 =	sadd.s32 s7, s1;
	s0 =	smov.u32 @p1 s2;
	v25 =	vadd.s32 v25, v61;
	v46 =	vadd.s32 v37, v62;
	[tilespmem:v40+s17+$0x0] =	vst.idx.msk vm15, v63  }
0xbb: {  	_ = 	snop  }
0xbc: {  	v38 =	vshra.s32 v25, $0x5;
	v37 =	vshra.s32 v46, $0x5  }
0xbd: {  	v25 =	vadd.s32 v38, v37  }
0xbe: {  	[tilespmem:$0x1C880] =	vst v25  }
0xbf: {  	v39 =	vld.idx.msk [tilespmem:v13+s18+$0x0], $0xffff;
	_ =	sdelay $0x4  }
0xc0: {  	v25 =	vadd.s32 v25, v39  }
0xc1: {  	[tilespmem:$0x1C880] =	vst v25  }
0xc2: {  	v57 =	vld.idx.msk [tilespmem:v14+s18+$0x0], $0xffff;
	_ =	sdelay $0x4  }
0xc3: {  	v25 =	vadd.s32 v25, v57  }
0xc4: {  	[tilespmem:$0x1C880] =	vst v25  }
0xc5: {  	v58 =	vld.idx.msk [tilespmem:v15+s18+$0x0], $0xffff;
	_ =	sdelay $0x4  }
0xc6: {  	vm0 =	vgt.s32 v38, v37;
	v25 =	vadd.s32 v25, v58  }
0xc7: {  	v40 =	vsel vm0, v38, v37;
	[tilespmem:$0x1C880] =	vst v25  }
0xc8: {  	v59 =	vld.idx.msk [tilespmem:v16+s18+$0x0], $0xffff;
	[tilespmem:$0x1C880] =	vst v40  }
0xc9: {  	v41 =	vld.idx.msk [tilespmem:v13+s18+$0x0], $0xffff;
	_ =	sdelay $0x4  }
0xca: {  	vm0 =	vgt.s32 v40, v41  }
0xcb: {  	v40 =	vsel vm0, v40, v41  }
0xcc: {  	[tilespmem:$0x1C880] =	vst v40  }
0xcd: {  	v60 =	vld.idx.msk [tilespmem:v14+s18+$0x0], $0xffff;
	_ =	sdelay $0x4  }
0xce: {  	vm0 =	vgt.s32 v40, v60  }
0xcf: {  	v40 =	vsel vm0, v40, v60  }
0xd0: {  	[tilespmem:$0x1C880] =	vst v40  }
0xd1: {  	v61 =	vld.idx.msk [tilespmem:v15+s18+$0x0], $0xffff;
	_ =	sdelay $0x4  }
0xd2: {  	vm0 =	vgt.s32 v40, v61  }
0xd3: {  	v40 =	vsel vm0, v40, v61  }
0xd4: {  	[tilespmem:$0x1C880] =	vst v40  }
0xd5: {  	v62 =	vld.idx.msk [tilespmem:v16+s18+$0x0], $0xffff;
	_ =	sdelay $0x3  }
0xd6: {  	v25 =	vadd.s32 v25, v59  }
0xd7: {  	(v2sf) =	vpush v25, $0x0;
	vm0 =	vgt.s32 v40, v62  }
0xd8: {  	v63 =	vsel vm0, v40, v62  }
0xd9: {  	(v2sf) =	vpush v63, $0x0;
	_ =	sdelay $0xc  }
0xda: {  	s7 =	spop (v2sf)  }
0xdb: {  	s0 =	sadd.s32 $0xFFFFEFFF, s7  }
0xdc: {  	p0 =	slt.u32 s0, $0xFFFFF12B;
	s8 =	spop (v2sf)  }
0xdd: {  	p1 =	slt.s32 @!p0 s8, $0x101  }
0xde: {  	p0 =	por p0, !p1  }
.Ltmp4:
0xdf: {  	_ = 	snop;
	(pc) =	sbr.rel @p0 .LBB2_7-.Ltmp4, $1  }
0xe0: {  	_ =	sdelay $0x3  }
.Ltmp5:
0xe1: {  	(pc) =	sbr.rel .LBB2_14-.Ltmp5, $2  }
0xe2: {  	_ =	sdelay $0x2  }
0xe3: {  	s14 =	simm.s32 $0x2;
	s15 =	rddreg [dreg:$0xe]  }
.LBB2_7:
0xe4: {  	p0 =	sgt.s32 s8, $0x100  }
0xe5: {  	p1 =	slt.s32 s7, $0x12C;
	s0 =	simm.s32 $0xC05CCCCD;
	s1 =	simm.s32 $0xC05CCCCD  }
0xe6: {  	s0 =	simm.s32 @!p1 $0xFFFFFFFF;
	p1 =	sgt.s32 s7, $0x1000;
	s1 =	simm.s32 @!p0 $0x0  }
0xe7: {  	s5 =	simm.s32 $0x0;
	s12 =	simm.s32 $0x0;
	s1 =	simm.s32 @p1 $0xC05CCCCD  }
.LBB2_8:
0xe8: {  	s2 =	ssub.s32 s0, s1  }
0xe9: {  	[tilespmem:s5], [sflag:$0x1] =	stream.linear.gather [hbm4b:s13+s5], $0xFA0, $0x38;
	[tilespmem:$0x1D200] =	vst v63  }
0xea: {  	s2 =	sshrl.u32 s2, $0x1  }
0xeb: {  	s6 =	sadd.s32 s1, s2  }
0xec: {  	s2 =	simm.s32 $0xFFFFFFFF;
	p0 =	sgt.s32 s6, $0xFFFFFFFF  }
0xed: {  	s2 =	simm.s32 @!p0 $0x80000000  }
0xee: {  	s2 =	sxor.u32 s6, s2  }
0xef: {  	s31 =	simm.s32 $0x0;
	s8 =	simm.s32 $0x0;
	v25 =	vmov s2  }
0xf0: {  	v40 =	vimm.s32 $0x0;
	s9 =	simm.s32 $0x0;
	s10 =	simm.s32 $0x0;
	p0 =	por $0x0, $0x0;
	v37 =	vbroadcast v25, $0x0;
	v25 =	vimm.s32 $0x0  }
.LBB2_9:
0xf1: {  	s2 =	simm.s32 $0x1;
	s7 =	smov.u32 s10  }
0xf2: {  	s10 =	sadd.s32 $0x1, s10;
	_ =	swait.ge [sflag:s21], $0xFA0;
	p1 =	seq.s32 s7, $0x18F  }
0xf3: {  	s2 =	simm.s32 @!p0 $0x0;
	s7 =	sand.u32 $0x1, s7;
	s15 =	smul.u32 @!p1 $0xFA0, s10  }
0xf4: {  	[sflag:s21] =	ssyncset.done $0x0;
	s14 =	smul.u32 $0x3E80, s2;
	s7 =	sxor.u32 @!p1 $0x1, s7  }
0xf5: {  	[sflag:s21] =	ssyncadd.s32 $0xFFFFF060;
	s7 =	smul.u32 @!p1 $0x3E80, s7;
	s15 =	sadd.s32 @!p1 s4, s15  }
0xf6: {  	s19 =	simm.s32 @!p1 $0x0;
	s14 =	sshrl.u32 s14, $0x2;
	s15 =	sshrl.u32 @!p1 s15, $0x3  }
0xf7: {  	s14 =	sadd.s32 $0x50, s14;
	s7 =	sshrl.u32 @!p1 s7, $0x2;
	s15 =	sadd.s32 @!p1 s3, s15  }
0xf8: {  	[tilespmem:s7], [sflag:$0x1] =	stream.linear.gather @!p1 [hbm4b:s15+s19], $0xFA0, $0x38;
	[tilespmem:$0x1D200] =	vst v63  }
0xf9: {  	v47 =	vld [tilespmem:s14+$0xFFFFFFD0]  }
0xfa: {  	v46 =	vld [tilespmem:s14+$0xFFFFFFB0]  }
0xfb: {  	v49 =	vld [tilespmem:s14+$0xFFFFFFC0]  }
0xfc: {  	vm0 =	vlt.s32 v25, $0x1FE0;
	vm1 =	vlt.s32 v40, $0x1FE0;
	v53 =	vadd.s32 s31, v5;
	v52 =	vld [tilespmem:s14+$0xFFFFFFE0]  }
0xfd: {  	v45 =	vadd.s32 s31, v6;
	v54 =	vadd.s32 s31, v1;
	v39 =	vnsel vm1, $0x1FE0, v40  }
0xfe: {  	v55 =	vadd.s32 s31, v4;
	v38 =	vnsel vm0, $0x1FE0, v25;
	v51 =	vadd.s32 v3, v39  }
0xff: {  	v50 =	vadd.s32 v0, v38;
	v39 =	vadd.s32 s31, v9;
	v44 =	vld [tilespmem:s14+$0xFFFFFFF0];
	vm0 =	vgt.f32 v46, v37  }
0x100: {  	s15 =	smul.u32 $0xFA0, s2;
	v42 =	vld [tilespmem:s14+$0x0];
	vm5 =	vgt.f32 v49, v37;
	vm3 =	vgt.f32 v47, v37;
	v41 =	vsel vm0, $0x20, v2  }
0x101: {  	vm4 =	vgt.f32 v52, v37;
	v43 =	vsel vm5, $0x20, v2;
	v25 =	vadd.s32 v25, v41  }
0x102: {  	v38 =	vld [tilespmem:s14+$0x40];
	s2 =	sadd.s32 $0x0, s15;
	v48 =	vsel vm3, $0x20, v2;
	v56 =	vadd.s32 v40, v43;
	vm1 =	vlt.s32 v25, $0x1FE0  }
0x103: {  	s2 =	sand.u32 $0x3FE0, s2;
	v41 =	vld [tilespmem:s14+$0x10];
	v57 =	vadd.s32 v25, v48;
	v25 =	vnsel vm1, $0x1FE0, v25;
	vm1 =	vlt.s32 v56, $0x1FE0  }
0x104: {  	v40 =	vld [tilespmem:s2+$0x80];
	vm2 =	vlt.s32 v57, $0x1FE0;
	v58 =	vadd.s32 v0, v25;
	v25 =	vnsel vm1, $0x1FE0, v56  }
0x105: {  	v43 =	vld [tilespmem:s14+$0x20];
	vm1 =	vgt.f32 v44, v37;
	v23 =	vnsel vm2, $0x1FE0, v57;
	vm2 =	vgt.f32 v42, v37;
	[tilespmem:v50+s16+$0x0] =	vst.idx.msk vm0, v46  }
0x106: {  	v48 =	vadd.s32 v3, v25;
	v25 =	vsel vm4, $0x20, v2;
	v60 =	vsel vm1, $0x20, v2;
	[tilespmem:v50+s17+$0x0] =	vst.idx.msk vm0, v54  }
0x107: {  	v46 =	vadd.s32 v0, v23;
	v62 =	vsel vm2, $0x20, v2;
	v25 =	vadd.s32 v56, v25;
	[tilespmem:v51+s16+$0x0] =	vst.idx.msk vm5, v49  }
0x108: {  	vm0 =	vgt.f32 v41, v37;
	v50 =	vadd.s32 v57, v60;
	vm6 =	vlt.s32 v25, $0x1FE0;
	[tilespmem:v51+s17+$0x0] =	vst.idx.msk vm5, v55  }
0x109: {  	v61 =	vnsel vm6, $0x1FE0, v25;
	vm5 =	vlt.s32 v50, $0x1FE0;
	v51 =	vsel vm0, $0x20, v2;
	[tilespmem:v58+s16+$0x0] =	vst.idx.msk vm3, v47  }
0x10a: {  	v25 =	vadd.s32 v25, v62;
	v49 =	vadd.s32 v3, v61;
	v63 =	vnsel vm5, $0x1FE0, v50;
	[tilespmem:v58+s17+$0x0] =	vst.idx.msk vm3, v53  }
0x10b: {  	s7 =	smov.u32 s31;
	s19 =	smov.u32 s31;
	s2 =	simm.s32 $0xA0;
	vm5 =	vlt.s32 v25, $0x1FE0;
	vm3 =	vgt.f32 v43, v37;
	v47 =	vadd.s32 v0, v63;
	[tilespmem:v48+s16+$0x0] =	vst.idx.msk vm4, v52  }
.LBB2_10:
0x10c: {  	p1 =	sne.s32 s2, $0xF00;
	v52 =	vsel vm3, $0x20, v2;
	[tilespmem:v48+s17+$0x0] =	vst.idx.msk vm4, v45;
	v45 =	vadd.s32 s7, v7;
	v48 =	vadd.s32 s7, v8;
	s19 =	sadd.s32 $0x3200, s19;
	s14 =	sadd.s32 $0xA0, s14  }
0x10d: {  	vm4 =	vgt.f32 v38, v37;
	v50 =	vadd.s32 v50, v51;
	v51 =	vnsel vm5, $0x1FE0, v25;
	s20 =	smov.u32 s2;
	s2 =	sadd.s32 $0xA0, s2;
	[tilespmem:v46+s16+$0x0] =	vst.idx.msk vm1, v44  }
0x10e: {  	v44 =	vadd.s32 v3, v51;
	vm5 =	vlt.s32 v50, $0x1FE0;
	v51 =	vsel vm4, $0x20, v2;
	[tilespmem:v46+s17+$0x0] =	vst.idx.msk vm1, v45  }
0x10f: {  	v25 =	vadd.s32 v25, v52;
	vm1 =	vgt.f32 v40, v37;
	v45 =	vnsel vm5, $0x1FE0, v50;
	[tilespmem:v49+s16+$0x0] =	vst.idx.msk vm2, v42  }
0x110: {  	vm5 =	vlt.s32 v25, $0x1FE0;
	v42 =	vadd.s32 v0, v45;
	v45 =	vsel vm1, $0x20, v2;
	[tilespmem:v49+s17+$0x0] =	vst.idx.msk vm2, v48  }
0x111: {  	v46 =	vadd.s32 v50, v45;
	v45 =	vnsel vm5, $0x1FE0, v25;
	v25 =	vadd.s32 v25, v51;
	[tilespmem:v47+s16+$0x0] =	vst.idx.msk vm0, v41  }
0x112: {  	vm2 =	vlt.s32 v46, $0x1FE0;
	vm5 =	vlt.s32 v25, $0x1FE0;
	v41 =	vadd.s32 v3, v45;
	[tilespmem:v47+s17+$0x0] =	vst.idx.msk vm0, v39  }
0x113: {  	v39 =	vnsel vm2, $0x1FE0, v46;
	v45 =	vnsel vm5, $0x1FE0, v25;
	[tilespmem:v44+s16+$0x0] =	vst.idx.msk vm3, v43;
	v43 =	vadd.s32 s7, v10  }
0x114: {  	v47 =	vadd.s32 v3, v45;
	[tilespmem:v44+s17+$0x0] =	vst.idx.msk vm3, v43  }
0x115: {  	v49 =	vadd.s32 v0, v39;
	v39 =	vadd.s32 s7, v11;
	[tilespmem:v42+s16+$0x0] =	vst.idx.msk vm1, v40  }
0x116: {  	[tilespmem:v42+s17+$0x0] =	vst.idx.msk vm1, v39  }
0x117: {  	s20 =	sadd.s32 s20, s15;
	[tilespmem:v41+s16+$0x0] =	vst.idx.msk vm4, v38;
	v38 =	vadd.s32 s7, v12;
	s7 =	smov.u32 s19  }
0x118: {  	s20 =	sand.u32 $0x3FE0, s20;
	[tilespmem:v41+s17+$0x0] =	vst.idx.msk vm4, v38  }
0x119: {  	v52 =	vld [tilespmem:s14+$0xFFFFFFD0]  }
0x11a: {  	v50 =	vld [tilespmem:s14+$0xFFFFFFB0]  }
0x11b: {  	v51 =	vld [tilespmem:s14+$0xFFFFFFC0];
	_ =	sdelay $0x2  }
0x11c: {  	v54 =	vadd.s32 s19, v5;
	v45 =	vadd.s32 s19, v6;
	v39 =	vadd.s32 s19, v9;
	v53 =	vld [tilespmem:s14+$0xFFFFFFE0]  }
0x11d: {  	v55 =	vadd.s32 s19, v1;
	v56 =	vadd.s32 s19, v4;
	v44 =	vld [tilespmem:s14+$0xFFFFFFF0];
	vm0 =	vgt.f32 v50, v37  }
0x11e: {  	vm3 =	vgt.f32 v52, v37;
	v38 =	vld [tilespmem:s14+$0x40];
	vm5 =	vgt.f32 v51, v37;
	v40 =	vsel vm0, $0x20, v2  }
0x11f: {  	v42 =	vld [tilespmem:s14+$0x0];
	v43 =	vadd.s32 v46, v40;
	v40 =	vsel vm5, $0x20, v2;
	v46 =	vsel vm3, $0x20, v2  }
0x120: {  	v41 =	vld [tilespmem:s14+$0x10];
	v25 =	vadd.s32 v25, v40;
	vm1 =	vlt.s32 v43, $0x1FE0;
	v57 =	vadd.s32 v43, v46  }
0x121: {  	v40 =	vld [tilespmem:s20+$0x80];
	v46 =	vnsel vm1, $0x1FE0, v43;
	vm1 =	vlt.s32 v25, $0x1FE0;
	vm2 =	vlt.s32 v57, $0x1FE0  }
0x122: {  	vm4 =	vgt.f32 v53, v37;
	v43 =	vld [tilespmem:s14+$0x20];
	v58 =	vadd.s32 v0, v46;
	v46 =	vnsel vm1, $0x1FE0, v25  }
0x123: {  	vm1 =	vgt.f32 v44, v37;
	v48 =	vadd.s32 v3, v46;
	v46 =	vsel vm4, $0x20, v2;
	[tilespmem:v49+s16+$0x0] =	vst.idx.msk vm0, v50  }
0x124: {  	v50 =	vsel vm1, $0x20, v2;
	v25 =	vadd.s32 v25, v46;
	v46 =	vnsel vm2, $0x1FE0, v57;
	[tilespmem:v49+s17+$0x0] =	vst.idx.msk vm0, v55  }
.Ltmp6:
0x125: {  	vm0 =	vgt.f32 v41, v37;
	v46 =	vadd.s32 v0, v46;
	vm6 =	vlt.s32 v25, $0x1FE0;
	[tilespmem:v47+s16+$0x0] =	vst.idx.msk vm5, v51;
	(pc) =	sbr.rel @p1 .LBB2_10-.Ltmp6, $4  }
0x126: {  	vm2 =	vgt.f32 v42, v37;
	v50 =	vadd.s32 v57, v50;
	v49 =	vnsel vm6, $0x1FE0, v25;
	[tilespmem:v47+s17+$0x0] =	vst.idx.msk vm5, v56  }
0x127: {  	v47 =	vsel vm2, $0x20, v2;
	vm5 =	vlt.s32 v50, $0x1FE0;
	v51 =	vsel vm0, $0x20, v2;
	[tilespmem:v58+s16+$0x0] =	vst.idx.msk vm3, v52  }
0x128: {  	v49 =	vadd.s32 v3, v49;
	v25 =	vadd.s32 v25, v47;
	v47 =	vnsel vm5, $0x1FE0, v50;
	[tilespmem:v58+s17+$0x0] =	vst.idx.msk vm3, v54  }
0x129: {  	vm3 =	vgt.f32 v43, v37;
	v47 =	vadd.s32 v0, v47;
	vm5 =	vlt.s32 v25, $0x1FE0;
	[tilespmem:v48+s16+$0x0] =	vst.idx.msk vm4, v53  }
0x12a: {  	_ =	sdelay $0x4  }
0x12b: {  	v52 =	vsel vm3, $0x20, v2;
	[tilespmem:v48+s17+$0x0] =	vst.idx.msk vm4, v45  }
0x12c: {  	v53 =	vadd.s32 s7, v7;
	v54 =	vadd.s32 v50, v51;
	v55 =	vnsel vm5, $0x1FE0, v25;
	[tilespmem:v46+s16+$0x0] =	vst.idx.msk vm1, v44  }
0x12d: {  	v56 =	vadd.s32 s7, v8;
	v50 =	vadd.s32 v3, v55;
	vm12 =	vlt.s32 v54, $0x1FE0;
	[tilespmem:v46+s17+$0x0] =	vst.idx.msk vm1, v53  }
0x12e: {  	vm13 =	vgt.f32 v40, v37;
	v57 =	vadd.s32 v25, v52;
	v25 =	vnsel vm12, $0x1FE0, v54;
	[tilespmem:v49+s16+$0x0] =	vst.idx.msk vm2, v42  }
0x12f: {  	vm14 =	vlt.s32 v57, $0x1FE0;
	v25 =	vadd.s32 v0, v25;
	[tilespmem:v49+s17+$0x0] =	vst.idx.msk vm2, v56  }
0x130: {  	vm15 =	vgt.f32 v38, v37;
	v58 =	vnsel vm14, $0x1FE0, v57;
	[tilespmem:v47+s16+$0x0] =	vst.idx.msk vm0, v41  }
0x131: {  	v59 =	vadd.s32 v3, v58;
	[tilespmem:v47+s17+$0x0] =	vst.idx.msk vm0, v39  }
0x132: {  	v60 =	vadd.s32 s7, v10;
	p2 =	sne.s32 s10, $0x190;
	[tilespmem:v50+s16+$0x0] =	vst.idx.msk vm3, v43  }
.Ltmp7:
0x133: {  	[tilespmem:v50+s17+$0x0] =	vst.idx.msk vm3, v60;
	(pc) =	sbr.rel @p2 .LBB2_9-.Ltmp7, $4  }
0x134: {  	s9 =	sadd.s32 $0xFA0, s9;
	v61 =	vadd.s32 s7, v11;
	[tilespmem:v25+s16+$0x0] =	vst.idx.msk vm13, v40  }
0x135: {  	s2 =	sadd.s32 $0x1, s8;
	s14 =	simm.s32 $0x1;
	p1 =	seq.s32 s9, $0x4E20;
	[tilespmem:v25+s17+$0x0] =	vst.idx.msk vm13, v61  }
0x136: {  	s31 =	sadd.s32 $0x4E200, s31;
	v62 =	vadd.s32 s7, v12;
	p0 =	por !p0, !p0;
	v63 =	vsel vm15, $0x20, v2;
	s14 =	simm.s32 @!p1 $0x0;
	v25 =	vsel vm13, $0x20, v2;
	[tilespmem:v59+s16+$0x0] =	vst.idx.msk vm15, v38  }
0x137: {  	s31 =	smov.u32 @p1 s2;
	s9 =	simm.s32 @p1 $0x0;
	s8 =	sadd.s32 s14, s8;
	v40 =	vadd.s32 v57, v63;
	v25 =	vadd.s32 v54, v25;
	[tilespmem:v59+s17+$0x0] =	vst.idx.msk vm15, v62  }
0x138: {  	_ = 	snop  }
0x139: {  	v25 =	vshra.s32 v25, $0x5;
	v37 =	vshra.s32 v40, $0x5  }
0x13a: {  	v38 =	vadd.s32 v25, v37  }
0x13b: {  	[tilespmem:$0x1C880] =	vst v38  }
0x13c: {  	v39 =	vld.idx.msk [tilespmem:v13+s18+$0x0], $0xffff;
	_ =	sdelay $0x4  }
0x13d: {  	v38 =	vadd.s32 v38, v39  }
0x13e: {  	[tilespmem:$0x1C880] =	vst v38  }
0x13f: {  	v57 =	vld.idx.msk [tilespmem:v14+s18+$0x0], $0xffff;
	_ =	sdelay $0x4  }
0x140: {  	v38 =	vadd.s32 v38, v57  }
0x141: {  	[tilespmem:$0x1C880] =	vst v38  }
0x142: {  	v58 =	vld.idx.msk [tilespmem:v15+s18+$0x0], $0xffff;
	_ =	sdelay $0x4  }
0x143: {  	vm0 =	vgt.s32 v25, v37;
	v38 =	vadd.s32 v38, v58  }
0x144: {  	v40 =	vsel vm0, v25, v37;
	[tilespmem:$0x1C880] =	vst v38  }
0x145: {  	v59 =	vld.idx.msk [tilespmem:v16+s18+$0x0], $0xffff;
	[tilespmem:$0x1C880] =	vst v40  }
0x146: {  	v41 =	vld.idx.msk [tilespmem:v13+s18+$0x0], $0xffff;
	_ =	sdelay $0x4  }
0x147: {  	vm0 =	vgt.s32 v40, v41  }
0x148: {  	v40 =	vsel vm0, v40, v41  }
0x149: {  	[tilespmem:$0x1C880] =	vst v40  }
0x14a: {  	v60 =	vld.idx.msk [tilespmem:v14+s18+$0x0], $0xffff;
	_ =	sdelay $0x4  }
0x14b: {  	vm0 =	vgt.s32 v40, v60  }
0x14c: {  	v40 =	vsel vm0, v40, v60  }
0x14d: {  	[tilespmem:$0x1C880] =	vst v40  }
0x14e: {  	v61 =	vld.idx.msk [tilespmem:v15+s18+$0x0], $0xffff;
	_ =	sdelay $0x4  }
0x14f: {  	vm0 =	vgt.s32 v40, v61  }
0x150: {  	v40 =	vsel vm0, v40, v61  }
0x151: {  	[tilespmem:$0x1C880] =	vst v40  }
0x152: {  	v62 =	vld.idx.msk [tilespmem:v16+s18+$0x0], $0xffff;
	_ =	sdelay $0x4  }
0x153: {  	v38 =	vadd.s32 v38, v59;
	vm0 =	vgt.s32 v40, v62  }
0x154: {  	(v2sf) =	vpush v38, $0x0;
	v63 =	vsel vm0, v40, v62  }
0x155: {  	(v2sf) =	vpush v63, $0x0;
	_ =	sdelay $0xd  }
0x156: {  	s7 =	spop (v2sf)  }
0x157: {  	s2 =	sadd.s32 $0xFFFFEFFF, s7;
	s8 =	spop (v2sf)  }
0x158: {  	p1 =	sgt.u32 s2, $0xFFFFF12A;
	p0 =	slt.s32 s8, $0x101  }
0x159: {  	p0 =	por !p1, !p0  }
0x15a: {  	p1 =	sgt.s32 s8, $0x100;
	p0 =	por !p0, !p0  }
0x15b: {  	s1 =	smov.u32 @p1 s6;
	p1 =	slt.u32 @!p0 s12, $0x27  }
0x15c: {  	p1 =	por p0, !p1  }
.Ltmp8:
0x15d: {  	_ = 	snop;
	(pc) =	sbr.rel @!p1 .LBB2_8-.Ltmp8, $3  }
0x15e: {  	_ =	sdelay $0x1  }
0x15f: {  	p2 =	sgt.s32 s7, $0x1000;
	p3 =	slt.s32 s7, $0x12C  }
0x160: {  	s0 =	smov.u32 @p3 s6;
	s12 =	sadd.s32 $0x1, s12;
	s1 =	smov.u32 @p2 s6  }
0x161: {  	s7 =	smov.u32 @p0 s7;
	s8 =	smov.u32 @p0 s8  }
0x162: {  	v38 =	vpsel p0, v25, v25;
	v37 =	vpsel p0, v37, v37;
	s20 =	simm.s32 $0x0;
	s14 =	simm.s32 $0x2;
	s15 =	rddreg [dreg:$0xe]  }
.LBB2_14:
0x163: {  	s0 =	simm.s32 $0x40;
	s1 =	simm.s32 $0x0  }
.LBB2_15:
0x164: {  	p0 =	sne.s32 s0, $0x3FC0;
	[tilespmem:s1+$0x5F80] =	vst v18;
	s2 =	smov.u32 s0;
	s0 =	sadd.s32 $0x40, s0  }
.Ltmp9:
0x165: {  	[tilespmem:s1+$0x6F80] =	vst v19;
	(pc) =	sbr.rel @p0 .LBB2_15-.Ltmp9, $2  }
0x166: {  	_ =	sdelay $0x2  }
0x167: {  	s1 =	sshra.s32 s2, $0x2  }
0x168: {  	_ = 	snop  }
0x169: {  	[tilespmem:s1+$0x5F80] =	vst v18  }
0x16a: {  	[tilespmem:s1+$0x6F80] =	vst v19  }
0x16b: {  	[tilespmem:$0x1C880] =	vst v38  }
0x16c: {  	v25 =	vld.idx.msk [tilespmem:v13+s18+$0x0], $0xffff;
	_ =	sdelay $0x4  }
0x16d: {  	v25 =	vadd.s32 v38, v25  }
0x16e: {  	[tilespmem:$0x1C880] =	vst v25  }
0x16f: {  	v39 =	vld.idx.msk [tilespmem:v14+s18+$0x0], $0xffff;
	_ =	sdelay $0x4  }
0x170: {  	v25 =	vadd.s32 v25, v39  }
0x171: {  	v17 =	vld [tilespmem:$0x1FF70];
	[tilespmem:$0x1C880] =	vst v25  }
0x172: {  	v61 =	vld.idx.msk [tilespmem:v15+s18+$0x0], $0xffff;
	_ =	sdelay $0x4  }
0x173: {  	v25 =	vadd.s32 v25, v61  }
0x174: {  	v20 =	vld [tilespmem:$0x1FFA0];
	[tilespmem:$0x1C880] =	vst v25  }
0x175: {  	v39 =	vld.idx.msk [tilespmem:v16+s18+$0x0], $0xffff;
	[tilespmem:$0x1C880] =	vst v38  }
0x176: {  	v40 =	vld.idx.msk [tilespmem:v17+s18+$0x0], $0xffff;
	_ =	sdelay $0x3  }
0x177: {  	vm0 =	veq.s32 v0, $0x0  }
0x178: {  	v40 =	vsel vm0, $0x0, v40  }
0x179: {  	v40 =	vadd.s32 v38, v40  }
0x17a: {  	v21 =	vld [tilespmem:$0x1FFB0];
	[tilespmem:$0x1C880] =	vst v40  }
0x17b: {  	v41 =	vld.idx.msk [tilespmem:v20+s18+$0x0], $0xffff;
	_ =	sdelay $0x3  }
0x17c: {  	vm1 =	vmmov $0x3  }
0x17d: {  	v41 =	vsel vm1, $0x0, v41  }
0x17e: {  	v40 =	vadd.s32 v40, v41  }
0x17f: {  	v22 =	vld [tilespmem:$0x1FFC0];
	[tilespmem:$0x1C880] =	vst v40  }
0x180: {  	v62 =	vld.idx.msk [tilespmem:v21+s18+$0x0], $0xffff;
	_ =	sdelay $0x3  }
0x181: {  	vm2 =	vmmov $0xf  }
0x182: {  	v41 =	vsel vm2, $0x0, v62  }
0x183: {  	v40 =	vadd.s32 v40, v41  }
0x184: {  	[tilespmem:$0x1C880] =	vst v40  }
0x185: {  	v41 =	vld.idx.msk [tilespmem:v22+s18+$0x0], $0xffff;
	[tilespmem:$0x1C880] =	vst v37  }
0x186: {  	v42 =	vld.idx.msk [tilespmem:v17+s18+$0x0], $0xffff;
	_ =	sdelay $0x4  }
0x187: {  	v42 =	vsel vm0, $0x0, v42  }
0x188: {  	v42 =	vadd.s32 v37, v42  }
0x189: {  	[tilespmem:$0x1C880] =	vst v42  }
0x18a: {  	v43 =	vld.idx.msk [tilespmem:v20+s18+$0x0], $0xffff;
	_ =	sdelay $0x4  }
0x18b: {  	v43 =	vsel vm1, $0x0, v43  }
0x18c: {  	v42 =	vadd.s32 v42, v43  }
0x18d: {  	[tilespmem:$0x1C880] =	vst v42  }
0x18e: {  	v63 =	vld.idx.msk [tilespmem:v21+s18+$0x0], $0xffff;
	_ =	sdelay $0x1  }
0x18f: {  	p0 =	slt.s32 s8, $0x1  }
.Ltmp10:
0x190: {  	_ = 	snop;
	(pc) =	sbr.rel @p0 .LBB2_24-.Ltmp10, $4  }
0x191: {  	_ = 	snop  }
0x192: {  	v43 =	vsel vm2, $0x0, v63  }
0x193: {  	v42 =	vadd.s32 v42, v43  }
0x194: {  	[tilespmem:$0x1C880] =	vst v42  }
0x195: {  	v17 =	vld [tilespmem:$0x1FFC0];
	_ =	sdelay $0x7  }
0x196: {  	p0 =	slt.s32 s8, $0x100;
	v43 =	vld.idx.msk [tilespmem:v17+s18+$0x0], $0xffff  }
0x197: {  	s8 =	simm.s32 @!p0 $0x100  }
0x198: {  	p1 =	sne.s32 s8, $0x1  }
.Ltmp11:
0x199: {  	_ = 	snop;
	(pc) =	sbr.rel @!p1 .LBB2_18-.Ltmp11, $4  }
0x19a: {  	vm0 =	vmmov $0xff;
	v39 =	vadd.s32 v42, v39;
	v40 =	vsub.s32 v40, v38  }
0x19b: {  	s6 =	simm.s32 $0x0;
	v25 =	vsub.s32 v25, v37;
	v41 =	vsel vm0, $0x0, v41;
	v63 =	vsel vm0, $0x0, v43  }
0x19c: {  	s0 =	simm.s32 $0x3F90;
	v40 =	vadd.s32 v41, v40;
	vm0 =	vgt.s32 v38, s6;
	v39 =	vadd.s32 v63, v39  }
0x19d: {  	s1 =	simm.s32 $0x1F90;
	s2 =	simm.s32 $0x1;
	p0 =	por $0x0, $0x0;
	vm0 =	vmmov vm0;
	v39 =	vadd.s32 v39, v25;
	v25 =	vadd.s32 s6, v40  }
0x19e: {  	vm1 =	vlt.s32 v25, $0xFFF  }
0x19f: {  	v41 =	vld [tilespmem:s1+$0xFFFFFFF0];
	v25 =	vnsel vm1, $0xFFF, v25  }
0x1a0: {  	v42 =	vld [tilespmem:s0+$0xFFFFFFF0];
	_ =	sdelay $0x3  }
0x1a1: {  	v63 =	vadd.s32 s6, v39;
	[tilespmem:v25+s22+$0x0] =	vst.idx.msk vm0, v41  }
0x1a2: {  	vm1 =	vgt.s32 v37, s6;
	[tilespmem:v25+s23+$0x0] =	vst.idx.msk vm0, v42;
	vm0 =	vlt.s32 v63, $0xFFF  }
0x1a3: {  	p1 =	sne.s32 s8, $0x2;
	v43 =	vld [tilespmem:s1+$0x0];
	v41 =	vnsel vm0, $0xFFF, v63  }
.Ltmp12:
0x1a4: {  	_ = 	snop;
	(pc) =	sbr.rel @!p1 .LBB2_20-.Ltmp12, $3  }
0x1a5: {  	v42 =	vld [tilespmem:s0+$0x0];
	_ =	sdelay $0x1  }
0x1a6: {  	p0 =	por $0x1, $0x1;
	vm0 =	vgt.s32 v38, s2  }
0x1a7: {  	s5 =	simm.s32 $0x3F90;
	s9 =	simm.s32 $0x1F90;
	s6 =	simm.s32 $0x2;
	v25 =	vadd.s32 s2, v40;
	vm0 =	vmmov vm0;
	[tilespmem:v41+s22+$0x0] =	vst.idx.msk vm1, v43  }
.LBB2_21:
0x1a8: {  	s5 =	sadd.s32 $0x20, s5  }
0x1a9: {  	vm2 =	vgt.s32 v38, s6;
	vm3 =	vlt.s32 v25, $0xFFF;
	[tilespmem:v41+s23+$0x0] =	vst.idx.msk vm1, v42;
	s9 =	sadd.s32 $0x20, s9;
	s10 =	smov.u32 s6;
	s6 =	sadd.s32 $0x1, s6  }
0x1aa: {  	p1 =	sne.s32 s8, s6;
	v41 =	vld [tilespmem:s9+$0xFFFFFFF0];
	v25 =	vnsel vm3, $0xFFF, v25  }
0x1ab: {  	v42 =	vld [tilespmem:s5+$0xFFFFFFF0];
	_ =	sdelay $0x3  }
0x1ac: {  	[tilespmem:v25+s22+$0x0] =	vst.idx.msk vm0, v41;
	v41 =	vadd.s32 s2, v39  }
0x1ad: {  	vm1 =	vgt.s32 v37, s2;
	s2 =	smov.u32 s10;
	[tilespmem:v25+s23+$0x0] =	vst.idx.msk vm0, v42;
	vm3 =	vlt.s32 v41, $0xFFF;
	vm0 =	vmmov vm2  }
0x1ae: {  	v43 =	vld [tilespmem:s9+$0x0];
	v41 =	vnsel vm3, $0xFFF, v41  }
.Ltmp13:
0x1af: {  	v42 =	vld [tilespmem:s5+$0x0];
	(pc) =	sbr.rel @p1 .LBB2_21-.Ltmp13, $2  }
0x1b0: {  	_ =	sdelay $0x2  }
0x1b1: {  	v25 =	vadd.s32 s2, v40;
	[tilespmem:v41+s22+$0x0] =	vst.idx.msk vm1, v43  }
0x1b2: {  	s6 =	smov.u32 s2  }
.LBB2_23:
0x1b3: {  	_ =	sdelay $0x3  }
0x1b4: {  	s2 =	sadd.s32 @p0 $0x20, s9  }
0x1b5: {  	vm2 =	vlt.s32 v25, $0xFFF;
	[tilespmem:v41+s23+$0x0] =	vst.idx.msk @p0 vm1, v42;
	s5 =	sadd.s32 @p0 $0x20, s5;
	s1 =	smov.u32 @p0 s2  }
0x1b6: {  	v25 =	vnsel vm2, $0xFFF, v25;
	s0 =	smov.u32 @p0 s5;
	v38 =	vld [tilespmem:s1+$0xFFFFFFF0]  }
0x1b7: {  	v40 =	vld [tilespmem:s0+$0xFFFFFFF0];
	_ =	sdelay $0x3  }
0x1b8: {  	v61 =	vadd.s32 s6, v39;
	[tilespmem:v25+s22+$0x0] =	vst.idx.msk vm0, v38  }
0x1b9: {  	vm14 =	vgt.s32 v37, s6;
	vm15 =	vlt.s32 v61, $0xFFF;
	[tilespmem:v25+s23+$0x0] =	vst.idx.msk vm0, v40  }
0x1ba: {  	v62 =	vnsel vm15, $0xFFF, v61;
	v25 =	vld [tilespmem:s1+$0x0]  }
0x1bb: {  	v63 =	vld [tilespmem:s0+$0x0];
	_ =	sdelay $0x3  }
0x1bc: {  	[tilespmem:v62+s22+$0x0] =	vst.idx.msk vm14, v25  }
0x1bd: {  	[tilespmem:v62+s23+$0x0] =	vst.idx.msk vm14, v63  }
.LBB2_24:
0x1be: {  	p0 =	slt.s32 s7, $0x1000  }
0x1bf: {  	p1 =	slt.s32 s7, $0xFFFFFFF2;
	s7 =	simm.s32 @!p0 $0x1000  }
0x1c0: {  	s0 =	sadd.s32 $0xF, s7  }
0x1c1: {  	s1 =	sand.u32 $0xF, s0  }
0x1c2: {  	s2 =	sshra.s32 s0, $0x1F;
	p6 =	sne.s32 s1, $0x0  }
0x1c3: {  	s31 =	sshrl.u32 s2, $0x1C;
	p0 =	por !p1, !p6  }
0x1c4: {  	s1 =	simm.s32 $0x1;
	s0 =	sadd.s32 s31, s0;
	p0 =	por !p0, !p0  }
0x1c5: {  	s0 =	sshra.s32 s0, $0x4;
	s1 =	simm.s32 @!p0 $0x0  }
0x1c6: {  	s0 =	ssub.s32 s0, s1  }
0x1c7: {  	p0 =	slt.s32 s0, $0x1  }
.Ltmp14:
0x1c8: {  	_ = 	snop;
	(pc) =	sbr.rel @!p0 .LBB2_25-.Ltmp14, $4  }
.Ltmp15:
0x1c9: {  	_ = 	snop;
	(pc) =	sbr.rel @p0 .LBB2_32-.Ltmp15, $4  }
0x1ca: {  	_ = 	snop  }
0x1cb: {  	_ = 	snop  }
0x1cc: {  	s12 =	simm.s32 $0x0;
	s1 =	simm.s32 $0x0  }
0x1cd: {  	_ = 	snop  }
.LBB2_26:
.Ltmp16:
0x1ce: {  	(pc) =	sbr.rel .LBB2_28-.Ltmp16, $2  }
0x1cf: {  	_ =	sdelay $0x2  }
0x1d0: {  	s6 =	simm.s32 $0x0  }
.LBB2_25:
0x1d1: {  	v21 =	vld [tilespmem:$0x1FFD0]  }
0x1d2: {  	v22 =	vld [tilespmem:$0x1FFE0]  }
0x1d3: {  	v17 =	vld [tilespmem:$0x1FFF0];
	_ =	sdelay $0x1  }
0x1d4: {  	v44 =	vor.u32 s1, v0;
	_ =	sdelay $0x1  }
0x1d5: {  	v20 =	vld [tilespmem:$0x1FF80];
	v25 =	vcombine.low v22, v21  }
0x1d6: {  	s5 =	sshll.u32 s12, $0x4;
	v37 =	vcombine.low v29, v17;
	v52 =	vcombine.low v17, v29;
	v17 =	vld [tilespmem:$0x1FF90]  }
0x1d7: {  	v38 =	vld [tilespmem:s5+$0x6F80]  }
0x1d8: {  	v49 =	vld.idx.msk [tilespmem:v44+s22+$0x0], $0xffff;
	v40 =	vand.u32 $0xF, v25  }
0x1d9: {  	v55 =	vld.idx.msk [tilespmem:v44+s23+$0x0], $0xffff;
	v41 =	vand.u32 $0xF, v37;
	v25 =	vor.u32 s1, v40  }
0x1da: {  	v42 =	vcombine.low v31, v30;
	v39 =	vcombine.low v33, v34;
	v37 =	vld [tilespmem:s5+$0x5F80];
	v47 =	vor.u32 s1, v41  }
0x1db: {  	v50 =	vimm.s32 $0x0;
	v43 =	vcombine.low v32, v17;
	v45 =	vcombine.low v17, v32;
	v17 =	vld [tilespmem:$0x1FF60]  }
0x1dc: {  	v53 =	vcombine.low v30, v31;
	v59 =	vcombine.low v34, v33;
	v42 =	vand.u32 $0xF, v42  }
0x1dd: {  	v62 =	vor.u32 s1, v16;
	v48 =	vor.u32 s1, v42;
	v54 =	vcombine.low v35, v20  }
0x1de: {  	v56 =	vcombine.low v21, v22;
	v61 =	vcombine.low v20, v35;
	v44 =	vand.u32 $0xF, v45;
	v51 =	vld.idx.msk [tilespmem:v25+s23+$0x0], $0xffff  }
0x1df: {  	v52 =	vand.u32 $0xF, v52;
	vm3 =	vlt.s32 v55, v38;
	v57 =	vld.idx.msk [tilespmem:v47+s23+$0x0], $0xffff;
	v58 =	vor.u32 s1, v44  }
0x1e0: {  	v43 =	vand.u32 $0xF, v43;
	vm0 =	vgt.f32 v49, v37;
	v25 =	vld.idx.msk [tilespmem:v25+s22+$0x0], $0xffff;
	v46 =	vcombine.low v36, v17  }
0x1e1: {  	vm1 =	veq.f32 v49, v37;
	v63 =	vld.idx.msk [tilespmem:v47+s22+$0x0], $0xffff;
	v47 =	vand.u32 $0xF, v59;
	v59 =	vor.u32 s1, v43  }
0x1e2: {  	vm1 =	vmand vm1, vm3;
	v45 =	vand.u32 $0xF, v46;
	v46 =	vand.u32 $0xF, v54;
	v54 =	vld.idx.msk [tilespmem:v48+s22+$0x0], $0xffff  }
0x1e3: {  	v23 =	vor.u32 s1, v47;
	vm0 =	vmor vm0, vm1;
	vm2 =	vlt.s32 v51, v38;
	v51 =	vld.idx.msk [tilespmem:v48+s23+$0x0], $0xffff  }
0x1e4: {  	v49 =	vand.u32 $0xF, v53;
	v53 =	vsel vm0, $0x1, v2;
	vm3 =	vlt.s32 v57, v38;
	v57 =	vld.idx.msk [tilespmem:v58+s22+$0x0], $0xffff  }
0x1e5: {  	v60 =	vor.u32 s1, v45;
	vm1 =	vgt.f32 v25, v37;
	vm4 =	veq.f32 v25, v37;
	v25 =	vld.idx.msk [tilespmem:v58+s23+$0x0], $0xffff  }
0x1e6: {  	v53 =	vadd.s32 v53, v50;
	v50 =	vand.u32 $0xF, v56;
	v21 =	vor.u32 s1, v46;
	v56 =	vld.idx.msk [tilespmem:v59+s22+$0x0], $0xffff  }
0x1e7: {  	v48 =	vand.u32 $0xF, v61;
	vm6 =	vgt.f32 v63, v37;
	vm8 =	veq.f32 v63, v37;
	v63 =	vld.idx.msk [tilespmem:v62+s23+$0x0], $0xffff  }
0x1e8: {  	v20 =	vor.u32 s1, v49;
	v24 =	vcombine.low v17, v36;
	v61 =	vor.u32 s1, v48;
	v22 =	vld.idx.msk [tilespmem:v23+s22+$0x0], $0xffff  }
0x1e9: {  	v55 =	vor.u32 s1, v50;
	vm2 =	vmand vm4, vm2;
	v23 =	vld.idx.msk [tilespmem:v23+s23+$0x0], $0xffff;
	vm3 =	vmand vm8, vm3  }
0x1ea: {  	vm1 =	vmor vm1, vm2;
	vm3 =	vmor vm6, vm3;
	vm0 =	veq.f32 v54, v37;
	v17 =	vld.idx.msk [tilespmem:v60+s22+$0x0], $0xffff  }
0x1eb: {  	vm4 =	vgt.f32 v54, v37;
	v60 =	vld.idx.msk [tilespmem:v60+s23+$0x0], $0xffff;
	vm2 =	vlt.s32 v51, v38;
	v51 =	vsel vm1, $0x1, v2  }
0x1ec: {  	vm5 =	vgt.f32 v57, v37;
	vm9 =	vlt.s32 v25, v38;
	v54 =	vld.idx.msk [tilespmem:v21+s22+$0x0], $0xffff;
	vm0 =	vmand vm0, vm2  }
0x1ed: {  	v53 =	vadd.s32 v51, v53;
	vm2 =	veq.f32 v57, v37;
	v26 =	vld.idx.msk [tilespmem:v61+s22+$0x0], $0xffff;
	v51 =	vand.u32 $0xF, v24  }
0x1ee: {  	p0 =	sne.s32 s0, $0x1;
	v58 =	vld.idx.msk [tilespmem:v61+s23+$0x0], $0xffff;
	vm8 =	vlt.s32 v23, v38;
	vm9 =	vmand vm2, vm9;
	vm2 =	veq.f32 v56, v37  }
.Ltmp17:
0x1ef: {  	v61 =	vld.idx.msk [tilespmem:v62+s22+$0x0], $0xffff;
	vm11 =	vmor vm4, vm0;
	vm5 =	vmor vm5, vm9;
	vm9 =	veq.f32 v22, v37;
	(pc) =	sbr.rel @!p0 .LBB2_26-.Ltmp17, $4  }
0x1f0: {  	v25 =	vld.idx.msk [tilespmem:v20+s23+$0x0], $0xffff;
	v62 =	vor.u32 s1, v51;
	vm4 =	vgt.f32 v22, v37;
	vm6 =	vmand vm9, vm8  }
0x1f1: {  	v57 =	vld.idx.msk [tilespmem:v59+s23+$0x0], $0xffff;
	vm1 =	vgt.f32 v17, v37;
	vm7 =	vlt.s32 v60, v38;
	vm10 =	veq.f32 v17, v37  }
0x1f2: {  	v59 =	vld.idx.msk [tilespmem:v21+s23+$0x0], $0xffff;
	vm0 =	vmand vm10, vm7;
	vm7 =	veq.f32 v26, v37;
	vm8 =	vgt.f32 v26, v37  }
0x1f3: {  	s7 =	sadd.s32 $0xFFFFFFFF, s0;
	s6 =	simm.s32 $0x0;
	s8 =	simm.s32 $0x0;
	v60 =	vld.idx.msk [tilespmem:v20+s22+$0x0], $0xffff;
	vm0 =	vmor vm1, vm0;
	vm1 =	vgt.f32 v56, v37;
	v56 =	vsel vm11, $0x1, v2  }
.LBB2_27:
0x1f4: {  	p1 =	sne.s32 s7, $0x1;
	s7 =	sadd.s32 $0xFFFFFFFF, s7;
	vm9 =	vlt.s32 v58, v38;
	vm10 =	veq.f32 v61, v37;
	v17 =	vor.u32 s6, v52;
	s8 =	sadd.s32 $0x10, s8  }
0x1f5: {  	vm11 =	vlt.s32 v63, v38;
	vm7 =	vmand vm7, vm9;
	v20 =	vld.idx.msk [tilespmem:v62+s22+$0x0], $0xffff;
	vm9 =	vgt.f32 v61, v37  }
0x1f6: {  	v21 =	vsel vm5, $0x1, v2;
	v23 =	vand.u32 $0xF, v39;
	vm7 =	vmor vm8, vm7;
	v22 =	vld.idx.msk [tilespmem:v62+s23+$0x0], $0xffff  }
0x1f7: {  	v23 =	vor.u32 s6, v23;
	s6 =	smov.u32 s8;
	vm8 =	vmand vm10, vm11;
	vm5 =	vgt.f32 v54, v37;
	v24 =	vld.idx.msk [tilespmem:v55+s23+$0x0], $0xffff  }
0x1f8: {  	v26 =	vsel vm7, $0x1, v2;
	vm8 =	vmor vm9, vm8;
	vm9 =	veq.f32 v60, v37;
	v55 =	vld.idx.msk [tilespmem:v55+s22+$0x0], $0xffff  }
0x1f9: {  	vm11 =	vlt.s32 v57, v38;
	vm7 =	vlt.s32 v59, v38;
	vm10 =	vlt.s32 v25, v38;
	v58 =	vld.idx.msk [tilespmem:v17+s22+$0x0], $0xffff  }
0x1fa: {  	vm6 =	vmor vm4, vm6;
	vm4 =	vgt.f32 v60, v37;
	vm9 =	vmand vm9, vm10;
	v17 =	vld.idx.msk [tilespmem:v17+s23+$0x0], $0xffff  }
0x1fb: {  	vm10 =	vgt.f32 v20, v37;
	vm12 =	veq.f32 v20, v37;
	vm4 =	vmor vm4, vm9  }
0x1fc: {  	vm2 =	vmand vm2, vm11;
	v20 =	vsel vm6, $0x1, v2;
	vm6 =	vlt.s32 v22, v38;
	v22 =	vld.idx.msk [tilespmem:v23+s22+$0x0], $0xffff  }
0x1fd: {  	v25 =	vsel vm3, $0x1, v2;
	vm3 =	vmand vm12, vm6;
	vm6 =	vlt.s32 v24, v38;
	v23 =	vld.idx.msk [tilespmem:v23+s23+$0x0], $0xffff  }
0x1fe: {  	v24 =	vadd.s32 v25, v53;
	vm3 =	vmor vm10, vm3;
	vm9 =	veq.f32 v55, v37  }
0x1ff: {  	v24 =	vadd.s32 v56, v24;
	v25 =	vsel vm3, $0x1, v2;
	vm3 =	vmand vm9, vm6  }
0x200: {  	vm1 =	vmor vm1, vm2;
	v53 =	vsel vm8, $0x1, v2;
	vm6 =	vgt.f32 v55, v37  }
0x201: {  	vm8 =	veq.f32 v54, v37;
	v21 =	vadd.s32 v21, v24;
	vm2 =	vlt.s32 v17, v38  }
0x202: {  	vm9 =	veq.f32 v58, v37;
	v17 =	vadd.s32 v20, v21;
	vm10 =	veq.f32 v22, v37  }
0x203: {  	v20 =	vsel vm4, $0x1, v2;
	v17 =	vadd.s32 v26, v17;
	vm2 =	vmand vm9, vm2  }
0x204: {  	vm3 =	vmor vm6, vm3;
	vm4 =	vgt.f32 v58, v37;
	v17 =	vadd.s32 v25, v17  }
0x205: {  	vm2 =	vmor vm4, vm2;
	v17 =	vadd.s32 v53, v17;
	vm4 =	vlt.s32 v23, v38  }
0x206: {  	v21 =	vsel vm2, $0x1, v2;
	vm2 =	vmand vm10, vm4;
	vm4 =	vmand vm8, vm7  }
0x207: {  	v23 =	vsel vm3, $0x1, v2;
	vm3 =	vgt.f32 v22, v37;
	vm4 =	vmor vm5, vm4  }
0x208: {  	v22 =	vsel vm1, $0x1, v2;
	vm1 =	vmor vm3, vm2  }
0x209: {  	v24 =	vsel vm1, $0x1, v2;
	v25 =	vsel vm4, $0x1, v2  }
0x20a: {  	v26 =	vor.u32 s8, v0;
	v17 =	vadd.s32 v23, v17  }
0x20b: {  	v17 =	vadd.s32 v21, v17  }
0x20c: {  	v21 =	vor.u32 s8, v40;
	v17 =	vadd.s32 v20, v17  }
0x20d: {  	v20 =	vor.u32 s8, v41;
	v17 =	vadd.s32 v22, v17  }
0x20e: {  	v23 =	vsel vm0, $0x1, v2;
	v22 =	vor.u32 s8, v42;
	v17 =	vadd.s32 v24, v17  }
0x20f: {  	v17 =	vadd.s32 v25, v17  }
0x210: {  	v17 =	vadd.s32 v23, v17;
	v24 =	vld.idx.msk [tilespmem:v26+s22+$0x0], $0xffff  }
0x211: {  	v23 =	vld.idx.msk [tilespmem:v21+s23+$0x0], $0xffff  }
0x212: {  	v25 =	vld.idx.msk [tilespmem:v26+s23+$0x0], $0xffff  }
0x213: {  	v26 =	vld.idx.msk [tilespmem:v20+s23+$0x0], $0xffff  }
0x214: {  	v54 =	vor.u32 s8, v45;
	v53 =	vor.u32 s8, v44;
	v21 =	vld.idx.msk [tilespmem:v21+s22+$0x0], $0xffff  }
0x215: {  	v59 =	vor.u32 s8, v16;
	v56 =	vld.idx.msk [tilespmem:v22+s22+$0x0], $0xffff  }
0x216: {  	vm0 =	vgt.f32 v24, v37;
	vm1 =	veq.f32 v24, v37;
	v24 =	vor.u32 s8, v46;
	v20 =	vld.idx.msk [tilespmem:v20+s22+$0x0], $0xffff  }
0x217: {  	vm2 =	vlt.s32 v23, v38;
	v23 =	vor.u32 s8, v43  }
0x218: {  	vm3 =	vlt.s32 v25, v38;
	v25 =	vor.u32 s8, v47;
	v22 =	vld.idx.msk [tilespmem:v22+s23+$0x0], $0xffff  }
0x219: {  	v57 =	vor.u32 s8, v48;
	vm1 =	vmand vm1, vm3;
	v60 =	vld.idx.msk [tilespmem:v54+s22+$0x0], $0xffff  }
0x21a: {  	vm3 =	vlt.s32 v26, v38;
	vm0 =	vmor vm0, vm1;
	v26 =	vld.idx.msk [tilespmem:v53+s22+$0x0], $0xffff  }
0x21b: {  	v27 =	vor.u32 s8, v49;
	v55 =	vsel vm0, $0x1, v2;
	vm0 =	veq.f32 v56, v37;
	v54 =	vld.idx.msk [tilespmem:v54+s23+$0x0], $0xffff  }
0x21c: {  	vm1 =	vgt.f32 v21, v37;
	vm4 =	veq.f32 v21, v37;
	v17 =	vadd.s32 v55, v17;
	v21 =	vld.idx.msk [tilespmem:v53+s23+$0x0], $0xffff  }
0x21d: {  	vm2 =	vmand vm4, vm2;
	vm6 =	vgt.f32 v20, v37;
	v28 =	vld.idx.msk [tilespmem:v23+s22+$0x0], $0xffff  }
0x21e: {  	vm1 =	vmor vm1, vm2;
	v55 =	vor.u32 s8, v50;
	vm2 =	vlt.s32 v22, v38;
	v22 =	vld.idx.msk [tilespmem:v25+s22+$0x0], $0xffff  }
0x21f: {  	v53 =	vsel vm1, $0x1, v2;
	vm0 =	vmand vm0, vm2;
	vm1 =	vgt.f32 v60, v37;
	v58 =	vld.idx.msk [tilespmem:v57+s23+$0x0], $0xffff  }
0x220: {  	v53 =	vadd.s32 v53, v17;
	vm2 =	veq.f32 v26, v37;
	v17 =	vld.idx.msk [tilespmem:v57+s22+$0x0], $0xffff  }
0x221: {  	vm4 =	vgt.f32 v56, v37;
	vm5 =	vgt.f32 v26, v37;
	vm7 =	vlt.s32 v54, v38;
	v25 =	vld.idx.msk [tilespmem:v25+s23+$0x0], $0xffff  }
0x222: {  	vm8 =	veq.f32 v20, v37;
	vm10 =	veq.f32 v60, v37;
	vm9 =	vlt.s32 v21, v38;
	v57 =	vld.idx.msk [tilespmem:v23+s23+$0x0], $0xffff  }
0x223: {  	vm9 =	vmand vm2, vm9;
	vm2 =	veq.f32 v28, v37;
	v61 =	vld.idx.msk [tilespmem:v59+s22+$0x0], $0xffff  }
.Ltmp18:
0x224: {  	vm11 =	vmor vm4, vm0;
	vm0 =	vmand vm10, vm7;
	vm5 =	vmor vm5, vm9;
	v63 =	vld.idx.msk [tilespmem:v59+s23+$0x0], $0xffff;
	(pc) =	sbr.rel @p1 .LBB2_27-.Ltmp18, $4  }
0x225: {  	v62 =	vor.u32 s8, v51;
	vm0 =	vmor vm1, vm0;
	vm9 =	veq.f32 v22, v37;
	v59 =	vld.idx.msk [tilespmem:v24+s23+$0x0], $0xffff  }
0x226: {  	vm1 =	vgt.f32 v28, v37;
	vm4 =	vgt.f32 v22, v37;
	vm7 =	veq.f32 v17, v37;
	v54 =	vld.idx.msk [tilespmem:v24+s22+$0x0], $0xffff  }
0x227: {  	vm3 =	vmand vm8, vm3;
	v56 =	vsel vm11, $0x1, v2;
	vm8 =	vlt.s32 v25, v38;
	v60 =	vld.idx.msk [tilespmem:v27+s22+$0x0], $0xffff  }
0x228: {  	vm3 =	vmor vm6, vm3;
	vm6 =	vmand vm9, vm8;
	vm8 =	vgt.f32 v17, v37;
	v25 =	vld.idx.msk [tilespmem:v27+s23+$0x0], $0xffff  }
.LBB2_28:
0x229: {  	_ = 	snop  }
0x22a: {  	vm9 =	vlt.s32 v58, v38  }
0x22b: {  	vm10 =	veq.f32 v61, v37;
	v17 =	vor.u32 s6, v52;
	vm12 =	vgt.f32 v61, v37  }
0x22c: {  	vm11 =	vlt.s32 v63, v38;
	v21 =	vsel vm5, $0x1, v2;
	v22 =	vand.u32 $0xF, v39  }
0x22d: {  	v20 =	vld.idx.msk [tilespmem:v62+s22+$0x0], $0xffff;
	vm4 =	vmor vm4, vm6;
	vm7 =	vmand vm7, vm9;
	vm13 =	vmand vm10, vm11  }
0x22e: {  	v26 =	vld.idx.msk [tilespmem:v55+s23+$0x0], $0xffff;
	v22 =	vor.u32 s6, v22;
	vm11 =	vlt.s32 v57, v38;
	v57 =	vsel vm3, $0x1, v2  }
0x22f: {  	v55 =	vld.idx.msk [tilespmem:v55+s22+$0x0], $0xffff;
	vm7 =	vmor vm8, vm7;
	vm5 =	vgt.f32 v54, v37;
	vm8 =	vmor vm12, vm13  }
0x230: {  	v23 =	vld.idx.msk [tilespmem:v62+s23+$0x0], $0xffff;
	vm2 =	vmand vm2, vm11;
	v24 =	vsel vm7, $0x1, v2;
	vm14 =	veq.f32 v60, v37  }
0x231: {  	vm7 =	vlt.s32 v59, v38;
	vm6 =	vgt.f32 v60, v37;
	vm1 =	vmor vm1, vm2  }
0x232: {  	v59 =	vsel vm8, $0x1, v2;
	vm15 =	vlt.s32 v25, v38;
	v62 =	vsel vm1, $0x1, v2;
	v27 =	vld.idx.msk [tilespmem:v17+s22+$0x0], $0xffff  }
0x233: {  	vm9 =	vmand vm14, vm15;
	vm10 =	vgt.f32 v20, v37;
	vm12 =	veq.f32 v20, v37;
	v17 =	vld.idx.msk [tilespmem:v17+s23+$0x0], $0xffff  }
0x234: {  	v20 =	vsel vm4, $0x1, v2;
	vm13 =	vlt.s32 v26, v38;
	vm14 =	veq.f32 v55, v37  }
0x235: {  	vm6 =	vmor vm6, vm9;
	vm9 =	vlt.s32 v23, v38;
	v28 =	vld.idx.msk [tilespmem:v22+s22+$0x0], $0xffff;
	v23 =	vadd.s32 v57, v53  }
0x236: {  	vm4 =	vgt.f32 v55, v37;
	vm12 =	vmand vm12, vm9;
	v23 =	vadd.s32 v56, v23  }
0x237: {  	vm3 =	vmor vm10, vm12;
	v21 =	vadd.s32 v21, v23;
	vm12 =	veq.f32 v54, v37  }
0x238: {  	v22 =	vld.idx.msk [tilespmem:v22+s23+$0x0], $0xffff;
	v58 =	vsel vm3, $0x1, v2;
	vm3 =	vmand vm14, vm13;
	vm15 =	vlt.s32 v17, v38  }
0x239: {  	v17 =	vadd.s32 v20, v21;
	vm13 =	veq.f32 v27, v37;
	v20 =	vsel vm6, $0x1, v2  }
0x23a: {  	vm3 =	vmor vm4, vm3;
	vm14 =	veq.f32 v28, v37;
	v17 =	vadd.s32 v24, v17  }
0x23b: {  	vm2 =	vmand vm13, vm15;
	vm15 =	vgt.f32 v27, v37;
	v17 =	vadd.s32 v58, v17  }
0x23c: {  	v60 =	vsel vm3, $0x1, v2;
	vm2 =	vmor vm15, vm2;
	v17 =	vadd.s32 v59, v17  }
0x23d: {  	vm9 =	vlt.s32 v22, v38;
	v61 =	vsel vm2, $0x1, v2;
	v17 =	vadd.s32 v60, v17  }
0x23e: {  	s12 =	sadd.s32 $0x1, s12;
	vm13 =	vgt.f32 v28, v37;
	vm11 =	vmand vm14, vm9;
	v17 =	vadd.s32 v61, v17  }
0x23f: {  	p1 =	sne.s32 s12, s0;
	vm12 =	vmand vm12, vm7;
	vm14 =	vmor vm13, vm11;
	v17 =	vadd.s32 v20, v17  }
.Ltmp19:
0x240: {  	vm15 =	vmor vm5, vm12;
	v20 =	vsel vm14, $0x1, v2;
	v17 =	vadd.s32 v62, v17;
	(pc) =	sbr.rel @p1 .LBB2_25-.Ltmp19, $4  }
0x241: {  	v63 =	vsel vm15, $0x1, v2;
	v17 =	vadd.s32 v20, v17  }
0x242: {  	v20 =	vsel vm0, $0x1, v2;
	v17 =	vadd.s32 v63, v17  }
0x243: {  	v17 =	vadd.s32 v20, v17  }
0x244: {  	[tilespmem:s5+$0x7F80] =	vst v17  }
0x245: {  	s1 =	simm.s32 $0x5F80  }
0x246: {  	v17 =	vld [tilespmem:s1+$0x0];
	_ =	sdelay $0x4  }
0x247: {  	v17 =	vsub.f32 $0.0e+00, v17;
	_ =	sdelay $0x1  }
0x248: {  	v17 =	vmul.f32 $1.442695020e+00, v17;
	_ =	sdelay $0x1  }
0x249: {  	(erf) = vpow2.f32 v17;
	_ =	sdelay $0x2  }
0x24a: {  	s2 =	simm.s32 $0x6F80  }
0x24b: {  	v17 =	vld [tilespmem:s2+$0x0];
	_ =	sdelay $0x4  }
0x24c: {  	v20 =	vcvt.s32.f32 v17;
	v21 =	vpop (erf)  }
0x24d: {  	s5 =	simm.s32 $0x7F80;
	v21 =	vadd.f32 $1.000000000e+00, v21  }
0x24e: {  	v22 =	vld [tilespmem:s5+$0x0];
	v20 =	vadd.f32 $5.000000000e-01, v20  }
0x24f: {  	(erf) = vrcp.f32 v21  }
0x250: {  	v20 =	vmul.f32 $1.250000020e-02, v20;
	_ =	sdelay $0x1  }
0x251: {  	v20 =	vtrunc.f32 v20  }
0x252: {  	vm0 =	vlt.s32 v22, $0x12C;
	v20 =	vcvt.f32.s32 v20  }
0x253: {  	v39 =	vnsel vm0, $0x12C, v22  }
0x254: {  	v58 =	vnsel vm0, $0x0, v20  }
0x255: {  	v59 =	vadd.s32 $0x9C40, v58  }
0x256: {  	v20 =	vmul.u32 $0xFFFFFFB0, v20;
	v23 =	vadd.s32 $0xEA60, v58  }
0x257: {  	v37 =	vld [tilespmem:$0x1C800];
	v24 =	vpop (erf)  }
0x258: {  	v38 =	vld [tilespmem:$0x1C810];
	v17 =	vadd.s32 v17, v20;
	v20 =	vadd.s32 $0x4E20, v58;
	[tilespmem:v39+s24+$0x0] =	vst.idx.msk vm0, v24  }
0x259: {  	[tilespmem:v39+s25+$0x0] =	vst.idx.msk vm0, v17  }
0x25a: {  	v17 =	vld.idx.msk [tilespmem:v59+s11+$0x0], $0xffff  }
0x25b: {  	v60 =	vld.idx.msk [tilespmem:v23+s11+$0x0], $0xffff  }
0x25c: {  	v21 =	vld.idx.msk [tilespmem:v58+s11+$0x0], $0xffff  }
0x25d: {  	v20 =	vld.idx.msk [tilespmem:v20+s11+$0x0], $0xffff;
	_ =	sdelay $0x1  }
0x25e: {  	v17 =	vmul.f32 $5.000000000e-01, v17  }
0x25f: {  	v22 =	vmul.f32 $5.000000000e-01, v60  }
0x260: {  	v61 =	vsub.f32 v21, v17  }
0x261: {  	v24 =	vsub.f32 v20, v22  }
.Ltmp20:
0x262: {  	v17 =	vadd.f32 v17, v21;
	v62 =	vmul.f32 v61, v37;
	(pc) =	sbr.rel @!p0 .LBB2_31-.Ltmp20, $4  }
0x263: {  	v20 =	vadd.f32 v22, v20;
	v63 =	vmul.f32 v24, v38  }
0x264: {  	v17 =	vmul.f32 v17, v37;
	[tilespmem:v39+s26+$0x0] =	vst.idx.msk vm0, v62  }
0x265: {  	v25 =	vmul.f32 v20, v38;
	[tilespmem:v39+s28+$0x0] =	vst.idx.msk vm0, v63  }
0x266: {  	s0 =	sadd.s32 $0xFFFFFFFF, s0;
	[tilespmem:v39+s29+$0x0] =	vst.idx.msk vm0, v17  }
.LBB2_30:
0x267: {  	[tilespmem:v39+s30+$0x0] =	vst.idx.msk vm0, v25;
	s1 =	sadd.s32 $0x10, s1;
	s2 =	sadd.s32 $0x10, s2;
	s5 =	sadd.s32 $0x10, s5  }
0x268: {  	p0 =	sne.s32 s0, $0x1;
	s0 =	sadd.s32 $0xFFFFFFFF, s0;
	v17 =	vld [tilespmem:s1+$0x0];
	_ =	sdelay $0x4  }
0x269: {  	v17 =	vsub.f32 $0.0e+00, v17;
	_ =	sdelay $0x1  }
0x26a: {  	v17 =	vmul.f32 $1.442695020e+00, v17;
	_ =	sdelay $0x1  }
0x26b: {  	(erf) = vpow2.f32 v17;
	_ =	sdelay $0x3  }
0x26c: {  	v17 =	vld [tilespmem:s2+$0x0];
	_ =	sdelay $0x4  }
0x26d: {  	v20 =	vcvt.s32.f32 v17;
	v21 =	vpop (erf)  }
0x26e: {  	v21 =	vadd.f32 $1.000000000e+00, v21  }
0x26f: {  	v22 =	vld [tilespmem:s5+$0x0];
	v20 =	vadd.f32 $5.000000000e-01, v20  }
0x270: {  	(erf) = vrcp.f32 v21  }
0x271: {  	v20 =	vmul.f32 $1.250000020e-02, v20;
	_ =	sdelay $0x1  }
0x272: {  	v20 =	vtrunc.f32 v20  }
0x273: {  	vm0 =	vlt.s32 v22, $0x12C;
	v20 =	vcvt.f32.s32 v20  }
0x274: {  	v39 =	vnsel vm0, $0x12C, v22  }
0x275: {  	v21 =	vmul.u32 $0xFFFFFFB0, v20;
	v20 =	vnsel vm0, $0x0, v20  }
0x276: {  	v22 =	vadd.s32 $0x9C40, v20  }
0x277: {  	v17 =	vadd.s32 v17, v21;
	v21 =	vadd.s32 $0xEA60, v20  }
0x278: {  	v23 =	vpop (erf)  }
0x279: {  	[tilespmem:v39+s24+$0x0] =	vst.idx.msk vm0, v23;
	v23 =	vadd.s32 $0x4E20, v20  }
0x27a: {  	[tilespmem:v39+s25+$0x0] =	vst.idx.msk vm0, v17  }
0x27b: {  	v17 =	vld.idx.msk [tilespmem:v22+s11+$0x0], $0xffff  }
0x27c: {  	v21 =	vld.idx.msk [tilespmem:v21+s11+$0x0], $0xffff  }
0x27d: {  	v20 =	vld.idx.msk [tilespmem:v20+s11+$0x0], $0xffff  }
0x27e: {  	v22 =	vld.idx.msk [tilespmem:v23+s11+$0x0], $0xffff;
	_ =	sdelay $0x2  }
0x27f: {  	v17 =	vmul.f32 $5.000000000e-01, v17  }
0x280: {  	v21 =	vmul.f32 $5.000000000e-01, v21  }
0x281: {  	v23 =	vsub.f32 v20, v17;
	v17 =	vadd.f32 v17, v20  }
0x282: {  	v20 =	vsub.f32 v22, v21;
	v21 =	vadd.f32 v21, v22  }
.Ltmp21:
0x283: {  	v22 =	vmul.f32 v23, v37;
	(pc) =	sbr.rel @p0 .LBB2_30-.Ltmp21, $4  }
0x284: {  	v20 =	vmul.f32 v20, v38  }
0x285: {  	v17 =	vmul.f32 v17, v37;
	[tilespmem:v39+s26+$0x0] =	vst.idx.msk vm0, v22  }
0x286: {  	v25 =	vmul.f32 v21, v38;
	[tilespmem:v39+s28+$0x0] =	vst.idx.msk vm0, v20  }
0x287: {  	[tilespmem:v39+s29+$0x0] =	vst.idx.msk vm0, v17  }
.Ltmp22:
0x288: {  	_ = 	snop;
	(pc) =	sbr.rel .LBB2_31-.Ltmp22, $1  }
0x289: {  	_ =	sdelay $0x3  }
.LBB2_18:
.Ltmp23:
0x28a: {  	(pc) =	sbr.rel .LBB2_23-.Ltmp23, $2  }
0x28b: {  	_ =	sdelay $0x2  }
0x28c: {  	s5 =	simm.s32 $0x3F90;
	s9 =	simm.s32 $0x1F90  }
.LBB2_20:
.Ltmp24:
0x28d: {  	(pc) =	sbr.rel .LBB2_23-.Ltmp24, $2  }
0x28e: {  	_ =	sdelay $0x2  }
0x28f: {  	s5 =	simm.s32 $0x3F90;
	s9 =	simm.s32 $0x1F90;
	s6 =	simm.s32 $0x1  }
.LBB2_33:
0x290: {  	_ =	sfence.sel $0x180000  }
0x291: {  	[bflag:$0x0] =	sbarrier.arrive $0xFFFF  }
0x292: {  	_ =	strace $0x90000047  }
0x293: {  	s0 =	stileid.u32;
	[bflag:$0x2] =	sbarrier.arrive $0xFFFF  }
0x294: {  	p0 =	sne.s32 s0, $0x0;
	s0 =	rddreg [dreg:$0x4]  }
0x295: {  	s0 =	sadd.s32 @!p0 $0x100000, s0  }
0x296: {  	[sflag:s0] =	ssyncadd.tile.s32 @!p0 $0x1;
	_ =	shalt  }
.Lfunc_end2:
_tile_overlayer_lowered:
.L_overlay_start_2:
0x297: {  	(tag) =	ssettag $0x2  }
0x298: {  	s0 =	rddreg [dreg:$0x0];
	s2 =	stileid.u32  }
0x299: {  	s1 =	rddreg [dreg:$0x1];
	p0 =	sne.s32 s2, $0x0  }
0x29a: {  	s3 =	rddreg [dreg:$0x2];
	[bflag:$0x3] =	sbarrier.arrive $0xFFFF;
	s2 =	simm.s32 @!p0 $0x1C02  }
0x29b: {  	[timem:s3], [sflag:s2] =	dma.local @!p0 [hbm:s0], s1  }
0x29c: {  	s0 =	simm.s32 @!p0 $0x2  }
0x29d: {  	_ =	swait.ge @!p0 [sflag:s0], s1  }
0x29e: {  	s1 =	ssub.s32 @!p0 $0x0, s1;
	[sflag:s0] =	ssyncset.done @!p0 $0x0  }
0x29f: {  	[sflag:s0] =	ssyncadd.s32 @!p0 s1  }
0x2a0: {  	[bflag:$0x3] =	sbarrier.arrive $0xFFFF  }
0x2a1: {  	_ =	shalt  }

</sc_bundles>
